<compile_context>
chip_gen: v7x
topology: tpu7x:2x2x1
jax: 0.10.2.dev20260603
libtpu: 0.0.44.dev20260713+nightly
codegen_flags: <defaults>
</compile_context>

<pallas_src>
import functools

import jax
import jax.numpy as jnp
from jax import lax
from jax.experimental import pallas as pl
from jax.experimental.pallas import tpu as pltpu
from jax.experimental.pallas import tpu_sc as plsc

N_NODES = 10000
N_EDGES = 320000
FEATS = 128

C_ROWS = 10016
C_FLAT = C_ROWS * 16

BA = 8000
NBLK_A = N_EDGES // BA


def _sums_body(x_ref, dst_ref, w_ref, z_ref, sums_acc, cnt_acc):
    i = pl.program_id(0)

    @pl.when(i == 0)
    def _():
        sums_acc[...] = jnp.zeros((16, FEATS), jnp.float32)
        cnt_acc[...] = jnp.zeros((16, FEATS), jnp.float32)

    d = dst_ref[0]
    oh = (lax.broadcasted_iota(jnp.int32, (16, BA), 0) == d).astype(jnp.float32)
    sums_acc[...] += lax.dot_general(
        oh, x_ref[...], (((1,), (0,)), ((), ())),
        preferred_element_type=jnp.float32)
    cnt_acc[...] += jnp.broadcast_to(
        jnp.sum(oh, axis=1, keepdims=True), (16, FEATS))

    @pl.when(i == NBLK_A - 1)
    def _():
        nh = sums_acc[...] / jnp.maximum(cnt_acc[...], 1.0)
        row = lax.broadcasted_iota(jnp.int32, (16, FEATS), 0)
        nh = jnp.where(row < 14, nh, 0.0)
        z_ref[...] = 0.5 * lax.dot_general(
            nh, w_ref[...], (((1,), (1,)), ((), ())),
            preferred_element_type=jnp.float32)


_sums_call = pl.pallas_call(
    _sums_body,
    grid=(NBLK_A,),
    in_specs=[
        pl.BlockSpec((BA, FEATS), lambda i: (i, 0)),
        pl.BlockSpec((1, 1, BA), lambda i: (i, 0, 0)),
        pl.BlockSpec((FEATS, FEATS), lambda i: (0, 0)),
    ],
    out_specs=pl.BlockSpec((16, FEATS), lambda i: (0, 0)),
    out_shape=jax.ShapeDtypeStruct((16, FEATS), jnp.float32),
    scratch_shapes=[
        pltpu.VMEM((16, FEATS), jnp.float32),
        pltpu.VMEM((16, FEATS), jnp.float32),
    ],
)

EB = N_EDGES // 16
EB_PAD = 20096
NCH_B = EB_PAD // 128
SLICE_B = C_FLAT // 16


def _scatter_body(src_hbm, dst_hbm, c_hbm, src_v, dst_v, idx_v, ones_v,
                  wbuf_v, c_sp, sem):
    w = lax.axis_index("s")
    base = w * EB

    pltpu.async_copy(src_hbm.at[pl.ds(base, EB)], src_v.at[pl.ds(0, EB)],
                     sem).wait()
    pltpu.async_copy(dst_hbm.at[pl.ds(base, EB)], dst_v.at[pl.ds(0, EB)],
                     sem).wait()
    for k in range(6):
        src_v[pl.ds(EB + k * 16, 16)] = jnp.full((16,), 15, jnp.int32)
        dst_v[pl.ds(EB + k * 16, 16)] = jnp.full((16,), C_ROWS - 1, jnp.int32)

    for k in range(8):
        ones_v[pl.ds(k * 16, 16)] = jnp.ones((16,), jnp.float32)

    def zero_body(i, c):
        wbuf_v[pl.ds(i * 16, 16)] = jnp.zeros((16,), jnp.float32)
        return c
    lax.fori_loop(0, SLICE_B // 16, zero_body, 0)
    pltpu.sync_copy(wbuf_v, c_sp.at[pl.ds(w * SLICE_B, SLICE_B)])
    plsc.subcore_barrier()

    def idx_body(j, c):
        for k in range(8):
            p = j * 128 + k * 16
            s = src_v[pl.ds(p, 16)]
            d = dst_v[pl.ds(p, 16)]
            s = jnp.minimum(jnp.maximum(s, 0), 15)
            d = jnp.minimum(jnp.maximum(d, 0), C_ROWS - 1)
            idx_v[j, pl.ds(k * 16, 16)] = d * 16 + s
        return c
    lax.fori_loop(0, NCH_B, idx_body, 0)

    def sc_body(j, c):
        pltpu.sync_copy(ones_v, c_sp.at[idx_v.at[j]], add=True)
        return c
    lax.fori_loop(0, NCH_B, sc_body, 0)
    plsc.subcore_barrier()

    pltpu.sync_copy(c_sp.at[pl.ds(w * SLICE_B, SLICE_B)], wbuf_v)
    pltpu.sync_copy(wbuf_v, c_hbm.at[pl.ds(w * SLICE_B, SLICE_B)])


@functools.cache
def _scatter_call():
    return pl.kernel(
        _scatter_body,
        out_type=jax.ShapeDtypeStruct((C_FLAT,), jnp.float32),
        mesh=plsc.VectorSubcoreMesh(core_axis_name="c", subcore_axis_name="s",
                                    num_cores=1),
        scratch_types=[
            pltpu.VMEM((EB_PAD,), jnp.int32),
            pltpu.VMEM((EB_PAD,), jnp.int32),
            pltpu.VMEM((NCH_B, 128), jnp.int32),
            pltpu.VMEM((128,), jnp.float32),
            pltpu.VMEM((SLICE_B,), jnp.float32),
            pltpu.VMEM_SHARED((C_FLAT,), jnp.float32),
            pltpu.SemaphoreType.DMA,
        ],
    )



def _y_body(c_ref, z_ref, b_ref, y_ref):
    y_ref[...] = lax.dot_general(
        c_ref[...], z_ref[...], (((1,), (0,)), ((), ())),
        preferred_element_type=jnp.float32) + 0.5 * b_ref[...]


_y_call = pl.pallas_call(
    _y_body,
    grid=(1,),
    in_specs=[
        pl.BlockSpec((C_ROWS, 16), lambda i: (0, 0)),
        pl.BlockSpec((16, FEATS), lambda i: (0, 0)),
        pl.BlockSpec((1, FEATS), lambda i: (0, 0)),
    ],
    out_specs=pl.BlockSpec((C_ROWS, FEATS), lambda i: (0, 0)),
    out_shape=jax.ShapeDtypeStruct((C_ROWS, FEATS), jnp.float32),
)

EC = N_EDGES // 32
EC_PAD = 10112
NCH = EC_PAD // 128
REM_C = EC - (NCH - 1) * 128


def _gadd_body(y_hbm, src_hbm, dst_hbm, out_hbm, idx_s, idx_d,
               rs0, rd0, rs1, rd1, rs2, rd2, sem0, sem1, sem2,
               wsem0, wsem1, wsem2):
    w = lax.axis_index("s") * 2 + lax.axis_index("c")
    base = w * EC
    rs = (rs0, rs1, rs2)
    rd = (rd0, rd1, rd2)
    sems = (sem0, sem1, sem2)
    wsems = (wsem0, wsem1, wsem2)

    pltpu.async_copy(src_hbm.at[pl.ds(base, EC)], idx_s.at[pl.ds(0, EC)],
                     sem0).wait()
    pltpu.async_copy(dst_hbm.at[pl.ds(base, EC)], idx_d.at[pl.ds(0, EC)],
                     sem0).wait()
    for k in range((EC_PAD - EC) // 16):
        idx_s[pl.ds(EC + k * 16, 16)] = jnp.zeros((16,), jnp.int32)
        idx_d[pl.ds(EC + k * 16, 16)] = jnp.zeros((16,), jnp.int32)

    def fire(c, p):
        pltpu.async_copy(y_hbm.at[idx_s.at[pl.ds(c * 128, 128)]], rs[p],
                         sems[p])
        pltpu.async_copy(y_hbm.at[idx_d.at[pl.ds(c * 128, 128)]], rd[p],
                         sems[p])

    def drain(p):
        pltpu.make_async_copy(y_hbm.at[pl.ds(0, 128)], rs[p], sems[p]).wait()
        pltpu.make_async_copy(y_hbm.at[pl.ds(0, 128)], rd[p], sems[p]).wait()

    def add_rows(p):
        @plsc.parallel_loop(0, 128, 1, unroll=4)
        def _(i):
            for k in range(FEATS // 16):
                sl = pl.ds(k * 16, 16)
                rs[p][i, sl] = rs[p][i, sl] + rd[p][i, sl]

    fire(0, 0)
    fire(1, 1)

    def wdrain(p):
        pltpu.make_async_copy(rs[p], out_hbm.at[pl.ds(base, 128)],
                              wsems[p]).wait()

    def loop_body(t, carry):
        for i in range(3):
            c = 3 * t + i
            drain(i)

            @pl.when(c + 2 <= NCH - 1)
            def _():
                @pl.when(c >= 1)
                def _():
                    wdrain((i + 2) % 3)
                fire(c + 2, (i + 2) % 3)
            add_rows(i)
            pltpu.async_copy(rs[i], out_hbm.at[pl.ds(base + c * 128, 128)],
                             wsems[i])
        return carry
    lax.fori_loop(0, (NCH - 1) // 3, loop_body, 0)

    wdrain(1)
    wdrain(2)

    drain(0)
    add_rows(0)
    pltpu.sync_copy(rs[0].at[pl.ds(0, REM_C)],
                    out_hbm.at[pl.ds(base + (NCH - 1) * 128, REM_C)])


@functools.cache
def _gadd_call():
    return pl.kernel(
        _gadd_body,
        out_type=jax.ShapeDtypeStruct((N_EDGES, FEATS), jnp.float32),
        mesh=plsc.VectorSubcoreMesh(core_axis_name="c", subcore_axis_name="s"),
        scratch_types=[
            pltpu.VMEM((EC_PAD,), jnp.int32),
            pltpu.VMEM((EC_PAD,), jnp.int32),
            pltpu.VMEM((128, FEATS), jnp.float32),
            pltpu.VMEM((128, FEATS), jnp.float32),
            pltpu.VMEM((128, FEATS), jnp.float32),
            pltpu.VMEM((128, FEATS), jnp.float32),
            pltpu.VMEM((128, FEATS), jnp.float32),
            pltpu.VMEM((128, FEATS), jnp.float32),
            pltpu.SemaphoreType.DMA,
            pltpu.SemaphoreType.DMA,
            pltpu.SemaphoreType.DMA,
            pltpu.SemaphoreType.DMA,
            pltpu.SemaphoreType.DMA,
            pltpu.SemaphoreType.DMA,
        ],
    )


def kernel(inputs, edge_index, W, b):
    src = edge_index[0]
    dst = edge_index[1]
    dst3d = dst.reshape(NBLK_A, 1, BA)
    z = _sums_call(inputs, dst3d, W)
    c_flat = _scatter_call()(src, dst)
    y = _y_call(c_flat.reshape(C_ROWS, 16), z, b.reshape(1, FEATS))
    return _gadd_call()(y, src, dst)

# --- scband reference (transcript-rebuilt; emitter-appended) ---
"""Pipeline reference for scband-gcnlayer-32229434589582 (READ-ONLY COPY).

The authoritative reference and input builder live on the scoring server;
editing this copy changes nothing except your own understanding.
"""

import jax, jax.numpy as jnp
import numpy as np

N_NODES = 10000
N_EDGES = 320000
IN_FEATS = 128
OUT_FEATS = 128

def setup_inputs(seed: int = 0) -> dict:
    key = jax.random.key(seed)
    k1, k2, k3, k4 = jax.random.split(key, 4)
    inputs = jax.random.normal(k1, (N_EDGES, IN_FEATS), dtype=jnp.float32)
    edge_index = jax.random.randint(k2, (2, N_EDGES), 0, N_NODES, dtype=jnp.int32)
    W = jax.random.normal(k3, (OUT_FEATS, IN_FEATS), dtype=jnp.float32) * (1.0 / np.sqrt(IN_FEATS))
    b = jax.random.normal(k4, (OUT_FEATS,), dtype=jnp.float32) * 0.01
    return {"inputs": inputs, "edge_index": edge_index, "W": W, "b": b}

def reference(inputs, edge_index, W, b):
    src = edge_index[0]
    dst = edge_index[1]
    E = inputs.shape[0]
    # Step 1: for nodes 0..13, node feature = mean over edge features of in-edges (dst == i);
    # all other nodes get zero-initialized features (DGL subset-assignment semantics).
    sums = jax.ops.segment_sum(inputs, dst, num_segments=N_NODES)
    counts = jax.ops.segment_sum(jnp.ones((E,), dtype=inputs.dtype), dst, num_segments=N_NODES)
    means = sums / jnp.maximum(counts, 1.0)[:, None]
    mask = (jnp.arange(N_NODES) < 14)[:, None]
    node_h = jnp.where(mask, means, jnp.zeros_like(means))
    # Step 2: update_all(gcn_message, gcn_reduce): h[dst] = sum over in-edges of h[src]
    new_h = jax.ops.segment_sum(node_h[src], dst, num_segments=N_NODES)
    # Step 3: per-edge feature = mean(h[src], h[dst])
    edge_h = (new_h[src] + new_h[dst]) * 0.5
    # Step 4: linear layer on edge features
    return edge_h @ W.T + b

if __name__ == "__main__":
    import jax
    _d = setup_inputs()
    print(jax.jit(kernel)(*tuple(_d.values())))

</pallas_src>

<mosaic_0001>
#map = affine_map<(d0, d1) -> (0, 0)>
#map1 = affine_map<(d0, d1) -> (0)>
module attributes {stable_mosaic.version = 14 : i64} {
  func.func @_gadd_body(%arg0: i32, %arg1: i32, %arg2: memref<10016x128xf32, #tpu.memory_space<hbm>>, %arg3: memref<320000xi32, #tpu.memory_space<hbm>>, %arg4: memref<320000xi32, #tpu.memory_space<hbm>>, %arg5: memref<320000x128xf32, #tpu.memory_space<hbm>>, %arg6: memref<10112xi32, #tpu.memory_space<vmem>>, %arg7: memref<10112xi32, #tpu.memory_space<vmem>>, %arg8: memref<128x128xf32, #tpu.memory_space<vmem>>, %arg9: memref<128x128xf32, #tpu.memory_space<vmem>>, %arg10: memref<128x128xf32, #tpu.memory_space<vmem>>, %arg11: memref<128x128xf32, #tpu.memory_space<vmem>>, %arg12: memref<128x128xf32, #tpu.memory_space<vmem>>, %arg13: memref<128x128xf32, #tpu.memory_space<vmem>>, %arg14: memref<!tpu.dma_semaphore, #tpu.memory_space<semaphore_mem>>, %arg15: memref<!tpu.dma_semaphore, #tpu.memory_space<semaphore_mem>>, %arg16: memref<!tpu.dma_semaphore, #tpu.memory_space<semaphore_mem>>, %arg17: memref<!tpu.dma_semaphore, #tpu.memory_space<semaphore_mem>>, %arg18: memref<!tpu.dma_semaphore, #tpu.memory_space<semaphore_mem>>, %arg19: memref<!tpu.dma_semaphore, #tpu.memory_space<semaphore_mem>>) attributes {dimension_semantics = [#tpu.dimension_semantics<core_parallel>, #tpu.dimension_semantics<subcore_parallel>], iteration_bounds = array<i64: 2, 16>, scalar_prefetch = 0 : i64, scratch_operands = 14 : i64, tpu.core_type = #tpu.core_type<sc_vector_subcore>, window_params = [{transform_indices = #map}, {transform_indices = #map1}, {transform_indices = #map1}, {transform_indices = #map}]} {
    %mul3A = arith.constant 2 : i32
    %mul3A_0 = arith.muli %arg1, %mul3A : i32
    %add3A = arith.addi %mul3A_0, %arg0 : i32
    %mul3A_1 = arith.constant 10000 : i32
    %mul3A_2 = arith.muli %add3A, %mul3A_1 : i32
    %dma_start3A = arith.constant 0 : i32
    %dma_start3A_3 = tpu.memref_slice %arg6[%dma_start3A] : memref<10112xi32, #tpu.memory_space<vmem>> -> memref<10000xi32, #tpu.memory_space<vmem>>
    %dma_start3A_4 = tpu.memref_slice %arg3[%mul3A_2] : memref<320000xi32, #tpu.memory_space<hbm>> -> memref<10000xi32, #tpu.memory_space<hbm>>
    %dma_start3A_5 = arith.constant 0 : i32
    %dma_start3A_6 = tpu.memref_slice %arg6[%dma_start3A_5] : memref<10112xi32, #tpu.memory_space<vmem>> -> memref<10000xi32, #tpu.memory_space<vmem>>
    %dma_start3A_7 = tpu.memref_slice %arg3[%mul3A_2] : memref<320000xi32, #tpu.memory_space<hbm>> -> memref<10000xi32, #tpu.memory_space<hbm>>
    tpu.enqueue_dma source(%dma_start3A_7 : memref<10000xi32, #tpu.memory_space<hbm>>) target(%dma_start3A_6 : memref<10000xi32, #tpu.memory_space<vmem>>) target_semaphore(%arg14 : memref<!tpu.dma_semaphore, #tpu.memory_space<semaphore_mem>>)
    %dma_wait3A = arith.constant 0 : i32
    %dma_wait3A_8 = tpu.memref_slice %arg6[%dma_wait3A] : memref<10112xi32, #tpu.memory_space<vmem>> -> memref<10000xi32, #tpu.memory_space<vmem>>
    %dma_wait3A_9 = tpu.memref_slice %arg3[%mul3A_2] : memref<320000xi32, #tpu.memory_space<hbm>> -> memref<10000xi32, #tpu.memory_space<hbm>>
    %dma_wait3A_10 = arith.constant 0 : i32
    %dma_wait3A_11 = tpu.memref_slice %arg6[%dma_wait3A_10] : memref<10112xi32, #tpu.memory_space<vmem>> -> memref<10000xi32, #tpu.memory_space<vmem>>
    %dma_wait3A_12 = tpu.memref_slice %arg3[%mul3A_2] : memref<320000xi32, #tpu.memory_space<hbm>> -> memref<10000xi32, #tpu.memory_space<hbm>>
    tpu.wait_dma2 semaphore(%arg14 : memref<!tpu.dma_semaphore, #tpu.memory_space<semaphore_mem>>) src(%dma_wait3A_12 : memref<10000xi32, #tpu.memory_space<hbm>>) dst(%dma_wait3A_11 : memref<10000xi32, #tpu.memory_space<vmem>>)
    %dma_start3A_13 = arith.constant 0 : i32
    %dma_start3A_14 = tpu.memref_slice %arg7[%dma_start3A_13] : memref<10112xi32, #tpu.memory_space<vmem>> -> memref<10000xi32, #tpu.memory_space<vmem>>
    %dma_start3A_15 = tpu.memref_slice %arg4[%mul3A_2] : memref<320000xi32, #tpu.memory_space<hbm>> -> memref<10000xi32, #tpu.memory_space<hbm>>
    %dma_start3A_16 = arith.constant 0 : i32
    %dma_start3A_17 = tpu.memref_slice %arg7[%dma_start3A_16] : memref<10112xi32, #tpu.memory_space<vmem>> -> memref<10000xi32, #tpu.memory_space<vmem>>
    %dma_start3A_18 = tpu.memref_slice %arg4[%mul3A_2] : memref<320000xi32, #tpu.memory_space<hbm>> -> memref<10000xi32, #tpu.memory_space<hbm>>
    tpu.enqueue_dma source(%dma_start3A_18 : memref<10000xi32, #tpu.memory_space<hbm>>) target(%dma_start3A_17 : memref<10000xi32, #tpu.memory_space<vmem>>) target_semaphore(%arg14 : memref<!tpu.dma_semaphore, #tpu.memory_space<semaphore_mem>>)
    %dma_wait3A_19 = arith.constant 0 : i32
    %dma_wait3A_20 = tpu.memref_slice %arg7[%dma_wait3A_19] : memref<10112xi32, #tpu.memory_space<vmem>> -> memref<10000xi32, #tpu.memory_space<vmem>>
    %dma_wait3A_21 = tpu.memref_slice %arg4[%mul3A_2] : memref<320000xi32, #tpu.memory_space<hbm>> -> memref<10000xi32, #tpu.memory_space<hbm>>
    %dma_wait3A_22 = arith.constant 0 : i32
    %dma_wait3A_23 = tpu.memref_slice %arg7[%dma_wait3A_22] : memref<10112xi32, #tpu.memory_space<vmem>> -> memref<10000xi32, #tpu.memory_space<vmem>>
    %dma_wait3A_24 = tpu.memref_slice %arg4[%mul3A_2] : memref<320000xi32, #tpu.memory_space<hbm>> -> memref<10000xi32, #tpu.memory_space<hbm>>
    tpu.wait_dma2 semaphore(%arg14 : memref<!tpu.dma_semaphore, #tpu.memory_space<semaphore_mem>>) src(%dma_wait3A_24 : memref<10000xi32, #tpu.memory_space<hbm>>) dst(%dma_wait3A_23 : memref<10000xi32, #tpu.memory_space<vmem>>)
    %broadcast_in_dim3A = arith.constant 0 : i32
    %broadcast_in_dim3A_25 = vector.broadcast %broadcast_in_dim3A : i32 to vector<16xi32>
    %swap3A = arith.constant 10000 : index
    %swap3A_26 = tpu.vector_load %arg6[%swap3A] {strides = array<i32>} : memref<10112xi32, #tpu.memory_space<vmem>>, vector<16xi32>,
    %swap3A_27 = vector.shape_cast %swap3A_26 : vector<16xi32> to vector<16xi32>
    %swap3A_28 = vector.shape_cast %broadcast_in_dim3A_25 : vector<16xi32> to vector<16xi32>
    tpu.vector_store %arg6[%swap3A], %swap3A_28 {strides = array<i32>} : memref<10112xi32, #tpu.memory_space<vmem>>, vector<16xi32>,
    %broadcast_in_dim3A_29 = arith.constant 0 : i32
    %broadcast_in_dim3A_30 = vector.broadcast %broadcast_in_dim3A_29 : i32 to vector<16xi32>
    %swap3A_31 = arith.constant 10000 : index
    %swap3A_32 = tpu.vector_load %arg7[%swap3A_31] {strides = array<i32>} : memref<10112xi32, #tpu.memory_space<vmem>>, vector<16xi32>,
    %swap3A_33 = vector.shape_cast %swap3A_32 : vector<16xi32> to vector<16xi32>
    %swap3A_34 = vector.shape_cast %broadcast_in_dim3A_30 : vector<16xi32> to vector<16xi32>
    tpu.vector_store %arg7[%swap3A_31], %swap3A_34 {strides = array<i32>} : memref<10112xi32, #tpu.memory_space<vmem>>, vector<16xi32>,
    %broadcast_in_dim3A_35 = arith.constant 0 : i32
    %broadcast_in_dim3A_36 = vector.broadcast %broadcast_in_dim3A_35 : i32 to vector<16xi32>
    %swap3A_37 = arith.constant 10016 : index
    %swap3A_38 = tpu.vector_load %arg6[%swap3A_37] {strides = array<i32>} : memref<10112xi32, #tpu.memory_space<vmem>>, vector<16xi32>,
    %swap3A_39 = vector.shape_cast %swap3A_38 : vector<16xi32> to vector<16xi32>
    %swap3A_40 = vector.shape_cast %broadcast_in_dim3A_36 : vector<16xi32> to vector<16xi32>
    tpu.vector_store %arg6[%swap3A_37], %swap3A_40 {strides = array<i32>} : memref<10112xi32, #tpu.memory_space<vmem>>, vector<16xi32>,
    %broadcast_in_dim3A_41 = arith.constant 0 : i32
    %broadcast_in_dim3A_42 = vector.broadcast %broadcast_in_dim3A_41 : i32 to vector<16xi32>
    %swap3A_43 = arith.constant 10016 : index
    %swap3A_44 = tpu.vector_load %arg7[%swap3A_43] {strides = array<i32>} : memref<10112xi32, #tpu.memory_space<vmem>>, vector<16xi32>,
    %swap3A_45 = vector.shape_cast %swap3A_44 : vector<16xi32> to vector<16xi32>
    %swap3A_46 = vector.shape_cast %broadcast_in_dim3A_42 : vector<16xi32> to vector<16xi32>
    tpu.vector_store %arg7[%swap3A_43], %swap3A_46 {strides = array<i32>} : memref<10112xi32, #tpu.memory_space<vmem>>, vector<16xi32>,
    %broadcast_in_dim3A_47 = arith.constant 0 : i32
    %broadcast_in_dim3A_48 = vector.broadcast %broadcast_in_dim3A_47 : i32 to vector<16xi32>
    %swap3A_49 = arith.constant 10032 : index
    %swap3A_50 = tpu.vector_load %arg6[%swap3A_49] {strides = array<i32>} : memref<10112xi32, #tpu.memory_space<vmem>>, vector<16xi32>,
    %swap3A_51 = vector.shape_cast %swap3A_50 : vector<16xi32> to vector<16xi32>
    %swap3A_52 = vector.shape_cast %broadcast_in_dim3A_48 : vector<16xi32> to vector<16xi32>
    tpu.vector_store %arg6[%swap3A_49], %swap3A_52 {strides = array<i32>} : memref<10112xi32, #tpu.memory_space<vmem>>, vector<16xi32>,
    %broadcast_in_dim3A_53 = arith.constant 0 : i32
    %broadcast_in_dim3A_54 = vector.broadcast %broadcast_in_dim3A_53 : i32 to vector<16xi32>
    %swap3A_55 = arith.constant 10032 : index
    %swap3A_56 = tpu.vector_load %arg7[%swap3A_55] {strides = array<i32>} : memref<10112xi32, #tpu.memory_space<vmem>>, vector<16xi32>,
    %swap3A_57 = vector.shape_cast %swap3A_56 : vector<16xi32> to vector<16xi32>
    %swap3A_58 = vector.shape_cast %broadcast_in_dim3A_54 : vector<16xi32> to vector<16xi32>
    tpu.vector_store %arg7[%swap3A_55], %swap3A_58 {strides = array<i32>} : memref<10112xi32, #tpu.memory_space<vmem>>, vector<16xi32>,
    %broadcast_in_dim3A_59 = arith.constant 0 : i32
    %broadcast_in_dim3A_60 = vector.broadcast %broadcast_in_dim3A_59 : i32 to vector<16xi32>
    %swap3A_61 = arith.constant 10048 : index
    %swap3A_62 = tpu.vector_load %arg6[%swap3A_61] {strides = array<i32>} : memref<10112xi32, #tpu.memory_space<vmem>>, vector<16xi32>,
    %swap3A_63 = vector.shape_cast %swap3A_62 : vector<16xi32> to vector<16xi32>
    %swap3A_64 = vector.shape_cast %broadcast_in_dim3A_60 : vector<16xi32> to vector<16xi32>
    tpu.vector_store %arg6[%swap3A_61], %swap3A_64 {strides = array<i32>} : memref<10112xi32, #tpu.memory_space<vmem>>, vector<16xi32>,
    %broadcast_in_dim3A_65 = arith.constant 0 : i32
    %broadcast_in_dim3A_66 = vector.broadcast %broadcast_in_dim3A_65 : i32 to vector<16xi32>
    %swap3A_67 = arith.constant 10048 : index
    %swap3A_68 = tpu.vector_load %arg7[%swap3A_67] {strides = array<i32>} : memref<10112xi32, #tpu.memory_space<vmem>>, vector<16xi32>,
    %swap3A_69 = vector.shape_cast %swap3A_68 : vector<16xi32> to vector<16xi32>
    %swap3A_70 = vector.shape_cast %broadcast_in_dim3A_66 : vector<16xi32> to vector<16xi32>
    tpu.vector_store %arg7[%swap3A_67], %swap3A_70 {strides = array<i32>} : memref<10112xi32, #tpu.memory_space<vmem>>, vector<16xi32>,
    %broadcast_in_dim3A_71 = arith.constant 0 : i32
    %broadcast_in_dim3A_72 = vector.broadcast %broadcast_in_dim3A_71 : i32 to vector<16xi32>
    %swap3A_73 = arith.constant 10064 : index
    %swap3A_74 = tpu.vector_load %arg6[%swap3A_73] {strides = array<i32>} : memref<10112xi32, #tpu.memory_space<vmem>>, vector<16xi32>,
    %swap3A_75 = vector.shape_cast %swap3A_74 : vector<16xi32> to vector<16xi32>
    %swap3A_76 = vector.shape_cast %broadcast_in_dim3A_72 : vector<16xi32> to vector<16xi32>
    tpu.vector_store %arg6[%swap3A_73], %swap3A_76 {strides = array<i32>} : memref<10112xi32, #tpu.memory_space<vmem>>, vector<16xi32>,
    %broadcast_in_dim3A_77 = arith.constant 0 : i32
    %broadcast_in_dim3A_78 = vector.broadcast %broadcast_in_dim3A_77 : i32 to vector<16xi32>
    %swap3A_79 = arith.constant 10064 : index
    %swap3A_80 = tpu.vector_load %arg7[%swap3A_79] {strides = array<i32>} : memref<10112xi32, #tpu.memory_space<vmem>>, vector<16xi32>,
    %swap3A_81 = vector.shape_cast %swap3A_80 : vector<16xi32> to vector<16xi32>
    %swap3A_82 = vector.shape_cast %broadcast_in_dim3A_78 : vector<16xi32> to vector<16xi32>
    tpu.vector_store %arg7[%swap3A_79], %swap3A_82 {strides = array<i32>} : memref<10112xi32, #tpu.memory_space<vmem>>, vector<16xi32>,
    %broadcast_in_dim3A_83 = arith.constant 0 : i32
    %broadcast_in_dim3A_84 = vector.broadcast %broadcast_in_dim3A_83 : i32 to vector<16xi32>
    %swap3A_85 = arith.constant 10080 : index
    %swap3A_86 = tpu.vector_load %arg6[%swap3A_85] {strides = array<i32>} : memref<10112xi32, #tpu.memory_space<vmem>>, vector<16xi32>,
    %swap3A_87 = vector.shape_cast %swap3A_86 : vector<16xi32> to vector<16xi32>
    %swap3A_88 = vector.shape_cast %broadcast_in_dim3A_84 : vector<16xi32> to vector<16xi32>
    tpu.vector_store %arg6[%swap3A_85], %swap3A_88 {strides = array<i32>} : memref<10112xi32, #tpu.memory_space<vmem>>, vector<16xi32>,
    %broadcast_in_dim3A_89 = arith.constant 0 : i32
    %broadcast_in_dim3A_90 = vector.broadcast %broadcast_in_dim3A_89 : i32 to vector<16xi32>
    %swap3A_91 = arith.constant 10080 : index
    %swap3A_92 = tpu.vector_load %arg7[%swap3A_91] {strides = array<i32>} : memref<10112xi32, #tpu.memory_space<vmem>>, vector<16xi32>,
    %swap3A_93 = vector.shape_cast %swap3A_92 : vector<16xi32> to vector<16xi32>
    %swap3A_94 = vector.shape_cast %broadcast_in_dim3A_90 : vector<16xi32> to vector<16xi32>
    tpu.vector_store %arg7[%swap3A_91], %swap3A_94 {strides = array<i32>} : memref<10112xi32, #tpu.memory_space<vmem>>, vector<16xi32>,
    %broadcast_in_dim3A_95 = arith.constant 0 : i32
    %broadcast_in_dim3A_96 = vector.broadcast %broadcast_in_dim3A_95 : i32 to vector<16xi32>
    %swap3A_97 = arith.constant 10096 : index
    %swap3A_98 = tpu.vector_load %arg6[%swap3A_97] {strides = array<i32>} : memref<10112xi32, #tpu.memory_space<vmem>>, vector<16xi32>,
    %swap3A_99 = vector.shape_cast %swap3A_98 : vector<16xi32> to vector<16xi32>
    %swap3A_100 = vector.shape_cast %broadcast_in_dim3A_96 : vector<16xi32> to vector<16xi32>
    tpu.vector_store %arg6[%swap3A_97], %swap3A_100 {strides = array<i32>} : memref<10112xi32, #tpu.memory_space<vmem>>, vector<16xi32>,
    %broadcast_in_dim3A_101 = arith.constant 0 : i32
    %broadcast_in_dim3A_102 = vector.broadcast %broadcast_in_dim3A_101 : i32 to vector<16xi32>
    %swap3A_103 = arith.constant 10096 : index
    %swap3A_104 = tpu.vector_load %arg7[%swap3A_103] {strides = array<i32>} : memref<10112xi32, #tpu.memory_space<vmem>>, vector<16xi32>,
    %swap3A_105 = vector.shape_cast %swap3A_104 : vector<16xi32> to vector<16xi32>
    %swap3A_106 = vector.shape_cast %broadcast_in_dim3A_102 : vector<16xi32> to vector<16xi32>
    tpu.vector_store %arg7[%swap3A_103], %swap3A_106 {strides = array<i32>} : memref<10112xi32, #tpu.memory_space<vmem>>, vector<16xi32>,
    %dma_start3A_107 = arith.constant 0 : i32
    %dma_start3A_108 = tpu.memref_slice %arg6[%dma_start3A_107] : memref<10112xi32, #tpu.memory_space<vmem>> -> memref<128xi32, #tpu.memory_space<vmem>>
    %dma_start3A_109 = arith.constant 0 : i32
    %dma_start3A_110 = arith.constant 0 : i32
    %dma_start3A_111 = tpu.memref_slice %arg2[%dma_start3A_109, %dma_start3A_110] : memref<10016x128xf32, #tpu.memory_space<hbm>> -> memref<10016x128xf32, #tpu.memory_space<hbm>>
    tpu.enqueue_indirect_dma source(%dma_start3A_111 : memref<10016x128xf32, #tpu.memory_space<hbm>>) target(%arg8 : memref<128x128xf32, #tpu.memory_space<vmem>>) offsets(%dma_start3A_108 : memref<128xi32, #tpu.memory_space<vmem>>) semaphore(%arg14 : memref<!tpu.dma_semaphore, #tpu.memory_space<semaphore_mem>>)
    %dma_start3A_112 = arith.constant 0 : i32
    %dma_start3A_113 = tpu.memref_slice %arg7[%dma_start3A_112] : memref<10112xi32, #tpu.memory_space<vmem>> -> memref<128xi32, #tpu.memory_space<vmem>>
    %dma_start3A_114 = arith.constant 0 : i32
    %dma_start3A_115 = arith.constant 0 : i32
    %dma_start3A_116 = tpu.memref_slice %arg2[%dma_start3A_114, %dma_start3A_115] : memref<10016x128xf32, #tpu.memory_space<hbm>> -> memref<10016x128xf32, #tpu.memory_space<hbm>>
    tpu.enqueue_indirect_dma source(%dma_start3A_116 : memref<10016x128xf32, #tpu.memory_space<hbm>>) target(%arg9 : memref<128x128xf32, #tpu.memory_space<vmem>>) offsets(%dma_start3A_113 : memref<128xi32, #tpu.memory_space<vmem>>) semaphore(%arg14 : memref<!tpu.dma_semaphore, #tpu.memory_space<semaphore_mem>>)
    %dma_start3A_117 = arith.constant 128 : i32
    %dma_start3A_118 = tpu.memref_slice %arg6[%dma_start3A_117] : memref<10112xi32, #tpu.memory_space<vmem>> -> memref<128xi32, #tpu.memory_space<vmem>>
    %dma_start3A_119 = arith.constant 0 : i32
    %dma_start3A_120 = arith.constant 0 : i32
    %dma_start3A_121 = tpu.memref_slice %arg2[%dma_start3A_119, %dma_start3A_120] : memref<10016x128xf32, #tpu.memory_space<hbm>> -> memref<10016x128xf32, #tpu.memory_space<hbm>>
    tpu.enqueue_indirect_dma source(%dma_start3A_121 : memref<10016x128xf32, #tpu.memory_space<hbm>>) target(%arg10 : memref<128x128xf32, #tpu.memory_space<vmem>>) offsets(%dma_start3A_118 : memref<128xi32, #tpu.memory_space<vmem>>) semaphore(%arg15 : memref<!tpu.dma_semaphore, #tpu.memory_space<semaphore_mem>>)
    %dma_start3A_122 = arith.constant 128 : i32
    %dma_start3A_123 = tpu.memref_slice %arg7[%dma_start3A_122] : memref<10112xi32, #tpu.memory_space<vmem>> -> memref<128xi32, #tpu.memory_space<vmem>>
    %dma_start3A_124 = arith.constant 0 : i32
    %dma_start3A_125 = arith.constant 0 : i32
    %dma_start3A_126 = tpu.memref_slice %arg2[%dma_start3A_124, %dma_start3A_125] : memref<10016x128xf32, #tpu.memory_space<hbm>> -> memref<10016x128xf32, #tpu.memory_space<hbm>>
    tpu.enqueue_indirect_dma source(%dma_start3A_126 : memref<10016x128xf32, #tpu.memory_space<hbm>>) target(%arg11 : memref<128x128xf32, #tpu.memory_space<vmem>>) offsets(%dma_start3A_123 : memref<128xi32, #tpu.memory_space<vmem>>) semaphore(%arg15 : memref<!tpu.dma_semaphore, #tpu.memory_space<semaphore_mem>>)
    %scan3A = arith.constant 0 : i32
    %scan3A_127 = arith.constant 0 : i32
    %scan3A_128 = arith.constant 26 : i32
    %scan3A_129 = arith.addi %scan3A_127, %scan3A_128 : i32
    %scan3A_130 = arith.constant 1 : i32
    scf.for %scan3A_156 = %scan3A_127 to %scan3A_129 step %scan3A_130  : i32 {
      %mul3A_157 = arith.constant 3 : i32
      %mul3A_158 = arith.muli %mul3A_157, %scan3A_156 : i32
      %add3A_159 = arith.constant 0 : i32
      %add3A_160 = arith.addi %mul3A_158, %add3A_159 : i32
      %dma_wait3A_161 = arith.constant 0 : i32
      %dma_wait3A_162 = arith.constant 0 : i32
      %dma_wait3A_163 = tpu.memref_slice %arg2[%dma_wait3A_161, %dma_wait3A_162] : memref<10016x128xf32, #tpu.memory_space<hbm>> -> memref<128x128xf32, #tpu.memory_space<hbm>>
      %dma_wait3A_164 = arith.constant 0 : i32
      %dma_wait3A_165 = arith.constant 0 : i32
      %dma_wait3A_166 = tpu.memref_slice %arg2[%dma_wait3A_164, %dma_wait3A_165] : memref<10016x128xf32, #tpu.memory_space<hbm>> -> memref<128x128xf32, #tpu.memory_space<hbm>>
      tpu.wait_dma2 semaphore(%arg14 : memref<!tpu.dma_semaphore, #tpu.memory_space<semaphore_mem>>) src(%dma_wait3A_166 : memref<128x128xf32, #tpu.memory_space<hbm>>) dst(%arg8 : memref<128x128xf32, #tpu.memory_space<vmem>>)
      %dma_wait3A_167 = arith.constant 0 : i32
      %dma_wait3A_168 = arith.constant 0 : i32
      %dma_wait3A_169 = tpu.memref_slice %arg2[%dma_wait3A_167, %dma_wait3A_168] : memref<10016x128xf32, #tpu.memory_space<hbm>> -> memref<128x128xf32, #tpu.memory_space<hbm>>
      %dma_wait3A_170 = arith.constant 0 : i32
      %dma_wait3A_171 = arith.constant 0 : i32
      %dma_wait3A_172 = tpu.memref_slice %arg2[%dma_wait3A_170, %dma_wait3A_171] : memref<10016x128xf32, #tpu.memory_space<hbm>> -> memref<128x128xf32, #tpu.memory_space<hbm>>
      tpu.wait_dma2 semaphore(%arg14 : memref<!tpu.dma_semaphore, #tpu.memory_space<semaphore_mem>>) src(%dma_wait3A_172 : memref<128x128xf32, #tpu.memory_space<hbm>>) dst(%arg9 : memref<128x128xf32, #tpu.memory_space<vmem>>)
      %add3A_173 = arith.constant 2 : i32
      %add3A_174 = arith.addi %add3A_160, %add3A_173 : i32
      %le3A = arith.constant 78 : i32
      %le3A_175 = arith.cmpi sle, %add3A_174, %le3A : i32
      %convert_element_type3A = arith.extui %le3A_175 : i1 to i32
      %cond3A = arith.constant 0 : i32
      %cond3A_176 = arith.cmpi ne, %convert_element_type3A, %cond3A : i32
      scf.if %cond3A_176 {
        %ge3A = arith.constant 1 : i32
        %ge3A_253 = arith.cmpi sge, %add3A_160, %ge3A : i32
        %convert_element_type3A_254 = arith.extui %ge3A_253 : i1 to i32
        %cond3A_255 = arith.constant 0 : i32
        %cond3A_256 = arith.cmpi ne, %convert_element_type3A_254, %cond3A_255 : i32
        scf.if %cond3A_256 {
          %dma_wait3A_271 = arith.constant 0 : i32
          %dma_wait3A_272 = tpu.memref_slice %arg5[%mul3A_2, %dma_wait3A_271] : memref<320000x128xf32, #tpu.memory_space<hbm>> -> memref<128x128xf32, #tpu.memory_space<hbm>>
          %dma_wait3A_273 = arith.constant 0 : i32
          %dma_wait3A_274 = tpu.memref_slice %arg5[%mul3A_2, %dma_wait3A_273] : memref<320000x128xf32, #tpu.memory_space<hbm>> -> memref<128x128xf32, #tpu.memory_space<hbm>>
          tpu.wait_dma2 semaphore(%arg19 : memref<!tpu.dma_semaphore, #tpu.memory_space<semaphore_mem>>) src(%arg12 : memref<128x128xf32, #tpu.memory_space<vmem>>) dst(%dma_wait3A_274 : memref<128x128xf32, #tpu.memory_space<hbm>>)
        } else {
        }
        %add3A_257 = arith.constant 2 : i32
        %add3A_258 = arith.addi %add3A_160, %add3A_257 : i32
        %mul3A_259 = arith.constant 128 : i32
        %mul3A_260 = arith.muli %add3A_258, %mul3A_259 : i32
        %dma_start3A_261 = tpu.memref_slice %arg6[%mul3A_260] : memref<10112xi32, #tpu.memory_space<vmem>> -> memref<128xi32, #tpu.memory_space<vmem>>
        %dma_start3A_262 = arith.constant 0 : i32
        %dma_start3A_263 = arith.constant 0 : i32
        %dma_start3A_264 = tpu.memref_slice %arg2[%dma_start3A_262, %dma_start3A_263] : memref<10016x128xf32, #tpu.memory_space<hbm>> -> memref<10016x128xf32, #tpu.memory_space<hbm>>
        tpu.enqueue_indirect_dma source(%dma_start3A_264 : memref<10016x128xf32, #tpu.memory_space<hbm>>) target(%arg12 : memref<128x128xf32, #tpu.memory_space<vmem>>) offsets(%dma_start3A_261 : memref<128xi32, #tpu.memory_space<vmem>>) semaphore(%arg16 : memref<!tpu.dma_semaphore, #tpu.memory_space<semaphore_mem>>)
        %mul3A_265 = arith.constant 128 : i32
        %mul3A_266 = arith.muli %add3A_258, %mul3A_265 : i32
        %dma_start3A_267 = tpu.memref_slice %arg7[%mul3A_266] : memref<10112xi32, #tpu.memory_space<vmem>> -> memref<128xi32, #tpu.memory_space<vmem>>
        %dma_start3A_268 = arith.constant 0 : i32
        %dma_start3A_269 = arith.constant 0 : i32
        %dma_start3A_270 = tpu.memref_slice %arg2[%dma_start3A_268, %dma_start3A_269] : memref<10016x128xf32, #tpu.memory_space<hbm>> -> memref<10016x128xf32, #tpu.memory_space<hbm>>
        tpu.enqueue_indirect_dma source(%dma_start3A_270 : memref<10016x128xf32, #tpu.memory_space<hbm>>) target(%arg13 : memref<128x128xf32, #tpu.memory_space<vmem>>) offsets(%dma_start3A_267 : memref<128xi32, #tpu.memory_space<vmem>>) semaphore(%arg16 : memref<!tpu.dma_semaphore, #tpu.memory_space<semaphore_mem>>)
      } else {
      }
      %parallel_loop3A_177 = arith.constant 0 : i32
      %parallel_loop3A_178 = arith.constant 128 : i32
      %parallel_loop3A_179 = arith.constant 1 : i32
      scf.for %parallel_loop3A_253 = %parallel_loop3A_177 to %parallel_loop3A_178 step %parallel_loop3A_179  : i32 {
        %parallel_loop3A_254 = arith.index_cast %parallel_loop3A_253 : i32 to index
        %parallel_loop3A_255 = arith.constant 0 : index
        %parallel_loop3A_256 = tpu.vector_load %arg8[%parallel_loop3A_254, %parallel_loop3A_255] {strides = array<i32>} : memref<128x128xf32, #tpu.memory_space<vmem>>, vector<1x16xf32>,
        %parallel_loop3A_257 = vector.shape_cast %parallel_loop3A_256 : vector<1x16xf32> to vector<16xf32>
        %parallel_loop3A_258 = arith.index_cast %parallel_loop3A_253 : i32 to index
        %parallel_loop3A_259 = arith.constant 0 : index
        %parallel_loop3A_260 = tpu.vector_load %arg9[%parallel_loop3A_258, %parallel_loop3A_259] {strides = array<i32>} : memref<128x128xf32, #tpu.memory_space<vmem>>, vector<1x16xf32>,
        %parallel_loop3A_261 = vector.shape_cast %parallel_loop3A_260 : vector<1x16xf32> to vector<16xf32>
        %parallel_loop3A_262 = arith.addf %parallel_loop3A_257, %parallel_loop3A_261 : vector<16xf32>
        %parallel_loop3A_263 = arith.index_cast %parallel_loop3A_253 : i32 to index
        %parallel_loop3A_264 = arith.constant 0 : index
        %parallel_loop3A_265 = tpu.vector_load %arg8[%parallel_loop3A_263, %parallel_loop3A_264] {strides = array<i32>} : memref<128x128xf32, #tpu.memory_space<vmem>>, vector<1x16xf32>,
        %parallel_loop3A_266 = vector.shape_cast %parallel_loop3A_265 : vector<1x16xf32> to vector<16xf32>
        %parallel_loop3A_267 = vector.shape_cast %parallel_loop3A_262 : vector<16xf32> to vector<1x16xf32>
        tpu.vector_store %arg8[%parallel_loop3A_263, %parallel_loop3A_264], %parallel_loop3A_267 {strides = array<i32>} : memref<128x128xf32, #tpu.memory_space<vmem>>, vector<1x16xf32>,
        %parallel_loop3A_268 = arith.index_cast %parallel_loop3A_253 : i32 to index
        %parallel_loop3A_269 = arith.constant 16 : index
        %parallel_loop3A_270 = tpu.vector_load %arg8[%parallel_loop3A_268, %parallel_loop3A_269] {strides = array<i32>} : memref<128x128xf32, #tpu.memory_space<vmem>>, vector<1x16xf32>,
        %parallel_loop3A_271 = vector.shape_cast %parallel_loop3A_270 : vector<1x16xf32> to vector<16xf32>
        %parallel_loop3A_272 = arith.index_cast %parallel_loop3A_253 : i32 to index
        %parallel_loop3A_273 = arith.constant 16 : index
        %parallel_loop3A_274 = tpu.vector_load %arg9[%parallel_loop3A_272, %parallel_loop3A_273] {strides = array<i32>} : memref<128x128xf32, #tpu.memory_space<vmem>>, vector<1x16xf32>,
        %parallel_loop3A_275 = vector.shape_cast %parallel_loop3A_274 : vector<1x16xf32> to vector<16xf32>
        %parallel_loop3A_276 = arith.addf %parallel_loop3A_271, %parallel_loop3A_275 : vector<16xf32>
        %parallel_loop3A_277 = arith.index_cast %parallel_loop3A_253 : i32 to index
        %parallel_loop3A_278 = arith.constant 16 : index
        %parallel_loop3A_279 = tpu.vector_load %arg8[%parallel_loop3A_277, %parallel_loop3A_278] {strides = array<i32>} : memref<128x128xf32, #tpu.memory_space<vmem>>, vector<1x16xf32>,
        %parallel_loop3A_280 = vector.shape_cast %parallel_loop3A_279 : vector<1x16xf32> to vector<16xf32>
        %parallel_loop3A_281 = vector.shape_cast %parallel_loop3A_276 : vector<16xf32> to vector<1x16xf32>
        tpu.vector_store %arg8[%parallel_loop3A_277, %parallel_loop3A_278], %parallel_loop3A_281 {strides = array<i32>} : memref<128x128xf32, #tpu.memory_space<vmem>>, vector<1x16xf32>,
        %parallel_loop3A_282 = arith.index_cast %parallel_loop3A_253 : i32 to index
        %parallel_loop3A_283 = arith.constant 32 : index
        %parallel_loop3A_284 = tpu.vector_load %arg8[%parallel_loop3A_282, %parallel_loop3A_283] {strides = array<i32>} : memref<128x128xf32, #tpu.memory_space<vmem>>, vector<1x16xf32>,
        %parallel_loop3A_285 = vector.shape_cast %parallel_loop3A_284 : vector<1x16xf32> to vector<16xf32>
        %parallel_loop3A_286 = arith.index_cast %parallel_loop3A_253 : i32 to index
        %parallel_loop3A_287 = arith.constant 32 : index
        %parallel_loop3A_288 = tpu.vector_load %arg9[%parallel_loop3A_286, %parallel_loop3A_287] {strides = array<i32>} : memref<128x128xf32, #tpu.memory_space<vmem>>, vector<1x16xf32>,
        %parallel_loop3A_289 = vector.shape_cast %parallel_loop3A_288 : vector<1x16xf32> to vector<16xf32>
        %parallel_loop3A_290 = arith.addf %parallel_loop3A_285, %parallel_loop3A_289 : vector<16xf32>
        %parallel_loop3A_291 = arith.index_cast %parallel_loop3A_253 : i32 to index
        %parallel_loop3A_292 = arith.constant 32 : index
        %parallel_loop3A_293 = tpu.vector_load %arg8[%parallel_loop3A_291, %parallel_loop3A_292] {strides = array<i32>} : memref<128x128xf32, #tpu.memory_space<vmem>>, vector<1x16xf32>,
        %parallel_loop3A_294 = vector.shape_cast %parallel_loop3A_293 : vector<1x16xf32> to vector<16xf32>
        %parallel_loop3A_295 = vector.shape_cast %parallel_loop3A_290 : vector<16xf32> to vector<1x16xf32>
        tpu.vector_store %arg8[%parallel_loop3A_291, %parallel_loop3A_292], %parallel_loop3A_295 {strides = array<i32>} : memref<128x128xf32, #tpu.memory_space<vmem>>, vector<1x16xf32>,
        %parallel_loop3A_296 = arith.index_cast %parallel_loop3A_253 : i32 to index
        %parallel_loop3A_297 = arith.constant 48 : index
        %parallel_loop3A_298 = tpu.vector_load %arg8[%parallel_loop3A_296, %parallel_loop3A_297] {strides = array<i32>} : memref<128x128xf32, #tpu.memory_space<vmem>>, vector<1x16xf32>,
        %parallel_loop3A_299 = vector.shape_cast %parallel_loop3A_298 : vector<1x16xf32> to vector<16xf32>
        %parallel_loop3A_300 = arith.index_cast %parallel_loop3A_253 : i32 to index
        %parallel_loop3A_301 = arith.constant 48 : index
        %parallel_loop3A_302 = tpu.vector_load %arg9[%parallel_loop3A_300, %parallel_loop3A_301] {strides = array<i32>} : memref<128x128xf32, #tpu.memory_space<vmem>>, vector<1x16xf32>,
        %parallel_loop3A_303 = vector.shape_cast %parallel_loop3A_302 : vector<1x16xf32> to vector<16xf32>
        %parallel_loop3A_304 = arith.addf %parallel_loop3A_299, %parallel_loop3A_303 : vector<16xf32>
        %parallel_loop3A_305 = arith.index_cast %parallel_loop3A_253 : i32 to index
        %parallel_loop3A_306 = arith.constant 48 : index
        %parallel_loop3A_307 = tpu.vector_load %arg8[%parallel_loop3A_305, %parallel_loop3A_306] {strides = array<i32>} : memref<128x128xf32, #tpu.memory_space<vmem>>, vector<1x16xf32>,
        %parallel_loop3A_308 = vector.shape_cast %parallel_loop3A_307 : vector<1x16xf32> to vector<16xf32>
        %parallel_loop3A_309 = vector.shape_cast %parallel_loop3A_304 : vector<16xf32> to vector<1x16xf32>
        tpu.vector_store %arg8[%parallel_loop3A_305, %parallel_loop3A_306], %parallel_loop3A_309 {strides = array<i32>} : memref<128x128xf32, #tpu.memory_space<vmem>>, vector<1x16xf32>,
        %parallel_loop3A_310 = arith.index_cast %parallel_loop3A_253 : i32 to index
        %parallel_loop3A_311 = arith.constant 64 : index
        %parallel_loop3A_312 = tpu.vector_load %arg8[%parallel_loop3A_310, %parallel_loop3A_311] {strides = array<i32>} : memref<128x128xf32, #tpu.memory_space<vmem>>, vector<1x16xf32>,
        %parallel_loop3A_313 = vector.shape_cast %parallel_loop3A_312 : vector<1x16xf32> to vector<16xf32>
        %parallel_loop3A_314 = arith.index_cast %parallel_loop3A_253 : i32 to index
        %parallel_loop3A_315 = arith.constant 64 : index
        %parallel_loop3A_316 = tpu.vector_load %arg9[%parallel_loop3A_314, %parallel_loop3A_315] {strides = array<i32>} : memref<128x128xf32, #tpu.memory_space<vmem>>, vector<1x16xf32>,
        %parallel_loop3A_317 = vector.shape_cast %parallel_loop3A_316 : vector<1x16xf32> to vector<16xf32>
        %parallel_loop3A_318 = arith.addf %parallel_loop3A_313, %parallel_loop3A_317 : vector<16xf32>
        %parallel_loop3A_319 = arith.index_cast %parallel_loop3A_253 : i32 to index
        %parallel_loop3A_320 = arith.constant 64 : index
        %parallel_loop3A_321 = tpu.vector_load %arg8[%parallel_loop3A_319, %parallel_loop3A_320] {strides = array<i32>} : memref<128x128xf32, #tpu.memory_space<vmem>>, vector<1x16xf32>,
        %parallel_loop3A_322 = vector.shape_cast %parallel_loop3A_321 : vector<1x16xf32> to vector<16xf32>
        %parallel_loop3A_323 = vector.shape_cast %parallel_loop3A_318 : vector<16xf32> to vector<1x16xf32>
        tpu.vector_store %arg8[%parallel_loop3A_319, %parallel_loop3A_320], %parallel_loop3A_323 {strides = array<i32>} : memref<128x128xf32, #tpu.memory_space<vmem>>, vector<1x16xf32>,
        %parallel_loop3A_324 = arith.index_cast %parallel_loop3A_253 : i32 to index
        %parallel_loop3A_325 = arith.constant 80 : index
        %parallel_loop3A_326 = tpu.vector_load %arg8[%parallel_loop3A_324, %parallel_loop3A_325] {strides = array<i32>} : memref<128x128xf32, #tpu.memory_space<vmem>>, vector<1x16xf32>,
        %parallel_loop3A_327 = vector.shape_cast %parallel_loop3A_326 : vector<1x16xf32> to vector<16xf32>
        %parallel_loop3A_328 = arith.index_cast %parallel_loop3A_253 : i32 to index
        %parallel_loop3A_329 = arith.constant 80 : index
        %parallel_loop3A_330 = tpu.vector_load %arg9[%parallel_loop3A_328, %parallel_loop3A_329] {strides = array<i32>} : memref<128x128xf32, #tpu.memory_space<vmem>>, vector<1x16xf32>,
        %parallel_loop3A_331 = vector.shape_cast %parallel_loop3A_330 : vector<1x16xf32> to vector<16xf32>
        %parallel_loop3A_332 = arith.addf %parallel_loop3A_327, %parallel_loop3A_331 : vector<16xf32>
        %parallel_loop3A_333 = arith.index_cast %parallel_loop3A_253 : i32 to index
        %parallel_loop3A_334 = arith.constant 80 : index
        %parallel_loop3A_335 = tpu.vector_load %arg8[%parallel_loop3A_333, %parallel_loop3A_334] {strides = array<i32>} : memref<128x128xf32, #tpu.memory_space<vmem>>, vector<1x16xf32>,
        %parallel_loop3A_336 = vector.shape_cast %parallel_loop3A_335 : vector<1x16xf32> to vector<16xf32>
        %parallel_loop3A_337 = vector.shape_cast %parallel_loop3A_332 : vector<16xf32> to vector<1x16xf32>
        tpu.vector_store %arg8[%parallel_loop3A_333, %parallel_loop3A_334], %parallel_loop3A_337 {strides = array<i32>} : memref<128x128xf32, #tpu.memory_space<vmem>>, vector<1x16xf32>,
        %parallel_loop3A_338 = arith.index_cast %parallel_loop3A_253 : i32 to index
        %parallel_loop3A_339 = arith.constant 96 : index
        %parallel_loop3A_340 = tpu.vector_load %arg8[%parallel_loop3A_338, %parallel_loop3A_339] {strides = array<i32>} : memref<128x128xf32, #tpu.memory_space<vmem>>, vector<1x16xf32>,
        %parallel_loop3A_341 = vector.shape_cast %parallel_loop3A_340 : vector<1x16xf32> to vector<16xf32>
        %parallel_loop3A_342 = arith.index_cast %parallel_loop3A_253 : i32 to index
        %parallel_loop3A_343 = arith.constant 96 : index
        %parallel_loop3A_344 = tpu.vector_load %arg9[%parallel_loop3A_342, %parallel_loop3A_343] {strides = array<i32>} : memref<128x128xf32, #tpu.memory_space<vmem>>, vector<1x16xf32>,
        %parallel_loop3A_345 = vector.shape_cast %parallel_loop3A_344 : vector<1x16xf32> to vector<16xf32>
        %parallel_loop3A_346 = arith.addf %parallel_loop3A_341, %parallel_loop3A_345 : vector<16xf32>
        %parallel_loop3A_347 = arith.index_cast %parallel_loop3A_253 : i32 to index
        %parallel_loop3A_348 = arith.constant 96 : index
        %parallel_loop3A_349 = tpu.vector_load %arg8[%parallel_loop3A_347, %parallel_loop3A_348] {strides = array<i32>} : memref<128x128xf32, #tpu.memory_space<vmem>>, vector<1x16xf32>,
        %parallel_loop3A_350 = vector.shape_cast %parallel_loop3A_349 : vector<1x16xf32> to vector<16xf32>
        %parallel_loop3A_351 = vector.shape_cast %parallel_loop3A_346 : vector<16xf32> to vector<1x16xf32>
        tpu.vector_store %arg8[%parallel_loop3A_347, %parallel_loop3A_348], %parallel_loop3A_351 {strides = array<i32>} : memref<128x128xf32, #tpu.memory_space<vmem>>, vector<1x16xf32>,
        %parallel_loop3A_352 = arith.index_cast %parallel_loop3A_253 : i32 to index
        %parallel_loop3A_353 = arith.constant 112 : index
        %parallel_loop3A_354 = tpu.vector_load %arg8[%parallel_loop3A_352, %parallel_loop3A_353] {strides = array<i32>} : memref<128x128xf32, #tpu.memory_space<vmem>>, vector<1x16xf32>,
        %parallel_loop3A_355 = vector.shape_cast %parallel_loop3A_354 : vector<1x16xf32> to vector<16xf32>
        %parallel_loop3A_356 = arith.index_cast %parallel_loop3A_253 : i32 to index
        %parallel_loop3A_357 = arith.constant 112 : index
        %parallel_loop3A_358 = tpu.vector_load %arg9[%parallel_loop3A_356, %parallel_loop3A_357] {strides = array<i32>} : memref<128x128xf32, #tpu.memory_space<vmem>>, vector<1x16xf32>,
        %parallel_loop3A_359 = vector.shape_cast %parallel_loop3A_358 : vector<1x16xf32> to vector<16xf32>
        %parallel_loop3A_360 = arith.addf %parallel_loop3A_355, %parallel_loop3A_359 : vector<16xf32>
        %parallel_loop3A_361 = arith.index_cast %parallel_loop3A_253 : i32 to index
        %parallel_loop3A_362 = arith.constant 112 : index
        %parallel_loop3A_363 = tpu.vector_load %arg8[%parallel_loop3A_361, %parallel_loop3A_362] {strides = array<i32>} : memref<128x128xf32, #tpu.memory_space<vmem>>, vector<1x16xf32>,
        %parallel_loop3A_364 = vector.shape_cast %parallel_loop3A_363 : vector<1x16xf32> to vector<16xf32>
        %parallel_loop3A_365 = vector.shape_cast %parallel_loop3A_360 : vector<16xf32> to vector<1x16xf32>
        tpu.vector_store %arg8[%parallel_loop3A_361, %parallel_loop3A_362], %parallel_loop3A_365 {strides = array<i32>} : memref<128x128xf32, #tpu.memory_space<vmem>>, vector<1x16xf32>,
      } {sc.loop_unroll_factor = 4 : i64, sc.parallel_access}
      %mul3A_180 = arith.constant 128 : i32
      %mul3A_181 = arith.muli %add3A_160, %mul3A_180 : i32
      %add3A_182 = arith.addi %mul3A_2, %mul3A_181 : i32
      %dma_start3A_183 = arith.constant 0 : i32
      %dma_start3A_184 = tpu.memref_slice %arg5[%add3A_182, %dma_start3A_183] : memref<320000x128xf32, #tpu.memory_space<hbm>> -> memref<128x128xf32, #tpu.memory_space<hbm>>
      %dma_start3A_185 = arith.constant 0 : i32
      %dma_start3A_186 = tpu.memref_slice %arg5[%add3A_182, %dma_start3A_185] : memref<320000x128xf32, #tpu.memory_space<hbm>> -> memref<128x128xf32, #tpu.memory_space<hbm>>
      tpu.enqueue_dma source(%arg8 : memref<128x128xf32, #tpu.memory_space<vmem>>) target(%dma_start3A_186 : memref<128x128xf32, #tpu.memory_space<hbm>>) target_semaphore(%arg17 : memref<!tpu.dma_semaphore, #tpu.memory_space<semaphore_mem>>)
      %mul3A_187 = arith.constant 3 : i32
      %mul3A_188 = arith.muli %mul3A_187, %scan3A_156 : i32
      %add3A_189 = arith.constant 1 : i32
      %add3A_190 = arith.addi %mul3A_188, %add3A_189 : i32
      %dma_wait3A_191 = arith.constant 0 : i32
      %dma_wait3A_192 = arith.constant 0 : i32
      %dma_wait3A_193 = tpu.memref_slice %arg2[%dma_wait3A_191, %dma_wait3A_192] : memref<10016x128xf32, #tpu.memory_space<hbm>> -> memref<128x128xf32, #tpu.memory_space<hbm>>
      %dma_wait3A_194 = arith.constant 0 : i32
      %dma_wait3A_195 = arith.constant 0 : i32
      %dma_wait3A_196 = tpu.memref_slice %arg2[%dma_wait3A_194, %dma_wait3A_195] : memref<10016x128xf32, #tpu.memory_space<hbm>> -> memref<128x128xf32, #tpu.memory_space<hbm>>
      tpu.wait_dma2 semaphore(%arg15 : memref<!tpu.dma_semaphore, #tpu.memory_space<semaphore_mem>>) src(%dma_wait3A_196 : memref<128x128xf32, #tpu.memory_space<hbm>>) dst(%arg10 : memref<128x128xf32, #tpu.memory_space<vmem>>)
      %dma_wait3A_197 = arith.constant 0 : i32
      %dma_wait3A_198 = arith.constant 0 : i32
      %dma_wait3A_199 = tpu.memref_slice %arg2[%dma_wait3A_197, %dma_wait3A_198] : memref<10016x128xf32, #tpu.memory_space<hbm>> -> memref<128x128xf32, #tpu.memory_space<hbm>>
      %dma_wait3A_200 = arith.constant 0 : i32
      %dma_wait3A_201 = arith.constant 0 : i32
      %dma_wait3A_202 = tpu.memref_slice %arg2[%dma_wait3A_200, %dma_wait3A_201] : memref<10016x128xf32, #tpu.memory_space<hbm>> -> memref<128x128xf32, #tpu.memory_space<hbm>>
      tpu.wait_dma2 semaphore(%arg15 : memref<!tpu.dma_semaphore, #tpu.memory_space<semaphore_mem>>) src(%dma_wait3A_202 : memref<128x128xf32, #tpu.memory_space<hbm>>) dst(%arg11 : memref<128x128xf32, #tpu.memory_space<vmem>>)
      %add3A_203 = arith.constant 2 : i32
      %add3A_204 = arith.addi %add3A_190, %add3A_203 : i32
      %le3A_205 = arith.constant 78 : i32
      %le3A_206 = arith.cmpi sle, %add3A_204, %le3A_205 : i32
      %convert_element_type3A_207 = arith.extui %le3A_206 : i1 to i32
      %cond3A_208 = arith.constant 0 : i32
      %cond3A_209 = arith.cmpi ne, %convert_element_type3A_207, %cond3A_208 : i32
      scf.if %cond3A_209 {
        %ge3A = arith.constant 1 : i32
        %ge3A_253 = arith.cmpi sge, %add3A_190, %ge3A : i32
        %convert_element_type3A_254 = arith.extui %ge3A_253 : i1 to i32
        %cond3A_255 = arith.constant 0 : i32
        %cond3A_256 = arith.cmpi ne, %convert_element_type3A_254, %cond3A_255 : i32
        scf.if %cond3A_256 {
          %dma_wait3A_271 = arith.constant 0 : i32
          %dma_wait3A_272 = tpu.memref_slice %arg5[%mul3A_2, %dma_wait3A_271] : memref<320000x128xf32, #tpu.memory_space<hbm>> -> memref<128x128xf32, #tpu.memory_space<hbm>>
          %dma_wait3A_273 = arith.constant 0 : i32
          %dma_wait3A_274 = tpu.memref_slice %arg5[%mul3A_2, %dma_wait3A_273] : memref<320000x128xf32, #tpu.memory_space<hbm>> -> memref<128x128xf32, #tpu.memory_space<hbm>>
          tpu.wait_dma2 semaphore(%arg17 : memref<!tpu.dma_semaphore, #tpu.memory_space<semaphore_mem>>) src(%arg8 : memref<128x128xf32, #tpu.memory_space<vmem>>) dst(%dma_wait3A_274 : memref<128x128xf32, #tpu.memory_space<hbm>>)
        } else {
        }
        %add3A_257 = arith.constant 2 : i32
        %add3A_258 = arith.addi %add3A_190, %add3A_257 : i32
        %mul3A_259 = arith.constant 128 : i32
        %mul3A_260 = arith.muli %add3A_258, %mul3A_259 : i32
        %dma_start3A_261 = tpu.memref_slice %arg6[%mul3A_260] : memref<10112xi32, #tpu.memory_space<vmem>> -> memref<128xi32, #tpu.memory_space<vmem>>
        %dma_start3A_262 = arith.constant 0 : i32
        %dma_start3A_263 = arith.constant 0 : i32
        %dma_start3A_264 = tpu.memref_slice %arg2[%dma_start3A_262, %dma_start3A_263] : memref<10016x128xf32, #tpu.memory_space<hbm>> -> memref<10016x128xf32, #tpu.memory_space<hbm>>
        tpu.enqueue_indirect_dma source(%dma_start3A_264 : memref<10016x128xf32, #tpu.memory_space<hbm>>) target(%arg8 : memref<128x128xf32, #tpu.memory_space<vmem>>) offsets(%dma_start3A_261 : memref<128xi32, #tpu.memory_space<vmem>>) semaphore(%arg14 : memref<!tpu.dma_semaphore, #tpu.memory_space<semaphore_mem>>)
        %mul3A_265 = arith.constant 128 : i32
        %mul3A_266 = arith.muli %add3A_258, %mul3A_265 : i32
        %dma_start3A_267 = tpu.memref_slice %arg7[%mul3A_266] : memref<10112xi32, #tpu.memory_space<vmem>> -> memref<128xi32, #tpu.memory_space<vmem>>
        %dma_start3A_268 = arith.constant 0 : i32
        %dma_start3A_269 = arith.constant 0 : i32
        %dma_start3A_270 = tpu.memref_slice %arg2[%dma_start3A_268, %dma_start3A_269] : memref<10016x128xf32, #tpu.memory_space<hbm>> -> memref<10016x128xf32, #tpu.memory_space<hbm>>
        tpu.enqueue_indirect_dma source(%dma_start3A_270 : memref<10016x128xf32, #tpu.memory_space<hbm>>) target(%arg9 : memref<128x128xf32, #tpu.memory_space<vmem>>) offsets(%dma_start3A_267 : memref<128xi32, #tpu.memory_space<vmem>>) semaphore(%arg14 : memref<!tpu.dma_semaphore, #tpu.memory_space<semaphore_mem>>)
      } else {
      }
      %parallel_loop3A_210 = arith.constant 0 : i32
      %parallel_loop3A_211 = arith.constant 128 : i32
      %parallel_loop3A_212 = arith.constant 1 : i32
      scf.for %parallel_loop3A_253 = %parallel_loop3A_210 to %parallel_loop3A_211 step %parallel_loop3A_212  : i32 {
        %parallel_loop3A_254 = arith.index_cast %parallel_loop3A_253 : i32 to index
        %parallel_loop3A_255 = arith.constant 0 : index
        %parallel_loop3A_256 = tpu.vector_load %arg10[%parallel_loop3A_254, %parallel_loop3A_255] {strides = array<i32>} : memref<128x128xf32, #tpu.memory_space<vmem>>, vector<1x16xf32>,
        %parallel_loop3A_257 = vector.shape_cast %parallel_loop3A_256 : vector<1x16xf32> to vector<16xf32>
        %parallel_loop3A_258 = arith.index_cast %parallel_loop3A_253 : i32 to index
        %parallel_loop3A_259 = arith.constant 0 : index
        %parallel_loop3A_260 = tpu.vector_load %arg11[%parallel_loop3A_258, %parallel_loop3A_259] {strides = array<i32>} : memref<128x128xf32, #tpu.memory_space<vmem>>, vector<1x16xf32>,
        %parallel_loop3A_261 = vector.shape_cast %parallel_loop3A_260 : vector<1x16xf32> to vector<16xf32>
        %parallel_loop3A_262 = arith.addf %parallel_loop3A_257, %parallel_loop3A_261 : vector<16xf32>
        %parallel_loop3A_263 = arith.index_cast %parallel_loop3A_253 : i32 to index
        %parallel_loop3A_264 = arith.constant 0 : index
        %parallel_loop3A_265 = tpu.vector_load %arg10[%parallel_loop3A_263, %parallel_loop3A_264] {strides = array<i32>} : memref<128x128xf32, #tpu.memory_space<vmem>>, vector<1x16xf32>,
        %parallel_loop3A_266 = vector.shape_cast %parallel_loop3A_265 : vector<1x16xf32> to vector<16xf32>
        %parallel_loop3A_267 = vector.shape_cast %parallel_loop3A_262 : vector<16xf32> to vector<1x16xf32>
        tpu.vector_store %arg10[%parallel_loop3A_263, %parallel_loop3A_264], %parallel_loop3A_267 {strides = array<i32>} : memref<128x128xf32, #tpu.memory_space<vmem>>, vector<1x16xf32>,
        %parallel_loop3A_268 = arith.index_cast %parallel_loop3A_253 : i32 to index
        %parallel_loop3A_269 = arith.constant 16 : index
        %parallel_loop3A_270 = tpu.vector_load %arg10[%parallel_loop3A_268, %parallel_loop3A_269] {strides = array<i32>} : memref<128x128xf32, #tpu.memory_space<vmem>>, vector<1x16xf32>,
        %parallel_loop3A_271 = vector.shape_cast %parallel_loop3A_270 : vector<1x16xf32> to vector<16xf32>
        %parallel_loop3A_272 = arith.index_cast %parallel_loop3A_253 : i32 to index
        %parallel_loop3A_273 = arith.constant 16 : index
        %parallel_loop3A_274 = tpu.vector_load %arg11[%parallel_loop3A_272, %parallel_loop3A_273] {strides = array<i32>} : memref<128x128xf32, #tpu.memory_space<vmem>>, vector<1x16xf32>,
        %parallel_loop3A_275 = vector.shape_cast %parallel_loop3A_274 : vector<1x16xf32> to vector<16xf32>
        %parallel_loop3A_276 = arith.addf %parallel_loop3A_271, %parallel_loop3A_275 : vector<16xf32>
        %parallel_loop3A_277 = arith.index_cast %parallel_loop3A_253 : i32 to index
        %parallel_loop3A_278 = arith.constant 16 : index
        %parallel_loop3A_279 = tpu.vector_load %arg10[%parallel_loop3A_277, %parallel_loop3A_278] {strides = array<i32>} : memref<128x128xf32, #tpu.memory_space<vmem>>, vector<1x16xf32>,
        %parallel_loop3A_280 = vector.shape_cast %parallel_loop3A_279 : vector<1x16xf32> to vector<16xf32>
        %parallel_loop3A_281 = vector.shape_cast %parallel_loop3A_276 : vector<16xf32> to vector<1x16xf32>
        tpu.vector_store %arg10[%parallel_loop3A_277, %parallel_loop3A_278], %parallel_loop3A_281 {strides = array<i32>} : memref<128x128xf32, #tpu.memory_space<vmem>>, vector<1x16xf32>,
        %parallel_loop3A_282 = arith.index_cast %parallel_loop3A_253 : i32 to index
        %parallel_loop3A_283 = arith.constant 32 : index
        %parallel_loop3A_284 = tpu.vector_load %arg10[%parallel_loop3A_282, %parallel_loop3A_283] {strides = array<i32>} : memref<128x128xf32, #tpu.memory_space<vmem>>, vector<1x16xf32>,
        %parallel_loop3A_285 = vector.shape_cast %parallel_loop3A_284 : vector<1x16xf32> to vector<16xf32>
        %parallel_loop3A_286 = arith.index_cast %parallel_loop3A_253 : i32 to index
        %parallel_loop3A_287 = arith.constant 32 : index
        %parallel_loop3A_288 = tpu.vector_load %arg11[%parallel_loop3A_286, %parallel_loop3A_287] {strides = array<i32>} : memref<128x128xf32, #tpu.memory_space<vmem>>, vector<1x16xf32>,
        %parallel_loop3A_289 = vector.shape_cast %parallel_loop3A_288 : vector<1x16xf32> to vector<16xf32>
        %parallel_loop3A_290 = arith.addf %parallel_loop3A_285, %parallel_loop3A_289 : vector<16xf32>
        %parallel_loop3A_291 = arith.index_cast %parallel_loop3A_253 : i32 to index
        %parallel_loop3A_292 = arith.constant 32 : index
        %parallel_loop3A_293 = tpu.vector_load %arg10[%parallel_loop3A_291, %parallel_loop3A_292] {strides = array<i32>} : memref<128x128xf32, #tpu.memory_space<vmem>>, vector<1x16xf32>,
        %parallel_loop3A_294 = vector.shape_cast %parallel_loop3A_293 : vector<1x16xf32> to vector<16xf32>
        %parallel_loop3A_295 = vector.shape_cast %parallel_loop3A_290 : vector<16xf32> to vector<1x16xf32>
        tpu.vector_store %arg10[%parallel_loop3A_291, %parallel_loop3A_292], %parallel_loop3A_295 {strides = array<i32>} : memref<128x128xf32, #tpu.memory_space<vmem>>, vector<1x16xf32>,
        %parallel_loop3A_296 = arith.index_cast %parallel_loop3A_253 : i32 to index
        %parallel_loop3A_297 = arith.constant 48 : index
        %parallel_loop3A_298 = tpu.vector_load %arg10[%parallel_loop3A_296, %parallel_loop3A_297] {strides = array<i32>} : memref<128x128xf32, #tpu.memory_space<vmem>>, vector<1x16xf32>,
        %parallel_loop3A_299 = vector.shape_cast %parallel_loop3A_298 : vector<1x16xf32> to vector<16xf32>
        %parallel_loop3A_300 = arith.index_cast %parallel_loop3A_253 : i32 to index
        %parallel_loop3A_301 = arith.constant 48 : index
        %parallel_loop3A_302 = tpu.vector_load %arg11[%parallel_loop3A_300, %parallel_loop3A_301] {strides = array<i32>} : memref<128x128xf32, #tpu.memory_space<vmem>>, vector<1x16xf32>,
        %parallel_loop3A_303 = vector.shape_cast %parallel_loop3A_302 : vector<1x16xf32> to vector<16xf32>
        %parallel_loop3A_304 = arith.addf %parallel_loop3A_299, %parallel_loop3A_303 : vector<16xf32>
        %parallel_loop3A_305 = arith.index_cast %parallel_loop3A_253 : i32 to index
        %parallel_loop3A_306 = arith.constant 48 : index
        %parallel_loop3A_307 = tpu.vector_load %arg10[%parallel_loop3A_305, %parallel_loop3A_306] {strides = array<i32>} : memref<128x128xf32, #tpu.memory_space<vmem>>, vector<1x16xf32>,
        %parallel_loop3A_308 = vector.shape_cast %parallel_loop3A_307 : vector<1x16xf32> to vector<16xf32>
        %parallel_loop3A_309 = vector.shape_cast %parallel_loop3A_304 : vector<16xf32> to vector<1x16xf32>
        tpu.vector_store %arg10[%parallel_loop3A_305, %parallel_loop3A_306], %parallel_loop3A_309 {strides = array<i32>} : memref<128x128xf32, #tpu.memory_space<vmem>>, vector<1x16xf32>,
        %parallel_loop3A_310 = arith.index_cast %parallel_loop3A_253 : i32 to index
        %parallel_loop3A_311 = arith.constant 64 : index
        %parallel_loop3A_312 = tpu.vector_load %arg10[%parallel_loop3A_310, %parallel_loop3A_311] {strides = array<i32>} : memref<128x128xf32, #tpu.memory_space<vmem>>, vector<1x16xf32>,
        %parallel_loop3A_313 = vector.shape_cast %parallel_loop3A_312 : vector<1x16xf32> to vector<16xf32>
        %parallel_loop3A_314 = arith.index_cast %parallel_loop3A_253 : i32 to index
        %parallel_loop3A_315 = arith.constant 64 : index
        %parallel_loop3A_316 = tpu.vector_load %arg11[%parallel_loop3A_314, %parallel_loop3A_315] {strides = array<i32>} : memref<128x128xf32, #tpu.memory_space<vmem>>, vector<1x16xf32>,
        %parallel_loop3A_317 = vector.shape_cast %parallel_loop3A_316 : vector<1x16xf32> to vector<16xf32>
        %parallel_loop3A_318 = arith.addf %parallel_loop3A_313, %parallel_loop3A_317 : vector<16xf32>
        %parallel_loop3A_319 = arith.index_cast %parallel_loop3A_253 : i32 to index
        %parallel_loop3A_320 = arith.constant 64 : index
        %parallel_loop3A_321 = tpu.vector_load %arg10[%parallel_loop3A_319, %parallel_loop3A_320] {strides = array<i32>} : memref<128x128xf32, #tpu.memory_space<vmem>>, vector<1x16xf32>,
        %parallel_loop3A_322 = vector.shape_cast %parallel_loop3A_321 : vector<1x16xf32> to vector<16xf32>
        %parallel_loop3A_323 = vector.shape_cast %parallel_loop3A_318 : vector<16xf32> to vector<1x16xf32>
        tpu.vector_store %arg10[%parallel_loop3A_319, %parallel_loop3A_320], %parallel_loop3A_323 {strides = array<i32>} : memref<128x128xf32, #tpu.memory_space<vmem>>, vector<1x16xf32>,
        %parallel_loop3A_324 = arith.index_cast %parallel_loop3A_253 : i32 to index
        %parallel_loop3A_325 = arith.constant 80 : index
        %parallel_loop3A_326 = tpu.vector_load %arg10[%parallel_loop3A_324, %parallel_loop3A_325] {strides = array<i32>} : memref<128x128xf32, #tpu.memory_space<vmem>>, vector<1x16xf32>,
        %parallel_loop3A_327 = vector.shape_cast %parallel_loop3A_326 : vector<1x16xf32> to vector<16xf32>
        %parallel_loop3A_328 = arith.index_cast %parallel_loop3A_253 : i32 to index
        %parallel_loop3A_329 = arith.constant 80 : index
        %parallel_loop3A_330 = tpu.vector_load %arg11[%parallel_loop3A_328, %parallel_loop3A_329] {strides = array<i32>} : memref<128x128xf32, #tpu.memory_space<vmem>>, vector<1x16xf32>,
        %parallel_loop3A_331 = vector.shape_cast %parallel_loop3A_330 : vector<1x16xf32> to vector<16xf32>
        %parallel_loop3A_332 = arith.addf %parallel_loop3A_327, %parallel_loop3A_331 : vector<16xf32>
        %parallel_loop3A_333 = arith.index_cast %parallel_loop3A_253 : i32 to index
        %parallel_loop3A_334 = arith.constant 80 : index
        %parallel_loop3A_335 = tpu.vector_load %arg10[%parallel_loop3A_333, %parallel_loop3A_334] {strides = array<i32>} : memref<128x128xf32, #tpu.memory_space<vmem>>, vector<1x16xf32>,
        %parallel_loop3A_336 = vector.shape_cast %parallel_loop3A_335 : vector<1x16xf32> to vector<16xf32>
        %parallel_loop3A_337 = vector.shape_cast %parallel_loop3A_332 : vector<16xf32> to vector<1x16xf32>
        tpu.vector_store %arg10[%parallel_loop3A_333, %parallel_loop3A_334], %parallel_loop3A_337 {strides = array<i32>} : memref<128x128xf32, #tpu.memory_space<vmem>>, vector<1x16xf32>,
        %parallel_loop3A_338 = arith.index_cast %parallel_loop3A_253 : i32 to index
        %parallel_loop3A_339 = arith.constant 96 : index
        %parallel_loop3A_340 = tpu.vector_load %arg10[%parallel_loop3A_338, %parallel_loop3A_339] {strides = array<i32>} : memref<128x128xf32, #tpu.memory_space<vmem>>, vector<1x16xf32>,
        %parallel_loop3A_341 = vector.shape_cast %parallel_loop3A_340 : vector<1x16xf32> to vector<16xf32>
        %parallel_loop3A_342 = arith.index_cast %parallel_loop3A_253 : i32 to index
        %parallel_loop3A_343 = arith.constant 96 : index
        %parallel_loop3A_344 = tpu.vector_load %arg11[%parallel_loop3A_342, %parallel_loop3A_343] {strides = array<i32>} : memref<128x128xf32, #tpu.memory_space<vmem>>, vector<1x16xf32>,
        %parallel_loop3A_345 = vector.shape_cast %parallel_loop3A_344 : vector<1x16xf32> to vector<16xf32>
        %parallel_loop3A_346 = arith.addf %parallel_loop3A_341, %parallel_loop3A_345 : vector<16xf32>
        %parallel_loop3A_347 = arith.index_cast %parallel_loop3A_253 : i32 to index
        %parallel_loop3A_348 = arith.constant 96 : index
        %parallel_loop3A_349 = tpu.vector_load %arg10[%parallel_loop3A_347, %parallel_loop3A_348] {strides = array<i32>} : memref<128x128xf32, #tpu.memory_space<vmem>>, vector<1x16xf32>,
        %parallel_loop3A_350 = vector.shape_cast %parallel_loop3A_349 : vector<1x16xf32> to vector<16xf32>
        %parallel_loop3A_351 = vector.shape_cast %parallel_loop3A_346 : vector<16xf32> to vector<1x16xf32>
        tpu.vector_store %arg10[%parallel_loop3A_347, %parallel_loop3A_348], %parallel_loop3A_351 {strides = array<i32>} : memref<128x128xf32, #tpu.memory_space<vmem>>, vector<1x16xf32>,
        %parallel_loop3A_352 = arith.index_cast %parallel_loop3A_253 : i32 to index
        %parallel_loop3A_353 = arith.constant 112 : index
        %parallel_loop3A_354 = tpu.vector_load %arg10[%parallel_loop3A_352, %parallel_loop3A_353] {strides = array<i32>} : memref<128x128xf32, #tpu.memory_space<vmem>>, vector<1x16xf32>,
        %parallel_loop3A_355 = vector.shape_cast %parallel_loop3A_354 : vector<1x16xf32> to vector<16xf32>
        %parallel_loop3A_356 = arith.index_cast %parallel_loop3A_253 : i32 to index
        %parallel_loop3A_357 = arith.constant 112 : index
        %parallel_loop3A_358 = tpu.vector_load %arg11[%parallel_loop3A_356, %parallel_loop3A_357] {strides = array<i32>} : memref<128x128xf32, #tpu.memory_space<vmem>>, vector<1x16xf32>,
        %parallel_loop3A_359 = vector.shape_cast %parallel_loop3A_358 : vector<1x16xf32> to vector<16xf32>
        %parallel_loop3A_360 = arith.addf %parallel_loop3A_355, %parallel_loop3A_359 : vector<16xf32>
        %parallel_loop3A_361 = arith.index_cast %parallel_loop3A_253 : i32 to index
        %parallel_loop3A_362 = arith.constant 112 : index
        %parallel_loop3A_363 = tpu.vector_load %arg10[%parallel_loop3A_361, %parallel_loop3A_362] {strides = array<i32>} : memref<128x128xf32, #tpu.memory_space<vmem>>, vector<1x16xf32>,
        %parallel_loop3A_364 = vector.shape_cast %parallel_loop3A_363 : vector<1x16xf32> to vector<16xf32>
        %parallel_loop3A_365 = vector.shape_cast %parallel_loop3A_360 : vector<16xf32> to vector<1x16xf32>
        tpu.vector_store %arg10[%parallel_loop3A_361, %parallel_loop3A_362], %parallel_loop3A_365 {strides = array<i32>} : memref<128x128xf32, #tpu.memory_space<vmem>>, vector<1x16xf32>,
      } {sc.loop_unroll_factor = 4 : i64, sc.parallel_access}
      %mul3A_213 = arith.constant 128 : i32
      %mul3A_214 = arith.muli %add3A_190, %mul3A_213 : i32
      %add3A_215 = arith.addi %mul3A_2, %mul3A_214 : i32
      %dma_start3A_216 = arith.constant 0 : i32
      %dma_start3A_217 = tpu.memref_slice %arg5[%add3A_215, %dma_start3A_216] : memref<320000x128xf32, #tpu.memory_space<hbm>> -> memref<128x128xf32, #tpu.memory_space<hbm>>
      %dma_start3A_218 = arith.constant 0 : i32
      %dma_start3A_219 = tpu.memref_slice %arg5[%add3A_215, %dma_start3A_218] : memref<320000x128xf32, #tpu.memory_space<hbm>> -> memref<128x128xf32, #tpu.memory_space<hbm>>
      tpu.enqueue_dma source(%arg10 : memref<128x128xf32, #tpu.memory_space<vmem>>) target(%dma_start3A_219 : memref<128x128xf32, #tpu.memory_space<hbm>>) target_semaphore(%arg18 : memref<!tpu.dma_semaphore, #tpu.memory_space<semaphore_mem>>)
      %mul3A_220 = arith.constant 3 : i32
      %mul3A_221 = arith.muli %mul3A_220, %scan3A_156 : i32
      %add3A_222 = arith.constant 2 : i32
      %add3A_223 = arith.addi %mul3A_221, %add3A_222 : i32
      %dma_wait3A_224 = arith.constant 0 : i32
      %dma_wait3A_225 = arith.constant 0 : i32
      %dma_wait3A_226 = tpu.memref_slice %arg2[%dma_wait3A_224, %dma_wait3A_225] : memref<10016x128xf32, #tpu.memory_space<hbm>> -> memref<128x128xf32, #tpu.memory_space<hbm>>
      %dma_wait3A_227 = arith.constant 0 : i32
      %dma_wait3A_228 = arith.constant 0 : i32
      %dma_wait3A_229 = tpu.memref_slice %arg2[%dma_wait3A_227, %dma_wait3A_228] : memref<10016x128xf32, #tpu.memory_space<hbm>> -> memref<128x128xf32, #tpu.memory_space<hbm>>
      tpu.wait_dma2 semaphore(%arg16 : memref<!tpu.dma_semaphore, #tpu.memory_space<semaphore_mem>>) src(%dma_wait3A_229 : memref<128x128xf32, #tpu.memory_space<hbm>>) dst(%arg12 : memref<128x128xf32, #tpu.memory_space<vmem>>)
      %dma_wait3A_230 = arith.constant 0 : i32
      %dma_wait3A_231 = arith.constant 0 : i32
      %dma_wait3A_232 = tpu.memref_slice %arg2[%dma_wait3A_230, %dma_wait3A_231] : memref<10016x128xf32, #tpu.memory_space<hbm>> -> memref<128x128xf32, #tpu.memory_space<hbm>>
      %dma_wait3A_233 = arith.constant 0 : i32
      %dma_wait3A_234 = arith.constant 0 : i32
      %dma_wait3A_235 = tpu.memref_slice %arg2[%dma_wait3A_233, %dma_wait3A_234] : memref<10016x128xf32, #tpu.memory_space<hbm>> -> memref<128x128xf32, #tpu.memory_space<hbm>>
      tpu.wait_dma2 semaphore(%arg16 : memref<!tpu.dma_semaphore, #tpu.memory_space<semaphore_mem>>) src(%dma_wait3A_235 : memref<128x128xf32, #tpu.memory_space<hbm>>) dst(%arg13 : memref<128x128xf32, #tpu.memory_space<vmem>>)
      %add3A_236 = arith.constant 2 : i32
      %add3A_237 = arith.addi %add3A_223, %add3A_236 : i32
      %le3A_238 = arith.constant 78 : i32
      %le3A_239 = arith.cmpi sle, %add3A_237, %le3A_238 : i32
      %convert_element_type3A_240 = arith.extui %le3A_239 : i1 to i32
      %cond3A_241 = arith.constant 0 : i32
      %cond3A_242 = arith.cmpi ne, %convert_element_type3A_240, %cond3A_241 : i32
      scf.if %cond3A_242 {
        %ge3A = arith.constant 1 : i32
        %ge3A_253 = arith.cmpi sge, %add3A_223, %ge3A : i32
        %convert_element_type3A_254 = arith.extui %ge3A_253 : i1 to i32
        %cond3A_255 = arith.constant 0 : i32
        %cond3A_256 = arith.cmpi ne, %convert_element_type3A_254, %cond3A_255 : i32
        scf.if %cond3A_256 {
          %dma_wait3A_271 = arith.constant 0 : i32
          %dma_wait3A_272 = tpu.memref_slice %arg5[%mul3A_2, %dma_wait3A_271] : memref<320000x128xf32, #tpu.memory_space<hbm>> -> memref<128x128xf32, #tpu.memory_space<hbm>>
          %dma_wait3A_273 = arith.constant 0 : i32
          %dma_wait3A_274 = tpu.memref_slice %arg5[%mul3A_2, %dma_wait3A_273] : memref<320000x128xf32, #tpu.memory_space<hbm>> -> memref<128x128xf32, #tpu.memory_space<hbm>>
          tpu.wait_dma2 semaphore(%arg18 : memref<!tpu.dma_semaphore, #tpu.memory_space<semaphore_mem>>) src(%arg10 : memref<128x128xf32, #tpu.memory_space<vmem>>) dst(%dma_wait3A_274 : memref<128x128xf32, #tpu.memory_space<hbm>>)
        } else {
        }
        %add3A_257 = arith.constant 2 : i32
        %add3A_258 = arith.addi %add3A_223, %add3A_257 : i32
        %mul3A_259 = arith.constant 128 : i32
        %mul3A_260 = arith.muli %add3A_258, %mul3A_259 : i32
        %dma_start3A_261 = tpu.memref_slice %arg6[%mul3A_260] : memref<10112xi32, #tpu.memory_space<vmem>> -> memref<128xi32, #tpu.memory_space<vmem>>
        %dma_start3A_262 = arith.constant 0 : i32
        %dma_start3A_263 = arith.constant 0 : i32
        %dma_start3A_264 = tpu.memref_slice %arg2[%dma_start3A_262, %dma_start3A_263] : memref<10016x128xf32, #tpu.memory_space<hbm>> -> memref<10016x128xf32, #tpu.memory_space<hbm>>
        tpu.enqueue_indirect_dma source(%dma_start3A_264 : memref<10016x128xf32, #tpu.memory_space<hbm>>) target(%arg10 : memref<128x128xf32, #tpu.memory_space<vmem>>) offsets(%dma_start3A_261 : memref<128xi32, #tpu.memory_space<vmem>>) semaphore(%arg15 : memref<!tpu.dma_semaphore, #tpu.memory_space<semaphore_mem>>)
        %mul3A_265 = arith.constant 128 : i32
        %mul3A_266 = arith.muli %add3A_258, %mul3A_265 : i32
        %dma_start3A_267 = tpu.memref_slice %arg7[%mul3A_266] : memref<10112xi32, #tpu.memory_space<vmem>> -> memref<128xi32, #tpu.memory_space<vmem>>
        %dma_start3A_268 = arith.constant 0 : i32
        %dma_start3A_269 = arith.constant 0 : i32
        %dma_start3A_270 = tpu.memref_slice %arg2[%dma_start3A_268, %dma_start3A_269] : memref<10016x128xf32, #tpu.memory_space<hbm>> -> memref<10016x128xf32, #tpu.memory_space<hbm>>
        tpu.enqueue_indirect_dma source(%dma_start3A_270 : memref<10016x128xf32, #tpu.memory_space<hbm>>) target(%arg11 : memref<128x128xf32, #tpu.memory_space<vmem>>) offsets(%dma_start3A_267 : memref<128xi32, #tpu.memory_space<vmem>>) semaphore(%arg15 : memref<!tpu.dma_semaphore, #tpu.memory_space<semaphore_mem>>)
      } else {
      }
      %parallel_loop3A_243 = arith.constant 0 : i32
      %parallel_loop3A_244 = arith.constant 128 : i32
      %parallel_loop3A_245 = arith.constant 1 : i32
      scf.for %parallel_loop3A_253 = %parallel_loop3A_243 to %parallel_loop3A_244 step %parallel_loop3A_245  : i32 {
        %parallel_loop3A_254 = arith.index_cast %parallel_loop3A_253 : i32 to index
        %parallel_loop3A_255 = arith.constant 0 : index
        %parallel_loop3A_256 = tpu.vector_load %arg12[%parallel_loop3A_254, %parallel_loop3A_255] {strides = array<i32>} : memref<128x128xf32, #tpu.memory_space<vmem>>, vector<1x16xf32>,
        %parallel_loop3A_257 = vector.shape_cast %parallel_loop3A_256 : vector<1x16xf32> to vector<16xf32>
        %parallel_loop3A_258 = arith.index_cast %parallel_loop3A_253 : i32 to index
        %parallel_loop3A_259 = arith.constant 0 : index
        %parallel_loop3A_260 = tpu.vector_load %arg13[%parallel_loop3A_258, %parallel_loop3A_259] {strides = array<i32>} : memref<128x128xf32, #tpu.memory_space<vmem>>, vector<1x16xf32>,
        %parallel_loop3A_261 = vector.shape_cast %parallel_loop3A_260 : vector<1x16xf32> to vector<16xf32>
        %parallel_loop3A_262 = arith.addf %parallel_loop3A_257, %parallel_loop3A_261 : vector<16xf32>
        %parallel_loop3A_263 = arith.index_cast %parallel_loop3A_253 : i32 to index
        %parallel_loop3A_264 = arith.constant 0 : index
        %parallel_loop3A_265 = tpu.vector_load %arg12[%parallel_loop3A_263, %parallel_loop3A_264] {strides = array<i32>} : memref<128x128xf32, #tpu.memory_space<vmem>>, vector<1x16xf32>,
        %parallel_loop3A_266 = vector.shape_cast %parallel_loop3A_265 : vector<1x16xf32> to vector<16xf32>
        %parallel_loop3A_267 = vector.shape_cast %parallel_loop3A_262 : vector<16xf32> to vector<1x16xf32>
        tpu.vector_store %arg12[%parallel_loop3A_263, %parallel_loop3A_264], %parallel_loop3A_267 {strides = array<i32>} : memref<128x128xf32, #tpu.memory_space<vmem>>, vector<1x16xf32>,
        %parallel_loop3A_268 = arith.index_cast %parallel_loop3A_253 : i32 to index
        %parallel_loop3A_269 = arith.constant 16 : index
        %parallel_loop3A_270 = tpu.vector_load %arg12[%parallel_loop3A_268, %parallel_loop3A_269] {strides = array<i32>} : memref<128x128xf32, #tpu.memory_space<vmem>>, vector<1x16xf32>,
        %parallel_loop3A_271 = vector.shape_cast %parallel_loop3A_270 : vector<1x16xf32> to vector<16xf32>
        %parallel_loop3A_272 = arith.index_cast %parallel_loop3A_253 : i32 to index
        %parallel_loop3A_273 = arith.constant 16 : index
        %parallel_loop3A_274 = tpu.vector_load %arg13[%parallel_loop3A_272, %parallel_loop3A_273] {strides = array<i32>} : memref<128x128xf32, #tpu.memory_space<vmem>>, vector<1x16xf32>,
        %parallel_loop3A_275 = vector.shape_cast %parallel_loop3A_274 : vector<1x16xf32> to vector<16xf32>
        %parallel_loop3A_276 = arith.addf %parallel_loop3A_271, %parallel_loop3A_275 : vector<16xf32>
        %parallel_loop3A_277 = arith.index_cast %parallel_loop3A_253 : i32 to index
        %parallel_loop3A_278 = arith.constant 16 : index
        %parallel_loop3A_279 = tpu.vector_load %arg12[%parallel_loop3A_277, %parallel_loop3A_278] {strides = array<i32>} : memref<128x128xf32, #tpu.memory_space<vmem>>, vector<1x16xf32>,
        %parallel_loop3A_280 = vector.shape_cast %parallel_loop3A_279 : vector<1x16xf32> to vector<16xf32>
        %parallel_loop3A_281 = vector.shape_cast %parallel_loop3A_276 : vector<16xf32> to vector<1x16xf32>
        tpu.vector_store %arg12[%parallel_loop3A_277, %parallel_loop3A_278], %parallel_loop3A_281 {strides = array<i32>} : memref<128x128xf32, #tpu.memory_space<vmem>>, vector<1x16xf32>,
        %parallel_loop3A_282 = arith.index_cast %parallel_loop3A_253 : i32 to index
        %parallel_loop3A_283 = arith.constant 32 : index
        %parallel_loop3A_284 = tpu.vector_load %arg12[%parallel_loop3A_282, %parallel_loop3A_283] {strides = array<i32>} : memref<128x128xf32, #tpu.memory_space<vmem>>, vector<1x16xf32>,
        %parallel_loop3A_285 = vector.shape_cast %parallel_loop3A_284 : vector<1x16xf32> to vector<16xf32>
        %parallel_loop3A_286 = arith.index_cast %parallel_loop3A_253 : i32 to index
        %parallel_loop3A_287 = arith.constant 32 : index
        %parallel_loop3A_288 = tpu.vector_load %arg13[%parallel_loop3A_286, %parallel_loop3A_287] {strides = array<i32>} : memref<128x128xf32, #tpu.memory_space<vmem>>, vector<1x16xf32>,
        %parallel_loop3A_289 = vector.shape_cast %parallel_loop3A_288 : vector<1x16xf32> to vector<16xf32>
        %parallel_loop3A_290 = arith.addf %parallel_loop3A_285, %parallel_loop3A_289 : vector<16xf32>
        %parallel_loop3A_291 = arith.index_cast %parallel_loop3A_253 : i32 to index
        %parallel_loop3A_292 = arith.constant 32 : index
        %parallel_loop3A_293 = tpu.vector_load %arg12[%parallel_loop3A_291, %parallel_loop3A_292] {strides = array<i32>} : memref<128x128xf32, #tpu.memory_space<vmem>>, vector<1x16xf32>,
        %parallel_loop3A_294 = vector.shape_cast %parallel_loop3A_293 : vector<1x16xf32> to vector<16xf32>
        %parallel_loop3A_295 = vector.shape_cast %parallel_loop3A_290 : vector<16xf32> to vector<1x16xf32>
        tpu.vector_store %arg12[%parallel_loop3A_291, %parallel_loop3A_292], %parallel_loop3A_295 {strides = array<i32>} : memref<128x128xf32, #tpu.memory_space<vmem>>, vector<1x16xf32>,
        %parallel_loop3A_296 = arith.index_cast %parallel_loop3A_253 : i32 to index
        %parallel_loop3A_297 = arith.constant 48 : index
        %parallel_loop3A_298 = tpu.vector_load %arg12[%parallel_loop3A_296, %parallel_loop3A_297] {strides = array<i32>} : memref<128x128xf32, #tpu.memory_space<vmem>>, vector<1x16xf32>,
        %parallel_loop3A_299 = vector.shape_cast %parallel_loop3A_298 : vector<1x16xf32> to vector<16xf32>
        %parallel_loop3A_300 = arith.index_cast %parallel_loop3A_253 : i32 to index
        %parallel_loop3A_301 = arith.constant 48 : index
        %parallel_loop3A_302 = tpu.vector_load %arg13[%parallel_loop3A_300, %parallel_loop3A_301] {strides = array<i32>} : memref<128x128xf32, #tpu.memory_space<vmem>>, vector<1x16xf32>,
        %parallel_loop3A_303 = vector.shape_cast %parallel_loop3A_302 : vector<1x16xf32> to vector<16xf32>
        %parallel_loop3A_304 = arith.addf %parallel_loop3A_299, %parallel_loop3A_303 : vector<16xf32>
        %parallel_loop3A_305 = arith.index_cast %parallel_loop3A_253 : i32 to index
        %parallel_loop3A_306 = arith.constant 48 : index
        %parallel_loop3A_307 = tpu.vector_load %arg12[%parallel_loop3A_305, %parallel_loop3A_306] {strides = array<i32>} : memref<128x128xf32, #tpu.memory_space<vmem>>, vector<1x16xf32>,
        %parallel_loop3A_308 = vector.shape_cast %parallel_loop3A_307 : vector<1x16xf32> to vector<16xf32>
        %parallel_loop3A_309 = vector.shape_cast %parallel_loop3A_304 : vector<16xf32> to vector<1x16xf32>
        tpu.vector_store %arg12[%parallel_loop3A_305, %parallel_loop3A_306], %parallel_loop3A_309 {strides = array<i32>} : memref<128x128xf32, #tpu.memory_space<vmem>>, vector<1x16xf32>,
        %parallel_loop3A_310 = arith.index_cast %parallel_loop3A_253 : i32 to index
        %parallel_loop3A_311 = arith.constant 64 : index
        %parallel_loop3A_312 = tpu.vector_load %arg12[%parallel_loop3A_310, %parallel_loop3A_311] {strides = array<i32>} : memref<128x128xf32, #tpu.memory_space<vmem>>, vector<1x16xf32>,
        %parallel_loop3A_313 = vector.shape_cast %parallel_loop3A_312 : vector<1x16xf32> to vector<16xf32>
        %parallel_loop3A_314 = arith.index_cast %parallel_loop3A_253 : i32 to index
        %parallel_loop3A_315 = arith.constant 64 : index
        %parallel_loop3A_316 = tpu.vector_load %arg13[%parallel_loop3A_314, %parallel_loop3A_315] {strides = array<i32>} : memref<128x128xf32, #tpu.memory_space<vmem>>, vector<1x16xf32>,
        %parallel_loop3A_317 = vector.shape_cast %parallel_loop3A_316 : vector<1x16xf32> to vector<16xf32>
        %parallel_loop3A_318 = arith.addf %parallel_loop3A_313, %parallel_loop3A_317 : vector<16xf32>
        %parallel_loop3A_319 = arith.index_cast %parallel_loop3A_253 : i32 to index
        %parallel_loop3A_320 = arith.constant 64 : index
        %parallel_loop3A_321 = tpu.vector_load %arg12[%parallel_loop3A_319, %parallel_loop3A_320] {strides = array<i32>} : memref<128x128xf32, #tpu.memory_space<vmem>>, vector<1x16xf32>,
        %parallel_loop3A_322 = vector.shape_cast %parallel_loop3A_321 : vector<1x16xf32> to vector<16xf32>
        %parallel_loop3A_323 = vector.shape_cast %parallel_loop3A_318 : vector<16xf32> to vector<1x16xf32>
        tpu.vector_store %arg12[%parallel_loop3A_319, %parallel_loop3A_320], %parallel_loop3A_323 {strides = array<i32>} : memref<128x128xf32, #tpu.memory_space<vmem>>, vector<1x16xf32>,
        %parallel_loop3A_324 = arith.index_cast %parallel_loop3A_253 : i32 to index
        %parallel_loop3A_325 = arith.constant 80 : index
        %parallel_loop3A_326 = tpu.vector_load %arg12[%parallel_loop3A_324, %parallel_loop3A_325] {strides = array<i32>} : memref<128x128xf32, #tpu.memory_space<vmem>>, vector<1x16xf32>,
        %parallel_loop3A_327 = vector.shape_cast %parallel_loop3A_326 : vector<1x16xf32> to vector<16xf32>
        %parallel_loop3A_328 = arith.index_cast %parallel_loop3A_253 : i32 to index
        %parallel_loop3A_329 = arith.constant 80 : index
        %parallel_loop3A_330 = tpu.vector_load %arg13[%parallel_loop3A_328, %parallel_loop3A_329] {strides = array<i32>} : memref<128x128xf32, #tpu.memory_space<vmem>>, vector<1x16xf32>,
        %parallel_loop3A_331 = vector.shape_cast %parallel_loop3A_330 : vector<1x16xf32> to vector<16xf32>
        %parallel_loop3A_332 = arith.addf %parallel_loop3A_327, %parallel_loop3A_331 : vector<16xf32>
        %parallel_loop3A_333 = arith.index_cast %parallel_loop3A_253 : i32 to index
        %parallel_loop3A_334 = arith.constant 80 : index
        %parallel_loop3A_335 = tpu.vector_load %arg12[%parallel_loop3A_333, %parallel_loop3A_334] {strides = array<i32>} : memref<128x128xf32, #tpu.memory_space<vmem>>, vector<1x16xf32>,
        %parallel_loop3A_336 = vector.shape_cast %parallel_loop3A_335 : vector<1x16xf32> to vector<16xf32>
        %parallel_loop3A_337 = vector.shape_cast %parallel_loop3A_332 : vector<16xf32> to vector<1x16xf32>
        tpu.vector_store %arg12[%parallel_loop3A_333, %parallel_loop3A_334], %parallel_loop3A_337 {strides = array<i32>} : memref<128x128xf32, #tpu.memory_space<vmem>>, vector<1x16xf32>,
        %parallel_loop3A_338 = arith.index_cast %parallel_loop3A_253 : i32 to index
        %parallel_loop3A_339 = arith.constant 96 : index
        %parallel_loop3A_340 = tpu.vector_load %arg12[%parallel_loop3A_338, %parallel_loop3A_339] {strides = array<i32>} : memref<128x128xf32, #tpu.memory_space<vmem>>, vector<1x16xf32>,
        %parallel_loop3A_341 = vector.shape_cast %parallel_loop3A_340 : vector<1x16xf32> to vector<16xf32>
        %parallel_loop3A_342 = arith.index_cast %parallel_loop3A_253 : i32 to index
        %parallel_loop3A_343 = arith.constant 96 : index
        %parallel_loop3A_344 = tpu.vector_load %arg13[%parallel_loop3A_342, %parallel_loop3A_343] {strides = array<i32>} : memref<128x128xf32, #tpu.memory_space<vmem>>, vector<1x16xf32>,
        %parallel_loop3A_345 = vector.shape_cast %parallel_loop3A_344 : vector<1x16xf32> to vector<16xf32>
        %parallel_loop3A_346 = arith.addf %parallel_loop3A_341, %parallel_loop3A_345 : vector<16xf32>
        %parallel_loop3A_347 = arith.index_cast %parallel_loop3A_253 : i32 to index
        %parallel_loop3A_348 = arith.constant 96 : index
        %parallel_loop3A_349 = tpu.vector_load %arg12[%parallel_loop3A_347, %parallel_loop3A_348] {strides = array<i32>} : memref<128x128xf32, #tpu.memory_space<vmem>>, vector<1x16xf32>,
        %parallel_loop3A_350 = vector.shape_cast %parallel_loop3A_349 : vector<1x16xf32> to vector<16xf32>
        %parallel_loop3A_351 = vector.shape_cast %parallel_loop3A_346 : vector<16xf32> to vector<1x16xf32>
        tpu.vector_store %arg12[%parallel_loop3A_347, %parallel_loop3A_348], %parallel_loop3A_351 {strides = array<i32>} : memref<128x128xf32, #tpu.memory_space<vmem>>, vector<1x16xf32>,
        %parallel_loop3A_352 = arith.index_cast %parallel_loop3A_253 : i32 to index
        %parallel_loop3A_353 = arith.constant 112 : index
        %parallel_loop3A_354 = tpu.vector_load %arg12[%parallel_loop3A_352, %parallel_loop3A_353] {strides = array<i32>} : memref<128x128xf32, #tpu.memory_space<vmem>>, vector<1x16xf32>,
        %parallel_loop3A_355 = vector.shape_cast %parallel_loop3A_354 : vector<1x16xf32> to vector<16xf32>
        %parallel_loop3A_356 = arith.index_cast %parallel_loop3A_253 : i32 to index
        %parallel_loop3A_357 = arith.constant 112 : index
        %parallel_loop3A_358 = tpu.vector_load %arg13[%parallel_loop3A_356, %parallel_loop3A_357] {strides = array<i32>} : memref<128x128xf32, #tpu.memory_space<vmem>>, vector<1x16xf32>,
        %parallel_loop3A_359 = vector.shape_cast %parallel_loop3A_358 : vector<1x16xf32> to vector<16xf32>
        %parallel_loop3A_360 = arith.addf %parallel_loop3A_355, %parallel_loop3A_359 : vector<16xf32>
        %parallel_loop3A_361 = arith.index_cast %parallel_loop3A_253 : i32 to index
        %parallel_loop3A_362 = arith.constant 112 : index
        %parallel_loop3A_363 = tpu.vector_load %arg12[%parallel_loop3A_361, %parallel_loop3A_362] {strides = array<i32>} : memref<128x128xf32, #tpu.memory_space<vmem>>, vector<1x16xf32>,
        %parallel_loop3A_364 = vector.shape_cast %parallel_loop3A_363 : vector<1x16xf32> to vector<16xf32>
        %parallel_loop3A_365 = vector.shape_cast %parallel_loop3A_360 : vector<16xf32> to vector<1x16xf32>
        tpu.vector_store %arg12[%parallel_loop3A_361, %parallel_loop3A_362], %parallel_loop3A_365 {strides = array<i32>} : memref<128x128xf32, #tpu.memory_space<vmem>>, vector<1x16xf32>,
      } {sc.loop_unroll_factor = 4 : i64, sc.parallel_access}
      %mul3A_246 = arith.constant 128 : i32
      %mul3A_247 = arith.muli %add3A_223, %mul3A_246 : i32
      %add3A_248 = arith.addi %mul3A_2, %mul3A_247 : i32
      %dma_start3A_249 = arith.constant 0 : i32
      %dma_start3A_250 = tpu.memref_slice %arg5[%add3A_248, %dma_start3A_249] : memref<320000x128xf32, #tpu.memory_space<hbm>> -> memref<128x128xf32, #tpu.memory_space<hbm>>
      %dma_start3A_251 = arith.constant 0 : i32
      %dma_start3A_252 = tpu.memref_slice %arg5[%add3A_248, %dma_start3A_251] : memref<320000x128xf32, #tpu.memory_space<hbm>> -> memref<128x128xf32, #tpu.memory_space<hbm>>
      tpu.enqueue_dma source(%arg12 : memref<128x128xf32, #tpu.memory_space<vmem>>) target(%dma_start3A_252 : memref<128x128xf32, #tpu.memory_space<hbm>>) target_semaphore(%arg19 : memref<!tpu.dma_semaphore, #tpu.memory_space<semaphore_mem>>)
    }
    %scan3A_131 = arith.constant 26 : i32
    %dma_wait3A_132 = arith.constant 0 : i32
    %dma_wait3A_133 = tpu.memref_slice %arg5[%mul3A_2, %dma_wait3A_132] : memref<320000x128xf32, #tpu.memory_space<hbm>> -> memref<128x128xf32, #tpu.memory_space<hbm>>
    %dma_wait3A_134 = arith.constant 0 : i32
    %dma_wait3A_135 = tpu.memref_slice %arg5[%mul3A_2, %dma_wait3A_134] : memref<320000x128xf32, #tpu.memory_space<hbm>> -> memref<128x128xf32, #tpu.memory_space<hbm>>
    tpu.wait_dma2 semaphore(%arg18 : memref<!tpu.dma_semaphore, #tpu.memory_space<semaphore_mem>>) src(%arg10 : memref<128x128xf32, #tpu.memory_space<vmem>>) dst(%dma_wait3A_135 : memref<128x128xf32, #tpu.memory_space<hbm>>)
    %dma_wait3A_136 = arith.constant 0 : i32
    %dma_wait3A_137 = tpu.memref_slice %arg5[%mul3A_2, %dma_wait3A_136] : memref<320000x128xf32, #tpu.memory_space<hbm>> -> memref<128x128xf32, #tpu.memory_space<hbm>>
    %dma_wait3A_138 = arith.constant 0 : i32
    %dma_wait3A_139 = tpu.memref_slice %arg5[%mul3A_2, %dma_wait3A_138] : memref<320000x128xf32, #tpu.memory_space<hbm>> -> memref<128x128xf32, #tpu.memory_space<hbm>>
    tpu.wait_dma2 semaphore(%arg19 : memref<!tpu.dma_semaphore, #tpu.memory_space<semaphore_mem>>) src(%arg12 : memref<128x128xf32, #tpu.memory_space<vmem>>) dst(%dma_wait3A_139 : memref<128x128xf32, #tpu.memory_space<hbm>>)
    %dma_wait3A_140 = arith.constant 0 : i32
    %dma_wait3A_141 = arith.constant 0 : i32
    %dma_wait3A_142 = tpu.memref_slice %arg2[%dma_wait3A_140, %dma_wait3A_141] : memref<10016x128xf32, #tpu.memory_space<hbm>> -> memref<128x128xf32, #tpu.memory_space<hbm>>
    %dma_wait3A_143 = arith.constant 0 : i32
    %dma_wait3A_144 = arith.constant 0 : i32
    %dma_wait3A_145 = tpu.memref_slice %arg2[%dma_wait3A_143, %dma_wait3A_144] : memref<10016x128xf32, #tpu.memory_space<hbm>> -> memref<128x128xf32, #tpu.memory_space<hbm>>
    tpu.wait_dma2 semaphore(%arg14 : memref<!tpu.dma_semaphore, #tpu.memory_space<semaphore_mem>>) src(%dma_wait3A_145 : memref<128x128xf32, #tpu.memory_space<hbm>>) dst(%arg8 : memref<128x128xf32, #tpu.memory_space<vmem>>)
    %dma_wait3A_146 = arith.constant 0 : i32
    %dma_wait3A_147 = arith.constant 0 : i32
    %dma_wait3A_148 = tpu.memref_slice %arg2[%dma_wait3A_146, %dma_wait3A_147] : memref<10016x128xf32, #tpu.memory_space<hbm>> -> memref<128x128xf32, #tpu.memory_space<hbm>>
    %dma_wait3A_149 = arith.constant 0 : i32
    %dma_wait3A_150 = arith.constant 0 : i32
    %dma_wait3A_151 = tpu.memref_slice %arg2[%dma_wait3A_149, %dma_wait3A_150] : memref<10016x128xf32, #tpu.memory_space<hbm>> -> memref<128x128xf32, #tpu.memory_space<hbm>>
    tpu.wait_dma2 semaphore(%arg14 : memref<!tpu.dma_semaphore, #tpu.memory_space<semaphore_mem>>) src(%dma_wait3A_151 : memref<128x128xf32, #tpu.memory_space<hbm>>) dst(%arg9 : memref<128x128xf32, #tpu.memory_space<vmem>>)
    %parallel_loop3A = arith.constant 0 : i32
    %parallel_loop3A_152 = arith.constant 128 : i32
    %parallel_loop3A_153 = arith.constant 1 : i32
    scf.for %parallel_loop3A_156 = %parallel_loop3A to %parallel_loop3A_152 step %parallel_loop3A_153  : i32 {
      %parallel_loop3A_157 = arith.index_cast %parallel_loop3A_156 : i32 to index
      %parallel_loop3A_158 = arith.constant 0 : index
      %parallel_loop3A_159 = tpu.vector_load %arg8[%parallel_loop3A_157, %parallel_loop3A_158] {strides = array<i32>} : memref<128x128xf32, #tpu.memory_space<vmem>>, vector<1x16xf32>,
      %parallel_loop3A_160 = vector.shape_cast %parallel_loop3A_159 : vector<1x16xf32> to vector<16xf32>
      %parallel_loop3A_161 = arith.index_cast %parallel_loop3A_156 : i32 to index
      %parallel_loop3A_162 = arith.constant 0 : index
      %parallel_loop3A_163 = tpu.vector_load %arg9[%parallel_loop3A_161, %parallel_loop3A_162] {strides = array<i32>} : memref<128x128xf32, #tpu.memory_space<vmem>>, vector<1x16xf32>,
      %parallel_loop3A_164 = vector.shape_cast %parallel_loop3A_163 : vector<1x16xf32> to vector<16xf32>
      %parallel_loop3A_165 = arith.addf %parallel_loop3A_160, %parallel_loop3A_164 : vector<16xf32>
      %parallel_loop3A_166 = arith.index_cast %parallel_loop3A_156 : i32 to index
      %parallel_loop3A_167 = arith.constant 0 : index
      %parallel_loop3A_168 = tpu.vector_load %arg8[%parallel_loop3A_166, %parallel_loop3A_167] {strides = array<i32>} : memref<128x128xf32, #tpu.memory_space<vmem>>, vector<1x16xf32>,
      %parallel_loop3A_169 = vector.shape_cast %parallel_loop3A_168 : vector<1x16xf32> to vector<16xf32>
      %parallel_loop3A_170 = vector.shape_cast %parallel_loop3A_165 : vector<16xf32> to vector<1x16xf32>
      tpu.vector_store %arg8[%parallel_loop3A_166, %parallel_loop3A_167], %parallel_loop3A_170 {strides = array<i32>} : memref<128x128xf32, #tpu.memory_space<vmem>>, vector<1x16xf32>,
      %parallel_loop3A_171 = arith.index_cast %parallel_loop3A_156 : i32 to index
      %parallel_loop3A_172 = arith.constant 16 : index
      %parallel_loop3A_173 = tpu.vector_load %arg8[%parallel_loop3A_171, %parallel_loop3A_172] {strides = array<i32>} : memref<128x128xf32, #tpu.memory_space<vmem>>, vector<1x16xf32>,
      %parallel_loop3A_174 = vector.shape_cast %parallel_loop3A_173 : vector<1x16xf32> to vector<16xf32>
      %parallel_loop3A_175 = arith.index_cast %parallel_loop3A_156 : i32 to index
      %parallel_loop3A_176 = arith.constant 16 : index
      %parallel_loop3A_177 = tpu.vector_load %arg9[%parallel_loop3A_175, %parallel_loop3A_176] {strides = array<i32>} : memref<128x128xf32, #tpu.memory_space<vmem>>, vector<1x16xf32>,
      %parallel_loop3A_178 = vector.shape_cast %parallel_loop3A_177 : vector<1x16xf32> to vector<16xf32>
      %parallel_loop3A_179 = arith.addf %parallel_loop3A_174, %parallel_loop3A_178 : vector<16xf32>
      %parallel_loop3A_180 = arith.index_cast %parallel_loop3A_156 : i32 to index
      %parallel_loop3A_181 = arith.constant 16 : index
      %parallel_loop3A_182 = tpu.vector_load %arg8[%parallel_loop3A_180, %parallel_loop3A_181] {strides = array<i32>} : memref<128x128xf32, #tpu.memory_space<vmem>>, vector<1x16xf32>,
      %parallel_loop3A_183 = vector.shape_cast %parallel_loop3A_182 : vector<1x16xf32> to vector<16xf32>
      %parallel_loop3A_184 = vector.shape_cast %parallel_loop3A_179 : vector<16xf32> to vector<1x16xf32>
      tpu.vector_store %arg8[%parallel_loop3A_180, %parallel_loop3A_181], %parallel_loop3A_184 {strides = array<i32>} : memref<128x128xf32, #tpu.memory_space<vmem>>, vector<1x16xf32>,
      %parallel_loop3A_185 = arith.index_cast %parallel_loop3A_156 : i32 to index
      %parallel_loop3A_186 = arith.constant 32 : index
      %parallel_loop3A_187 = tpu.vector_load %arg8[%parallel_loop3A_185, %parallel_loop3A_186] {strides = array<i32>} : memref<128x128xf32, #tpu.memory_space<vmem>>, vector<1x16xf32>,
      %parallel_loop3A_188 = vector.shape_cast %parallel_loop3A_187 : vector<1x16xf32> to vector<16xf32>
      %parallel_loop3A_189 = arith.index_cast %parallel_loop3A_156 : i32 to index
      %parallel_loop3A_190 = arith.constant 32 : index
      %parallel_loop3A_191 = tpu.vector_load %arg9[%parallel_loop3A_189, %parallel_loop3A_190] {strides = array<i32>} : memref<128x128xf32, #tpu.memory_space<vmem>>, vector<1x16xf32>,
      %parallel_loop3A_192 = vector.shape_cast %parallel_loop3A_191 : vector<1x16xf32> to vector<16xf32>
      %parallel_loop3A_193 = arith.addf %parallel_loop3A_188, %parallel_loop3A_192 : vector<16xf32>
      %parallel_loop3A_194 = arith.index_cast %parallel_loop3A_156 : i32 to index
      %parallel_loop3A_195 = arith.constant 32 : index
      %parallel_loop3A_196 = tpu.vector_load %arg8[%parallel_loop3A_194, %parallel_loop3A_195] {strides = array<i32>} : memref<128x128xf32, #tpu.memory_space<vmem>>, vector<1x16xf32>,
      %parallel_loop3A_197 = vector.shape_cast %parallel_loop3A_196 : vector<1x16xf32> to vector<16xf32>
      %parallel_loop3A_198 = vector.shape_cast %parallel_loop3A_193 : vector<16xf32> to vector<1x16xf32>
      tpu.vector_store %arg8[%parallel_loop3A_194, %parallel_loop3A_195], %parallel_loop3A_198 {strides = array<i32>} : memref<128x128xf32, #tpu.memory_space<vmem>>, vector<1x16xf32>,
      %parallel_loop3A_199 = arith.index_cast %parallel_loop3A_156 : i32 to index
      %parallel_loop3A_200 = arith.constant 48 : index
      %parallel_loop3A_201 = tpu.vector_load %arg8[%parallel_loop3A_199, %parallel_loop3A_200] {strides = array<i32>} : memref<128x128xf32, #tpu.memory_space<vmem>>, vector<1x16xf32>,
      %parallel_loop3A_202 = vector.shape_cast %parallel_loop3A_201 : vector<1x16xf32> to vector<16xf32>
      %parallel_loop3A_203 = arith.index_cast %parallel_loop3A_156 : i32 to index
      %parallel_loop3A_204 = arith.constant 48 : index
      %parallel_loop3A_205 = tpu.vector_load %arg9[%parallel_loop3A_203, %parallel_loop3A_204] {strides = array<i32>} : memref<128x128xf32, #tpu.memory_space<vmem>>, vector<1x16xf32>,
      %parallel_loop3A_206 = vector.shape_cast %parallel_loop3A_205 : vector<1x16xf32> to vector<16xf32>
      %parallel_loop3A_207 = arith.addf %parallel_loop3A_202, %parallel_loop3A_206 : vector<16xf32>
      %parallel_loop3A_208 = arith.index_cast %parallel_loop3A_156 : i32 to index
      %parallel_loop3A_209 = arith.constant 48 : index
      %parallel_loop3A_210 = tpu.vector_load %arg8[%parallel_loop3A_208, %parallel_loop3A_209] {strides = array<i32>} : memref<128x128xf32, #tpu.memory_space<vmem>>, vector<1x16xf32>,
      %parallel_loop3A_211 = vector.shape_cast %parallel_loop3A_210 : vector<1x16xf32> to vector<16xf32>
      %parallel_loop3A_212 = vector.shape_cast %parallel_loop3A_207 : vector<16xf32> to vector<1x16xf32>
      tpu.vector_store %arg8[%parallel_loop3A_208, %parallel_loop3A_209], %parallel_loop3A_212 {strides = array<i32>} : memref<128x128xf32, #tpu.memory_space<vmem>>, vector<1x16xf32>,
      %parallel_loop3A_213 = arith.index_cast %parallel_loop3A_156 : i32 to index
      %parallel_loop3A_214 = arith.constant 64 : index
      %parallel_loop3A_215 = tpu.vector_load %arg8[%parallel_loop3A_213, %parallel_loop3A_214] {strides = array<i32>} : memref<128x128xf32, #tpu.memory_space<vmem>>, vector<1x16xf32>,
      %parallel_loop3A_216 = vector.shape_cast %parallel_loop3A_215 : vector<1x16xf32> to vector<16xf32>
      %parallel_loop3A_217 = arith.index_cast %parallel_loop3A_156 : i32 to index
      %parallel_loop3A_218 = arith.constant 64 : index
      %parallel_loop3A_219 = tpu.vector_load %arg9[%parallel_loop3A_217, %parallel_loop3A_218] {strides = array<i32>} : memref<128x128xf32, #tpu.memory_space<vmem>>, vector<1x16xf32>,
      %parallel_loop3A_220 = vector.shape_cast %parallel_loop3A_219 : vector<1x16xf32> to vector<16xf32>
      %parallel_loop3A_221 = arith.addf %parallel_loop3A_216, %parallel_loop3A_220 : vector<16xf32>
      %parallel_loop3A_222 = arith.index_cast %parallel_loop3A_156 : i32 to index
      %parallel_loop3A_223 = arith.constant 64 : index
      %parallel_loop3A_224 = tpu.vector_load %arg8[%parallel_loop3A_222, %parallel_loop3A_223] {strides = array<i32>} : memref<128x128xf32, #tpu.memory_space<vmem>>, vector<1x16xf32>,
      %parallel_loop3A_225 = vector.shape_cast %parallel_loop3A_224 : vector<1x16xf32> to vector<16xf32>
      %parallel_loop3A_226 = vector.shape_cast %parallel_loop3A_221 : vector<16xf32> to vector<1x16xf32>
      tpu.vector_store %arg8[%parallel_loop3A_222, %parallel_loop3A_223], %parallel_loop3A_226 {strides = array<i32>} : memref<128x128xf32, #tpu.memory_space<vmem>>, vector<1x16xf32>,
      %parallel_loop3A_227 = arith.index_cast %parallel_loop3A_156 : i32 to index
      %parallel_loop3A_228 = arith.constant 80 : index
      %parallel_loop3A_229 = tpu.vector_load %arg8[%parallel_loop3A_227, %parallel_loop3A_228] {strides = array<i32>} : memref<128x128xf32, #tpu.memory_space<vmem>>, vector<1x16xf32>,
      %parallel_loop3A_230 = vector.shape_cast %parallel_loop3A_229 : vector<1x16xf32> to vector<16xf32>
      %parallel_loop3A_231 = arith.index_cast %parallel_loop3A_156 : i32 to index
      %parallel_loop3A_232 = arith.constant 80 : index
      %parallel_loop3A_233 = tpu.vector_load %arg9[%parallel_loop3A_231, %parallel_loop3A_232] {strides = array<i32>} : memref<128x128xf32, #tpu.memory_space<vmem>>, vector<1x16xf32>,
      %parallel_loop3A_234 = vector.shape_cast %parallel_loop3A_233 : vector<1x16xf32> to vector<16xf32>
      %parallel_loop3A_235 = arith.addf %parallel_loop3A_230, %parallel_loop3A_234 : vector<16xf32>
      %parallel_loop3A_236 = arith.index_cast %parallel_loop3A_156 : i32 to index
      %parallel_loop3A_237 = arith.constant 80 : index
      %parallel_loop3A_238 = tpu.vector_load %arg8[%parallel_loop3A_236, %parallel_loop3A_237] {strides = array<i32>} : memref<128x128xf32, #tpu.memory_space<vmem>>, vector<1x16xf32>,
      %parallel_loop3A_239 = vector.shape_cast %parallel_loop3A_238 : vector<1x16xf32> to vector<16xf32>
      %parallel_loop3A_240 = vector.shape_cast %parallel_loop3A_235 : vector<16xf32> to vector<1x16xf32>
      tpu.vector_store %arg8[%parallel_loop3A_236, %parallel_loop3A_237], %parallel_loop3A_240 {strides = array<i32>} : memref<128x128xf32, #tpu.memory_space<vmem>>, vector<1x16xf32>,
      %parallel_loop3A_241 = arith.index_cast %parallel_loop3A_156 : i32 to index
      %parallel_loop3A_242 = arith.constant 96 : index
      %parallel_loop3A_243 = tpu.vector_load %arg8[%parallel_loop3A_241, %parallel_loop3A_242] {strides = array<i32>} : memref<128x128xf32, #tpu.memory_space<vmem>>, vector<1x16xf32>,
      %parallel_loop3A_244 = vector.shape_cast %parallel_loop3A_243 : vector<1x16xf32> to vector<16xf32>
      %parallel_loop3A_245 = arith.index_cast %parallel_loop3A_156 : i32 to index
      %parallel_loop3A_246 = arith.constant 96 : index
      %parallel_loop3A_247 = tpu.vector_load %arg9[%parallel_loop3A_245, %parallel_loop3A_246] {strides = array<i32>} : memref<128x128xf32, #tpu.memory_space<vmem>>, vector<1x16xf32>,
      %parallel_loop3A_248 = vector.shape_cast %parallel_loop3A_247 : vector<1x16xf32> to vector<16xf32>
      %parallel_loop3A_249 = arith.addf %parallel_loop3A_244, %parallel_loop3A_248 : vector<16xf32>
      %parallel_loop3A_250 = arith.index_cast %parallel_loop3A_156 : i32 to index
      %parallel_loop3A_251 = arith.constant 96 : index
      %parallel_loop3A_252 = tpu.vector_load %arg8[%parallel_loop3A_250, %parallel_loop3A_251] {strides = array<i32>} : memref<128x128xf32, #tpu.memory_space<vmem>>, vector<1x16xf32>,
      %parallel_loop3A_253 = vector.shape_cast %parallel_loop3A_252 : vector<1x16xf32> to vector<16xf32>
      %parallel_loop3A_254 = vector.shape_cast %parallel_loop3A_249 : vector<16xf32> to vector<1x16xf32>
      tpu.vector_store %arg8[%parallel_loop3A_250, %parallel_loop3A_251], %parallel_loop3A_254 {strides = array<i32>} : memref<128x128xf32, #tpu.memory_space<vmem>>, vector<1x16xf32>,
      %parallel_loop3A_255 = arith.index_cast %parallel_loop3A_156 : i32 to index
      %parallel_loop3A_256 = arith.constant 112 : index
      %parallel_loop3A_257 = tpu.vector_load %arg8[%parallel_loop3A_255, %parallel_loop3A_256] {strides = array<i32>} : memref<128x128xf32, #tpu.memory_space<vmem>>, vector<1x16xf32>,
      %parallel_loop3A_258 = vector.shape_cast %parallel_loop3A_257 : vector<1x16xf32> to vector<16xf32>
      %parallel_loop3A_259 = arith.index_cast %parallel_loop3A_156 : i32 to index
      %parallel_loop3A_260 = arith.constant 112 : index
      %parallel_loop3A_261 = tpu.vector_load %arg9[%parallel_loop3A_259, %parallel_loop3A_260] {strides = array<i32>} : memref<128x128xf32, #tpu.memory_space<vmem>>, vector<1x16xf32>,
      %parallel_loop3A_262 = vector.shape_cast %parallel_loop3A_261 : vector<1x16xf32> to vector<16xf32>
      %parallel_loop3A_263 = arith.addf %parallel_loop3A_258, %parallel_loop3A_262 : vector<16xf32>
      %parallel_loop3A_264 = arith.index_cast %parallel_loop3A_156 : i32 to index
      %parallel_loop3A_265 = arith.constant 112 : index
      %parallel_loop3A_266 = tpu.vector_load %arg8[%parallel_loop3A_264, %parallel_loop3A_265] {strides = array<i32>} : memref<128x128xf32, #tpu.memory_space<vmem>>, vector<1x16xf32>,
      %parallel_loop3A_267 = vector.shape_cast %parallel_loop3A_266 : vector<1x16xf32> to vector<16xf32>
      %parallel_loop3A_268 = vector.shape_cast %parallel_loop3A_263 : vector<16xf32> to vector<1x16xf32>
      tpu.vector_store %arg8[%parallel_loop3A_264, %parallel_loop3A_265], %parallel_loop3A_268 {strides = array<i32>} : memref<128x128xf32, #tpu.memory_space<vmem>>, vector<1x16xf32>,
    } {sc.loop_unroll_factor = 4 : i64, sc.parallel_access}
    %add3A_154 = arith.constant 9984 : i32
    %add3A_155 = arith.addi %mul3A_2, %add3A_154 : i32
    "tpu.region"() ({
      %run_scoped3A = tpu.sem_alloc : memref<!tpu.dma_semaphore, #tpu.memory_space<semaphore_mem>>
      %dma_start3A_156 = arith.constant 0 : i32
      %dma_start3A_157 = arith.constant 0 : i32
      %dma_start3A_158 = tpu.memref_slice %arg8[%dma_start3A_156, %dma_start3A_157] : memref<128x128xf32, #tpu.memory_space<vmem>> -> memref<16x128xf32, #tpu.memory_space<vmem>>
      %dma_start3A_159 = arith.constant 0 : i32
      %dma_start3A_160 = tpu.memref_slice %arg5[%add3A_155, %dma_start3A_159] : memref<320000x128xf32, #tpu.memory_space<hbm>> -> memref<16x128xf32, #tpu.memory_space<hbm>>
      %dma_start3A_161 = arith.constant 0 : i32
      %dma_start3A_162 = tpu.memref_slice %arg5[%add3A_155, %dma_start3A_161] : memref<320000x128xf32, #tpu.memory_space<hbm>> -> memref<16x128xf32, #tpu.memory_space<hbm>>
      %dma_start3A_163 = arith.constant 0 : i32
      %dma_start3A_164 = arith.constant 0 : i32
      %dma_start3A_165 = tpu.memref_slice %arg8[%dma_start3A_163, %dma_start3A_164] : memref<128x128xf32, #tpu.memory_space<vmem>> -> memref<16x128xf32, #tpu.memory_space<vmem>>
      tpu.enqueue_dma source(%dma_start3A_165 : memref<16x128xf32, #tpu.memory_space<vmem>>) target(%dma_start3A_162 : memref<16x128xf32, #tpu.memory_space<hbm>>) target_semaphore(%run_scoped3A : memref<!tpu.dma_semaphore, #tpu.memory_space<semaphore_mem>>)
      %dma_wait3A_166 = arith.constant 0 : i32
      %dma_wait3A_167 = arith.constant 0 : i32
      %dma_wait3A_168 = tpu.memref_slice %arg8[%dma_wait3A_166, %dma_wait3A_167] : memref<128x128xf32, #tpu.memory_space<vmem>> -> memref<16x128xf32, #tpu.memory_space<vmem>>
      %dma_wait3A_169 = arith.constant 0 : i32
      %dma_wait3A_170 = tpu.memref_slice %arg5[%add3A_155, %dma_wait3A_169] : memref<320000x128xf32, #tpu.memory_space<hbm>> -> memref<16x128xf32, #tpu.memory_space<hbm>>
      %dma_wait3A_171 = arith.constant 0 : i32
      %dma_wait3A_172 = tpu.memref_slice %arg5[%add3A_155, %dma_wait3A_171] : memref<320000x128xf32, #tpu.memory_space<hbm>> -> memref<16x128xf32, #tpu.memory_space<hbm>>
      %dma_wait3A_173 = arith.constant 0 : i32
      %dma_wait3A_174 = arith.constant 0 : i32
      %dma_wait3A_175 = tpu.memref_slice %arg8[%dma_wait3A_173, %dma_wait3A_174] : memref<128x128xf32, #tpu.memory_space<vmem>> -> memref<16x128xf32, #tpu.memory_space<vmem>>
      tpu.wait_dma2 semaphore(%run_scoped3A : memref<!tpu.dma_semaphore, #tpu.memory_space<semaphore_mem>>) src(%dma_wait3A_175 : memref<16x128xf32, #tpu.memory_space<vmem>>) dst(%dma_wait3A_172 : memref<16x128xf32, #tpu.memory_space<hbm>>)
      tpu.yield
    }) : () -> ()
    return
  }
}

#map = affine_map<(d0, d1) -> (0)>
module attributes {stable_mosaic.version = 14 : i64} {
  func.func @_scatter_body(%arg0: i32, %arg1: i32, %arg2: memref<320000xi32, #tpu.memory_space<hbm>>, %arg3: memref<320000xi32, #tpu.memory_space<hbm>>, %arg4: memref<160256xf32, #tpu.memory_space<hbm>>, %arg5: memref<20096xi32, #tpu.memory_space<vmem>>, %arg6: memref<20096xi32, #tpu.memory_space<vmem>>, %arg7: memref<157x128xi32, #tpu.memory_space<vmem>>, %arg8: memref<128xf32, #tpu.memory_space<vmem>>, %arg9: memref<10016xf32, #tpu.memory_space<vmem>>, %arg10: memref<160256xf32, #tpu.memory_space<vmem_shared>>, %arg11: memref<!tpu.dma_semaphore, #tpu.memory_space<semaphore_mem>>) attributes {dimension_semantics = [#tpu.dimension_semantics<core_parallel>, #tpu.dimension_semantics<subcore_parallel>], iteration_bounds = array<i64: 1, 16>, scalar_prefetch = 0 : i64, scratch_operands = 7 : i64, tpu.core_type = #tpu.core_type<sc_vector_subcore>, window_params = [{transform_indices = #map}, {transform_indices = #map}, {transform_indices = #map}]} {
    %mul3A = arith.constant 20000 : i32
    %mul3A_0 = arith.muli %arg1, %mul3A : i32
    %dma_start3A = arith.constant 0 : i32
    %dma_start3A_1 = tpu.memref_slice %arg5[%dma_start3A] : memref<20096xi32, #tpu.memory_space<vmem>> -> memref<20000xi32, #tpu.memory_space<vmem>>
    %dma_start3A_2 = tpu.memref_slice %arg2[%mul3A_0] : memref<320000xi32, #tpu.memory_space<hbm>> -> memref<20000xi32, #tpu.memory_space<hbm>>
    %dma_start3A_3 = arith.constant 0 : i32
    %dma_start3A_4 = tpu.memref_slice %arg5[%dma_start3A_3] : memref<20096xi32, #tpu.memory_space<vmem>> -> memref<20000xi32, #tpu.memory_space<vmem>>
    %dma_start3A_5 = tpu.memref_slice %arg2[%mul3A_0] : memref<320000xi32, #tpu.memory_space<hbm>> -> memref<20000xi32, #tpu.memory_space<hbm>>
    tpu.enqueue_dma source(%dma_start3A_5 : memref<20000xi32, #tpu.memory_space<hbm>>) target(%dma_start3A_4 : memref<20000xi32, #tpu.memory_space<vmem>>) target_semaphore(%arg11 : memref<!tpu.dma_semaphore, #tpu.memory_space<semaphore_mem>>)
    %dma_wait3A = arith.constant 0 : i32
    %dma_wait3A_6 = tpu.memref_slice %arg5[%dma_wait3A] : memref<20096xi32, #tpu.memory_space<vmem>> -> memref<20000xi32, #tpu.memory_space<vmem>>
    %dma_wait3A_7 = tpu.memref_slice %arg2[%mul3A_0] : memref<320000xi32, #tpu.memory_space<hbm>> -> memref<20000xi32, #tpu.memory_space<hbm>>
    %dma_wait3A_8 = arith.constant 0 : i32
    %dma_wait3A_9 = tpu.memref_slice %arg5[%dma_wait3A_8] : memref<20096xi32, #tpu.memory_space<vmem>> -> memref<20000xi32, #tpu.memory_space<vmem>>
    %dma_wait3A_10 = tpu.memref_slice %arg2[%mul3A_0] : memref<320000xi32, #tpu.memory_space<hbm>> -> memref<20000xi32, #tpu.memory_space<hbm>>
    tpu.wait_dma2 semaphore(%arg11 : memref<!tpu.dma_semaphore, #tpu.memory_space<semaphore_mem>>) src(%dma_wait3A_10 : memref<20000xi32, #tpu.memory_space<hbm>>) dst(%dma_wait3A_9 : memref<20000xi32, #tpu.memory_space<vmem>>)
    %dma_start3A_11 = arith.constant 0 : i32
    %dma_start3A_12 = tpu.memref_slice %arg6[%dma_start3A_11] : memref<20096xi32, #tpu.memory_space<vmem>> -> memref<20000xi32, #tpu.memory_space<vmem>>
    %dma_start3A_13 = tpu.memref_slice %arg3[%mul3A_0] : memref<320000xi32, #tpu.memory_space<hbm>> -> memref<20000xi32, #tpu.memory_space<hbm>>
    %dma_start3A_14 = arith.constant 0 : i32
    %dma_start3A_15 = tpu.memref_slice %arg6[%dma_start3A_14] : memref<20096xi32, #tpu.memory_space<vmem>> -> memref<20000xi32, #tpu.memory_space<vmem>>
    %dma_start3A_16 = tpu.memref_slice %arg3[%mul3A_0] : memref<320000xi32, #tpu.memory_space<hbm>> -> memref<20000xi32, #tpu.memory_space<hbm>>
    tpu.enqueue_dma source(%dma_start3A_16 : memref<20000xi32, #tpu.memory_space<hbm>>) target(%dma_start3A_15 : memref<20000xi32, #tpu.memory_space<vmem>>) target_semaphore(%arg11 : memref<!tpu.dma_semaphore, #tpu.memory_space<semaphore_mem>>)
    %dma_wait3A_17 = arith.constant 0 : i32
    %dma_wait3A_18 = tpu.memref_slice %arg6[%dma_wait3A_17] : memref<20096xi32, #tpu.memory_space<vmem>> -> memref<20000xi32, #tpu.memory_space<vmem>>
    %dma_wait3A_19 = tpu.memref_slice %arg3[%mul3A_0] : memref<320000xi32, #tpu.memory_space<hbm>> -> memref<20000xi32, #tpu.memory_space<hbm>>
    %dma_wait3A_20 = arith.constant 0 : i32
    %dma_wait3A_21 = tpu.memref_slice %arg6[%dma_wait3A_20] : memref<20096xi32, #tpu.memory_space<vmem>> -> memref<20000xi32, #tpu.memory_space<vmem>>
    %dma_wait3A_22 = tpu.memref_slice %arg3[%mul3A_0] : memref<320000xi32, #tpu.memory_space<hbm>> -> memref<20000xi32, #tpu.memory_space<hbm>>
    tpu.wait_dma2 semaphore(%arg11 : memref<!tpu.dma_semaphore, #tpu.memory_space<semaphore_mem>>) src(%dma_wait3A_22 : memref<20000xi32, #tpu.memory_space<hbm>>) dst(%dma_wait3A_21 : memref<20000xi32, #tpu.memory_space<vmem>>)
    %broadcast_in_dim3A = arith.constant 15 : i32
    %broadcast_in_dim3A_23 = vector.broadcast %broadcast_in_dim3A : i32 to vector<16xi32>
    %swap3A = arith.constant 20000 : index
    %swap3A_24 = tpu.vector_load %arg5[%swap3A] {strides = array<i32>} : memref<20096xi32, #tpu.memory_space<vmem>>, vector<16xi32>,
    %swap3A_25 = vector.shape_cast %swap3A_24 : vector<16xi32> to vector<16xi32>
    %swap3A_26 = vector.shape_cast %broadcast_in_dim3A_23 : vector<16xi32> to vector<16xi32>
    tpu.vector_store %arg5[%swap3A], %swap3A_26 {strides = array<i32>} : memref<20096xi32, #tpu.memory_space<vmem>>, vector<16xi32>,
    %broadcast_in_dim3A_27 = arith.constant 10015 : i32
    %broadcast_in_dim3A_28 = vector.broadcast %broadcast_in_dim3A_27 : i32 to vector<16xi32>
    %swap3A_29 = arith.constant 20000 : index
    %swap3A_30 = tpu.vector_load %arg6[%swap3A_29] {strides = array<i32>} : memref<20096xi32, #tpu.memory_space<vmem>>, vector<16xi32>,
    %swap3A_31 = vector.shape_cast %swap3A_30 : vector<16xi32> to vector<16xi32>
    %swap3A_32 = vector.shape_cast %broadcast_in_dim3A_28 : vector<16xi32> to vector<16xi32>
    tpu.vector_store %arg6[%swap3A_29], %swap3A_32 {strides = array<i32>} : memref<20096xi32, #tpu.memory_space<vmem>>, vector<16xi32>,
    %broadcast_in_dim3A_33 = arith.constant 15 : i32
    %broadcast_in_dim3A_34 = vector.broadcast %broadcast_in_dim3A_33 : i32 to vector<16xi32>
    %swap3A_35 = arith.constant 20016 : index
    %swap3A_36 = tpu.vector_load %arg5[%swap3A_35] {strides = array<i32>} : memref<20096xi32, #tpu.memory_space<vmem>>, vector<16xi32>,
    %swap3A_37 = vector.shape_cast %swap3A_36 : vector<16xi32> to vector<16xi32>
    %swap3A_38 = vector.shape_cast %broadcast_in_dim3A_34 : vector<16xi32> to vector<16xi32>
    tpu.vector_store %arg5[%swap3A_35], %swap3A_38 {strides = array<i32>} : memref<20096xi32, #tpu.memory_space<vmem>>, vector<16xi32>,
    %broadcast_in_dim3A_39 = arith.constant 10015 : i32
    %broadcast_in_dim3A_40 = vector.broadcast %broadcast_in_dim3A_39 : i32 to vector<16xi32>
    %swap3A_41 = arith.constant 20016 : index
    %swap3A_42 = tpu.vector_load %arg6[%swap3A_41] {strides = array<i32>} : memref<20096xi32, #tpu.memory_space<vmem>>, vector<16xi32>,
    %swap3A_43 = vector.shape_cast %swap3A_42 : vector<16xi32> to vector<16xi32>
    %swap3A_44 = vector.shape_cast %broadcast_in_dim3A_40 : vector<16xi32> to vector<16xi32>
    tpu.vector_store %arg6[%swap3A_41], %swap3A_44 {strides = array<i32>} : memref<20096xi32, #tpu.memory_space<vmem>>, vector<16xi32>,
    %broadcast_in_dim3A_45 = arith.constant 15 : i32
    %broadcast_in_dim3A_46 = vector.broadcast %broadcast_in_dim3A_45 : i32 to vector<16xi32>
    %swap3A_47 = arith.constant 20032 : index
    %swap3A_48 = tpu.vector_load %arg5[%swap3A_47] {strides = array<i32>} : memref<20096xi32, #tpu.memory_space<vmem>>, vector<16xi32>,
    %swap3A_49 = vector.shape_cast %swap3A_48 : vector<16xi32> to vector<16xi32>
    %swap3A_50 = vector.shape_cast %broadcast_in_dim3A_46 : vector<16xi32> to vector<16xi32>
    tpu.vector_store %arg5[%swap3A_47], %swap3A_50 {strides = array<i32>} : memref<20096xi32, #tpu.memory_space<vmem>>, vector<16xi32>,
    %broadcast_in_dim3A_51 = arith.constant 10015 : i32
    %broadcast_in_dim3A_52 = vector.broadcast %broadcast_in_dim3A_51 : i32 to vector<16xi32>
    %swap3A_53 = arith.constant 20032 : index
    %swap3A_54 = tpu.vector_load %arg6[%swap3A_53] {strides = array<i32>} : memref<20096xi32, #tpu.memory_space<vmem>>, vector<16xi32>,
    %swap3A_55 = vector.shape_cast %swap3A_54 : vector<16xi32> to vector<16xi32>
    %swap3A_56 = vector.shape_cast %broadcast_in_dim3A_52 : vector<16xi32> to vector<16xi32>
    tpu.vector_store %arg6[%swap3A_53], %swap3A_56 {strides = array<i32>} : memref<20096xi32, #tpu.memory_space<vmem>>, vector<16xi32>,
    %broadcast_in_dim3A_57 = arith.constant 15 : i32
    %broadcast_in_dim3A_58 = vector.broadcast %broadcast_in_dim3A_57 : i32 to vector<16xi32>
    %swap3A_59 = arith.constant 20048 : index
    %swap3A_60 = tpu.vector_load %arg5[%swap3A_59] {strides = array<i32>} : memref<20096xi32, #tpu.memory_space<vmem>>, vector<16xi32>,
    %swap3A_61 = vector.shape_cast %swap3A_60 : vector<16xi32> to vector<16xi32>
    %swap3A_62 = vector.shape_cast %broadcast_in_dim3A_58 : vector<16xi32> to vector<16xi32>
    tpu.vector_store %arg5[%swap3A_59], %swap3A_62 {strides = array<i32>} : memref<20096xi32, #tpu.memory_space<vmem>>, vector<16xi32>,
    %broadcast_in_dim3A_63 = arith.constant 10015 : i32
    %broadcast_in_dim3A_64 = vector.broadcast %broadcast_in_dim3A_63 : i32 to vector<16xi32>
    %swap3A_65 = arith.constant 20048 : index
    %swap3A_66 = tpu.vector_load %arg6[%swap3A_65] {strides = array<i32>} : memref<20096xi32, #tpu.memory_space<vmem>>, vector<16xi32>,
    %swap3A_67 = vector.shape_cast %swap3A_66 : vector<16xi32> to vector<16xi32>
    %swap3A_68 = vector.shape_cast %broadcast_in_dim3A_64 : vector<16xi32> to vector<16xi32>
    tpu.vector_store %arg6[%swap3A_65], %swap3A_68 {strides = array<i32>} : memref<20096xi32, #tpu.memory_space<vmem>>, vector<16xi32>,
    %broadcast_in_dim3A_69 = arith.constant 15 : i32
    %broadcast_in_dim3A_70 = vector.broadcast %broadcast_in_dim3A_69 : i32 to vector<16xi32>
    %swap3A_71 = arith.constant 20064 : index
    %swap3A_72 = tpu.vector_load %arg5[%swap3A_71] {strides = array<i32>} : memref<20096xi32, #tpu.memory_space<vmem>>, vector<16xi32>,
    %swap3A_73 = vector.shape_cast %swap3A_72 : vector<16xi32> to vector<16xi32>
    %swap3A_74 = vector.shape_cast %broadcast_in_dim3A_70 : vector<16xi32> to vector<16xi32>
    tpu.vector_store %arg5[%swap3A_71], %swap3A_74 {strides = array<i32>} : memref<20096xi32, #tpu.memory_space<vmem>>, vector<16xi32>,
    %broadcast_in_dim3A_75 = arith.constant 10015 : i32
    %broadcast_in_dim3A_76 = vector.broadcast %broadcast_in_dim3A_75 : i32 to vector<16xi32>
    %swap3A_77 = arith.constant 20064 : index
    %swap3A_78 = tpu.vector_load %arg6[%swap3A_77] {strides = array<i32>} : memref<20096xi32, #tpu.memory_space<vmem>>, vector<16xi32>,
    %swap3A_79 = vector.shape_cast %swap3A_78 : vector<16xi32> to vector<16xi32>
    %swap3A_80 = vector.shape_cast %broadcast_in_dim3A_76 : vector<16xi32> to vector<16xi32>
    tpu.vector_store %arg6[%swap3A_77], %swap3A_80 {strides = array<i32>} : memref<20096xi32, #tpu.memory_space<vmem>>, vector<16xi32>,
    %broadcast_in_dim3A_81 = arith.constant 15 : i32
    %broadcast_in_dim3A_82 = vector.broadcast %broadcast_in_dim3A_81 : i32 to vector<16xi32>
    %swap3A_83 = arith.constant 20080 : index
    %swap3A_84 = tpu.vector_load %arg5[%swap3A_83] {strides = array<i32>} : memref<20096xi32, #tpu.memory_space<vmem>>, vector<16xi32>,
    %swap3A_85 = vector.shape_cast %swap3A_84 : vector<16xi32> to vector<16xi32>
    %swap3A_86 = vector.shape_cast %broadcast_in_dim3A_82 : vector<16xi32> to vector<16xi32>
    tpu.vector_store %arg5[%swap3A_83], %swap3A_86 {strides = array<i32>} : memref<20096xi32, #tpu.memory_space<vmem>>, vector<16xi32>,
    %broadcast_in_dim3A_87 = arith.constant 10015 : i32
    %broadcast_in_dim3A_88 = vector.broadcast %broadcast_in_dim3A_87 : i32 to vector<16xi32>
    %swap3A_89 = arith.constant 20080 : index
    %swap3A_90 = tpu.vector_load %arg6[%swap3A_89] {strides = array<i32>} : memref<20096xi32, #tpu.memory_space<vmem>>, vector<16xi32>,
    %swap3A_91 = vector.shape_cast %swap3A_90 : vector<16xi32> to vector<16xi32>
    %swap3A_92 = vector.shape_cast %broadcast_in_dim3A_88 : vector<16xi32> to vector<16xi32>
    tpu.vector_store %arg6[%swap3A_89], %swap3A_92 {strides = array<i32>} : memref<20096xi32, #tpu.memory_space<vmem>>, vector<16xi32>,
    %broadcast_in_dim3A_93 = arith.constant 1.000000e+00 : f32
    %broadcast_in_dim3A_94 = vector.broadcast %broadcast_in_dim3A_93 : f32 to vector<16xf32>
    %swap3A_95 = arith.constant 0 : index
    %swap3A_96 = tpu.vector_load %arg8[%swap3A_95] {strides = array<i32>} : memref<128xf32, #tpu.memory_space<vmem>>, vector<16xf32>,
    %swap3A_97 = vector.shape_cast %swap3A_96 : vector<16xf32> to vector<16xf32>
    %swap3A_98 = vector.shape_cast %broadcast_in_dim3A_94 : vector<16xf32> to vector<16xf32>
    tpu.vector_store %arg8[%swap3A_95], %swap3A_98 {strides = array<i32>} : memref<128xf32, #tpu.memory_space<vmem>>, vector<16xf32>,
    %broadcast_in_dim3A_99 = arith.constant 1.000000e+00 : f32
    %broadcast_in_dim3A_100 = vector.broadcast %broadcast_in_dim3A_99 : f32 to vector<16xf32>
    %swap3A_101 = arith.constant 16 : index
    %swap3A_102 = tpu.vector_load %arg8[%swap3A_101] {strides = array<i32>} : memref<128xf32, #tpu.memory_space<vmem>>, vector<16xf32>,
    %swap3A_103 = vector.shape_cast %swap3A_102 : vector<16xf32> to vector<16xf32>
    %swap3A_104 = vector.shape_cast %broadcast_in_dim3A_100 : vector<16xf32> to vector<16xf32>
    tpu.vector_store %arg8[%swap3A_101], %swap3A_104 {strides = array<i32>} : memref<128xf32, #tpu.memory_space<vmem>>, vector<16xf32>,
    %broadcast_in_dim3A_105 = arith.constant 1.000000e+00 : f32
    %broadcast_in_dim3A_106 = vector.broadcast %broadcast_in_dim3A_105 : f32 to vector<16xf32>
    %swap3A_107 = arith.constant 32 : index
    %swap3A_108 = tpu.vector_load %arg8[%swap3A_107] {strides = array<i32>} : memref<128xf32, #tpu.memory_space<vmem>>, vector<16xf32>,
    %swap3A_109 = vector.shape_cast %swap3A_108 : vector<16xf32> to vector<16xf32>
    %swap3A_110 = vector.shape_cast %broadcast_in_dim3A_106 : vector<16xf32> to vector<16xf32>
    tpu.vector_store %arg8[%swap3A_107], %swap3A_110 {strides = array<i32>} : memref<128xf32, #tpu.memory_space<vmem>>, vector<16xf32>,
    %broadcast_in_dim3A_111 = arith.constant 1.000000e+00 : f32
    %broadcast_in_dim3A_112 = vector.broadcast %broadcast_in_dim3A_111 : f32 to vector<16xf32>
    %swap3A_113 = arith.constant 48 : index
    %swap3A_114 = tpu.vector_load %arg8[%swap3A_113] {strides = array<i32>} : memref<128xf32, #tpu.memory_space<vmem>>, vector<16xf32>,
    %swap3A_115 = vector.shape_cast %swap3A_114 : vector<16xf32> to vector<16xf32>
    %swap3A_116 = vector.shape_cast %broadcast_in_dim3A_112 : vector<16xf32> to vector<16xf32>
    tpu.vector_store %arg8[%swap3A_113], %swap3A_116 {strides = array<i32>} : memref<128xf32, #tpu.memory_space<vmem>>, vector<16xf32>,
    %broadcast_in_dim3A_117 = arith.constant 1.000000e+00 : f32
    %broadcast_in_dim3A_118 = vector.broadcast %broadcast_in_dim3A_117 : f32 to vector<16xf32>
    %swap3A_119 = arith.constant 64 : index
    %swap3A_120 = tpu.vector_load %arg8[%swap3A_119] {strides = array<i32>} : memref<128xf32, #tpu.memory_space<vmem>>, vector<16xf32>,
    %swap3A_121 = vector.shape_cast %swap3A_120 : vector<16xf32> to vector<16xf32>
    %swap3A_122 = vector.shape_cast %broadcast_in_dim3A_118 : vector<16xf32> to vector<16xf32>
    tpu.vector_store %arg8[%swap3A_119], %swap3A_122 {strides = array<i32>} : memref<128xf32, #tpu.memory_space<vmem>>, vector<16xf32>,
    %broadcast_in_dim3A_123 = arith.constant 1.000000e+00 : f32
    %broadcast_in_dim3A_124 = vector.broadcast %broadcast_in_dim3A_123 : f32 to vector<16xf32>
    %swap3A_125 = arith.constant 80 : index
    %swap3A_126 = tpu.vector_load %arg8[%swap3A_125] {strides = array<i32>} : memref<128xf32, #tpu.memory_space<vmem>>, vector<16xf32>,
    %swap3A_127 = vector.shape_cast %swap3A_126 : vector<16xf32> to vector<16xf32>
    %swap3A_128 = vector.shape_cast %broadcast_in_dim3A_124 : vector<16xf32> to vector<16xf32>
    tpu.vector_store %arg8[%swap3A_125], %swap3A_128 {strides = array<i32>} : memref<128xf32, #tpu.memory_space<vmem>>, vector<16xf32>,
    %broadcast_in_dim3A_129 = arith.constant 1.000000e+00 : f32
    %broadcast_in_dim3A_130 = vector.broadcast %broadcast_in_dim3A_129 : f32 to vector<16xf32>
    %swap3A_131 = arith.constant 96 : index
    %swap3A_132 = tpu.vector_load %arg8[%swap3A_131] {strides = array<i32>} : memref<128xf32, #tpu.memory_space<vmem>>, vector<16xf32>,
    %swap3A_133 = vector.shape_cast %swap3A_132 : vector<16xf32> to vector<16xf32>
    %swap3A_134 = vector.shape_cast %broadcast_in_dim3A_130 : vector<16xf32> to vector<16xf32>
    tpu.vector_store %arg8[%swap3A_131], %swap3A_134 {strides = array<i32>} : memref<128xf32, #tpu.memory_space<vmem>>, vector<16xf32>,
    %broadcast_in_dim3A_135 = arith.constant 1.000000e+00 : f32
    %broadcast_in_dim3A_136 = vector.broadcast %broadcast_in_dim3A_135 : f32 to vector<16xf32>
    %swap3A_137 = arith.constant 112 : index
    %swap3A_138 = tpu.vector_load %arg8[%swap3A_137] {strides = array<i32>} : memref<128xf32, #tpu.memory_space<vmem>>, vector<16xf32>,
    %swap3A_139 = vector.shape_cast %swap3A_138 : vector<16xf32> to vector<16xf32>
    %swap3A_140 = vector.shape_cast %broadcast_in_dim3A_136 : vector<16xf32> to vector<16xf32>
    tpu.vector_store %arg8[%swap3A_137], %swap3A_140 {strides = array<i32>} : memref<128xf32, #tpu.memory_space<vmem>>, vector<16xf32>,
    %scan3A = arith.constant 0 : i32
    %scan3A_141 = arith.constant 0 : i32
    %scan3A_142 = arith.constant 626 : i32
    %scan3A_143 = arith.addi %scan3A_141, %scan3A_142 : i32
    %scan3A_144 = arith.constant 1 : i32
    scf.for %scan3A_165 = %scan3A_141 to %scan3A_143 step %scan3A_144  : i32 {
      %broadcast_in_dim3A_166 = arith.constant 0.000000e+00 : f32
      %broadcast_in_dim3A_167 = vector.broadcast %broadcast_in_dim3A_166 : f32 to vector<16xf32>
      %mul3A_168 = arith.constant 16 : i32
      %mul3A_169 = arith.muli %scan3A_165, %mul3A_168 : i32
      %swap3A_170 = arith.index_cast %mul3A_169 : i32 to index
      %swap3A_171 = tpu.vector_load %arg9[%swap3A_170] {strides = array<i32>} : memref<10016xf32, #tpu.memory_space<vmem>>, vector<16xf32>,
      %swap3A_172 = vector.shape_cast %swap3A_171 : vector<16xf32> to vector<16xf32>
      %swap3A_173 = vector.shape_cast %broadcast_in_dim3A_167 : vector<16xf32> to vector<16xf32>
      tpu.vector_store %arg9[%swap3A_170], %swap3A_173 {strides = array<i32>} : memref<10016xf32, #tpu.memory_space<vmem>>, vector<16xf32>,
    }
    %scan3A_145 = arith.constant 626 : i32
    %mul3A_146 = arith.constant 10016 : i32
    %mul3A_147 = arith.muli %arg1, %mul3A_146 : i32
    "tpu.region"() ({
      %run_scoped3A = tpu.sem_alloc : memref<!tpu.dma_semaphore, #tpu.memory_space<semaphore_mem>>
      %dma_start3A_165 = tpu.memref_slice %arg10[%mul3A_147] : memref<160256xf32, #tpu.memory_space<vmem_shared>> -> memref<10016xf32, #tpu.memory_space<vmem_shared>>
      %dma_start3A_166 = tpu.memref_slice %arg10[%mul3A_147] : memref<160256xf32, #tpu.memory_space<vmem_shared>> -> memref<10016xf32, #tpu.memory_space<vmem_shared>>
      tpu.enqueue_dma source(%arg9 : memref<10016xf32, #tpu.memory_space<vmem>>) target(%dma_start3A_166 : memref<10016xf32, #tpu.memory_space<vmem_shared>>) target_semaphore(%run_scoped3A : memref<!tpu.dma_semaphore, #tpu.memory_space<semaphore_mem>>)
      %dma_wait3A_167 = tpu.memref_slice %arg10[%mul3A_147] : memref<160256xf32, #tpu.memory_space<vmem_shared>> -> memref<10016xf32, #tpu.memory_space<vmem_shared>>
      %dma_wait3A_168 = tpu.memref_slice %arg10[%mul3A_147] : memref<160256xf32, #tpu.memory_space<vmem_shared>> -> memref<10016xf32, #tpu.memory_space<vmem_shared>>
      tpu.wait_dma2 semaphore(%run_scoped3A : memref<!tpu.dma_semaphore, #tpu.memory_space<semaphore_mem>>) src(%arg9 : memref<10016xf32, #tpu.memory_space<vmem>>) dst(%dma_wait3A_168 : memref<10016xf32, #tpu.memory_space<vmem_shared>>)
      tpu.yield
    }) : () -> ()
    %barrier3A = arith.constant 0 : index
    tpu.barrier barrier_id(%barrier3A)
    %scan3A_148 = arith.constant 0 : i32
    %scan3A_149 = arith.constant 0 : i32
    %scan3A_150 = arith.constant 157 : i32
    %scan3A_151 = arith.addi %scan3A_149, %scan3A_150 : i32
    %scan3A_152 = arith.constant 1 : i32
    scf.for %scan3A_165 = %scan3A_149 to %scan3A_151 step %scan3A_152  : i32 {
      %mul3A_166 = arith.constant 128 : i32
      %mul3A_167 = arith.muli %scan3A_165, %mul3A_166 : i32
      %add3A = arith.constant 0 : i32
      %add3A_168 = arith.addi %mul3A_167, %add3A : i32
      %get3A = arith.index_cast %add3A_168 : i32 to index
      %get3A_169 = tpu.vector_load %arg5[%get3A] {strides = array<i32>} : memref<20096xi32, #tpu.memory_space<vmem>>, vector<16xi32>,
      %get3A_170 = vector.shape_cast %get3A_169 : vector<16xi32> to vector<16xi32>
      %get3A_171 = arith.index_cast %add3A_168 : i32 to index
      %get3A_172 = tpu.vector_load %arg6[%get3A_171] {strides = array<i32>} : memref<20096xi32, #tpu.memory_space<vmem>>, vector<16xi32>,
      %get3A_173 = vector.shape_cast %get3A_172 : vector<16xi32> to vector<16xi32>
      %max3A = arith.constant 0 : i32
      %max3A_174 = vector.broadcast %max3A : i32 to vector<16xi32>
      %max3A_175 = arith.maxsi %get3A_170, %max3A_174 : vector<16xi32>
      %min3A = arith.constant 15 : i32
      %min3A_176 = vector.broadcast %min3A : i32 to vector<16xi32>
      %min3A_177 = arith.minsi %max3A_175, %min3A_176 : vector<16xi32>
      %max3A_178 = arith.constant 0 : i32
      %max3A_179 = vector.broadcast %max3A_178 : i32 to vector<16xi32>
      %max3A_180 = arith.maxsi %get3A_173, %max3A_179 : vector<16xi32>
      %min3A_181 = arith.constant 10015 : i32
      %min3A_182 = vector.broadcast %min3A_181 : i32 to vector<16xi32>
      %min3A_183 = arith.minsi %max3A_180, %min3A_182 : vector<16xi32>
      %mul3A_184 = arith.constant 16 : i32
      %mul3A_185 = vector.broadcast %mul3A_184 : i32 to vector<16xi32>
      %mul3A_186 = arith.muli %min3A_183, %mul3A_185 : vector<16xi32>
      %add3A_187 = arith.addi %mul3A_186, %min3A_177 : vector<16xi32>
      %swap3A_188 = arith.index_cast %scan3A_165 : i32 to index
      %swap3A_189 = arith.constant 0 : index
      %swap3A_190 = tpu.vector_load %arg7[%swap3A_188, %swap3A_189] {strides = array<i32>} : memref<157x128xi32, #tpu.memory_space<vmem>>, vector<1x16xi32>,
      %swap3A_191 = vector.shape_cast %swap3A_190 : vector<1x16xi32> to vector<16xi32>
      %swap3A_192 = vector.shape_cast %add3A_187 : vector<16xi32> to vector<1x16xi32>
      tpu.vector_store %arg7[%swap3A_188, %swap3A_189], %swap3A_192 {strides = array<i32>} : memref<157x128xi32, #tpu.memory_space<vmem>>, vector<1x16xi32>,
      %mul3A_193 = arith.constant 128 : i32
      %mul3A_194 = arith.muli %scan3A_165, %mul3A_193 : i32
      %add3A_195 = arith.constant 16 : i32
      %add3A_196 = arith.addi %mul3A_194, %add3A_195 : i32
      %get3A_197 = arith.index_cast %add3A_196 : i32 to index
      %get3A_198 = tpu.vector_load %arg5[%get3A_197] {strides = array<i32>} : memref<20096xi32, #tpu.memory_space<vmem>>, vector<16xi32>,
      %get3A_199 = vector.shape_cast %get3A_198 : vector<16xi32> to vector<16xi32>
      %get3A_200 = arith.index_cast %add3A_196 : i32 to index
      %get3A_201 = tpu.vector_load %arg6[%get3A_200] {strides = array<i32>} : memref<20096xi32, #tpu.memory_space<vmem>>, vector<16xi32>,
      %get3A_202 = vector.shape_cast %get3A_201 : vector<16xi32> to vector<16xi32>
      %max3A_203 = arith.constant 0 : i32
      %max3A_204 = vector.broadcast %max3A_203 : i32 to vector<16xi32>
      %max3A_205 = arith.maxsi %get3A_199, %max3A_204 : vector<16xi32>
      %min3A_206 = arith.constant 15 : i32
      %min3A_207 = vector.broadcast %min3A_206 : i32 to vector<16xi32>
      %min3A_208 = arith.minsi %max3A_205, %min3A_207 : vector<16xi32>
      %max3A_209 = arith.constant 0 : i32
      %max3A_210 = vector.broadcast %max3A_209 : i32 to vector<16xi32>
      %max3A_211 = arith.maxsi %get3A_202, %max3A_210 : vector<16xi32>
      %min3A_212 = arith.constant 10015 : i32
      %min3A_213 = vector.broadcast %min3A_212 : i32 to vector<16xi32>
      %min3A_214 = arith.minsi %max3A_211, %min3A_213 : vector<16xi32>
      %mul3A_215 = arith.constant 16 : i32
      %mul3A_216 = vector.broadcast %mul3A_215 : i32 to vector<16xi32>
      %mul3A_217 = arith.muli %min3A_214, %mul3A_216 : vector<16xi32>
      %add3A_218 = arith.addi %mul3A_217, %min3A_208 : vector<16xi32>
      %swap3A_219 = arith.index_cast %scan3A_165 : i32 to index
      %swap3A_220 = arith.constant 16 : index
      %swap3A_221 = tpu.vector_load %arg7[%swap3A_219, %swap3A_220] {strides = array<i32>} : memref<157x128xi32, #tpu.memory_space<vmem>>, vector<1x16xi32>,
      %swap3A_222 = vector.shape_cast %swap3A_221 : vector<1x16xi32> to vector<16xi32>
      %swap3A_223 = vector.shape_cast %add3A_218 : vector<16xi32> to vector<1x16xi32>
      tpu.vector_store %arg7[%swap3A_219, %swap3A_220], %swap3A_223 {strides = array<i32>} : memref<157x128xi32, #tpu.memory_space<vmem>>, vector<1x16xi32>,
      %mul3A_224 = arith.constant 128 : i32
      %mul3A_225 = arith.muli %scan3A_165, %mul3A_224 : i32
      %add3A_226 = arith.constant 32 : i32
      %add3A_227 = arith.addi %mul3A_225, %add3A_226 : i32
      %get3A_228 = arith.index_cast %add3A_227 : i32 to index
      %get3A_229 = tpu.vector_load %arg5[%get3A_228] {strides = array<i32>} : memref<20096xi32, #tpu.memory_space<vmem>>, vector<16xi32>,
      %get3A_230 = vector.shape_cast %get3A_229 : vector<16xi32> to vector<16xi32>
      %get3A_231 = arith.index_cast %add3A_227 : i32 to index
      %get3A_232 = tpu.vector_load %arg6[%get3A_231] {strides = array<i32>} : memref<20096xi32, #tpu.memory_space<vmem>>, vector<16xi32>,
      %get3A_233 = vector.shape_cast %get3A_232 : vector<16xi32> to vector<16xi32>
      %max3A_234 = arith.constant 0 : i32
      %max3A_235 = vector.broadcast %max3A_234 : i32 to vector<16xi32>
      %max3A_236 = arith.maxsi %get3A_230, %max3A_235 : vector<16xi32>
      %min3A_237 = arith.constant 15 : i32
      %min3A_238 = vector.broadcast %min3A_237 : i32 to vector<16xi32>
      %min3A_239 = arith.minsi %max3A_236, %min3A_238 : vector<16xi32>
      %max3A_240 = arith.constant 0 : i32
      %max3A_241 = vector.broadcast %max3A_240 : i32 to vector<16xi32>
      %max3A_242 = arith.maxsi %get3A_233, %max3A_241 : vector<16xi32>
      %min3A_243 = arith.constant 10015 : i32
      %min3A_244 = vector.broadcast %min3A_243 : i32 to vector<16xi32>
      %min3A_245 = arith.minsi %max3A_242, %min3A_244 : vector<16xi32>
      %mul3A_246 = arith.constant 16 : i32
      %mul3A_247 = vector.broadcast %mul3A_246 : i32 to vector<16xi32>
      %mul3A_248 = arith.muli %min3A_245, %mul3A_247 : vector<16xi32>
      %add3A_249 = arith.addi %mul3A_248, %min3A_239 : vector<16xi32>
      %swap3A_250 = arith.index_cast %scan3A_165 : i32 to index
      %swap3A_251 = arith.constant 32 : index
      %swap3A_252 = tpu.vector_load %arg7[%swap3A_250, %swap3A_251] {strides = array<i32>} : memref<157x128xi32, #tpu.memory_space<vmem>>, vector<1x16xi32>,
      %swap3A_253 = vector.shape_cast %swap3A_252 : vector<1x16xi32> to vector<16xi32>
      %swap3A_254 = vector.shape_cast %add3A_249 : vector<16xi32> to vector<1x16xi32>
      tpu.vector_store %arg7[%swap3A_250, %swap3A_251], %swap3A_254 {strides = array<i32>} : memref<157x128xi32, #tpu.memory_space<vmem>>, vector<1x16xi32>,
      %mul3A_255 = arith.constant 128 : i32
      %mul3A_256 = arith.muli %scan3A_165, %mul3A_255 : i32
      %add3A_257 = arith.constant 48 : i32
      %add3A_258 = arith.addi %mul3A_256, %add3A_257 : i32
      %get3A_259 = arith.index_cast %add3A_258 : i32 to index
      %get3A_260 = tpu.vector_load %arg5[%get3A_259] {strides = array<i32>} : memref<20096xi32, #tpu.memory_space<vmem>>, vector<16xi32>,
      %get3A_261 = vector.shape_cast %get3A_260 : vector<16xi32> to vector<16xi32>
      %get3A_262 = arith.index_cast %add3A_258 : i32 to index
      %get3A_263 = tpu.vector_load %arg6[%get3A_262] {strides = array<i32>} : memref<20096xi32, #tpu.memory_space<vmem>>, vector<16xi32>,
      %get3A_264 = vector.shape_cast %get3A_263 : vector<16xi32> to vector<16xi32>
      %max3A_265 = arith.constant 0 : i32
      %max3A_266 = vector.broadcast %max3A_265 : i32 to vector<16xi32>
      %max3A_267 = arith.maxsi %get3A_261, %max3A_266 : vector<16xi32>
      %min3A_268 = arith.constant 15 : i32
      %min3A_269 = vector.broadcast %min3A_268 : i32 to vector<16xi32>
      %min3A_270 = arith.minsi %max3A_267, %min3A_269 : vector<16xi32>
      %max3A_271 = arith.constant 0 : i32
      %max3A_272 = vector.broadcast %max3A_271 : i32 to vector<16xi32>
      %max3A_273 = arith.maxsi %get3A_264, %max3A_272 : vector<16xi32>
      %min3A_274 = arith.constant 10015 : i32
      %min3A_275 = vector.broadcast %min3A_274 : i32 to vector<16xi32>
      %min3A_276 = arith.minsi %max3A_273, %min3A_275 : vector<16xi32>
      %mul3A_277 = arith.constant 16 : i32
      %mul3A_278 = vector.broadcast %mul3A_277 : i32 to vector<16xi32>
      %mul3A_279 = arith.muli %min3A_276, %mul3A_278 : vector<16xi32>
      %add3A_280 = arith.addi %mul3A_279, %min3A_270 : vector<16xi32>
      %swap3A_281 = arith.index_cast %scan3A_165 : i32 to index
      %swap3A_282 = arith.constant 48 : index
      %swap3A_283 = tpu.vector_load %arg7[%swap3A_281, %swap3A_282] {strides = array<i32>} : memref<157x128xi32, #tpu.memory_space<vmem>>, vector<1x16xi32>,
      %swap3A_284 = vector.shape_cast %swap3A_283 : vector<1x16xi32> to vector<16xi32>
      %swap3A_285 = vector.shape_cast %add3A_280 : vector<16xi32> to vector<1x16xi32>
      tpu.vector_store %arg7[%swap3A_281, %swap3A_282], %swap3A_285 {strides = array<i32>} : memref<157x128xi32, #tpu.memory_space<vmem>>, vector<1x16xi32>,
      %mul3A_286 = arith.constant 128 : i32
      %mul3A_287 = arith.muli %scan3A_165, %mul3A_286 : i32
      %add3A_288 = arith.constant 64 : i32
      %add3A_289 = arith.addi %mul3A_287, %add3A_288 : i32
      %get3A_290 = arith.index_cast %add3A_289 : i32 to index
      %get3A_291 = tpu.vector_load %arg5[%get3A_290] {strides = array<i32>} : memref<20096xi32, #tpu.memory_space<vmem>>, vector<16xi32>,
      %get3A_292 = vector.shape_cast %get3A_291 : vector<16xi32> to vector<16xi32>
      %get3A_293 = arith.index_cast %add3A_289 : i32 to index
      %get3A_294 = tpu.vector_load %arg6[%get3A_293] {strides = array<i32>} : memref<20096xi32, #tpu.memory_space<vmem>>, vector<16xi32>,
      %get3A_295 = vector.shape_cast %get3A_294 : vector<16xi32> to vector<16xi32>
      %max3A_296 = arith.constant 0 : i32
      %max3A_297 = vector.broadcast %max3A_296 : i32 to vector<16xi32>
      %max3A_298 = arith.maxsi %get3A_292, %max3A_297 : vector<16xi32>
      %min3A_299 = arith.constant 15 : i32
      %min3A_300 = vector.broadcast %min3A_299 : i32 to vector<16xi32>
      %min3A_301 = arith.minsi %max3A_298, %min3A_300 : vector<16xi32>
      %max3A_302 = arith.constant 0 : i32
      %max3A_303 = vector.broadcast %max3A_302 : i32 to vector<16xi32>
      %max3A_304 = arith.maxsi %get3A_295, %max3A_303 : vector<16xi32>
      %min3A_305 = arith.constant 10015 : i32
      %min3A_306 = vector.broadcast %min3A_305 : i32 to vector<16xi32>
      %min3A_307 = arith.minsi %max3A_304, %min3A_306 : vector<16xi32>
      %mul3A_308 = arith.constant 16 : i32
      %mul3A_309 = vector.broadcast %mul3A_308 : i32 to vector<16xi32>
      %mul3A_310 = arith.muli %min3A_307, %mul3A_309 : vector<16xi32>
      %add3A_311 = arith.addi %mul3A_310, %min3A_301 : vector<16xi32>
      %swap3A_312 = arith.index_cast %scan3A_165 : i32 to index
      %swap3A_313 = arith.constant 64 : index
      %swap3A_314 = tpu.vector_load %arg7[%swap3A_312, %swap3A_313] {strides = array<i32>} : memref<157x128xi32, #tpu.memory_space<vmem>>, vector<1x16xi32>,
      %swap3A_315 = vector.shape_cast %swap3A_314 : vector<1x16xi32> to vector<16xi32>
      %swap3A_316 = vector.shape_cast %add3A_311 : vector<16xi32> to vector<1x16xi32>
      tpu.vector_store %arg7[%swap3A_312, %swap3A_313], %swap3A_316 {strides = array<i32>} : memref<157x128xi32, #tpu.memory_space<vmem>>, vector<1x16xi32>,
      %mul3A_317 = arith.constant 128 : i32
      %mul3A_318 = arith.muli %scan3A_165, %mul3A_317 : i32
      %add3A_319 = arith.constant 80 : i32
      %add3A_320 = arith.addi %mul3A_318, %add3A_319 : i32
      %get3A_321 = arith.index_cast %add3A_320 : i32 to index
      %get3A_322 = tpu.vector_load %arg5[%get3A_321] {strides = array<i32>} : memref<20096xi32, #tpu.memory_space<vmem>>, vector<16xi32>,
      %get3A_323 = vector.shape_cast %get3A_322 : vector<16xi32> to vector<16xi32>
      %get3A_324 = arith.index_cast %add3A_320 : i32 to index
      %get3A_325 = tpu.vector_load %arg6[%get3A_324] {strides = array<i32>} : memref<20096xi32, #tpu.memory_space<vmem>>, vector<16xi32>,
      %get3A_326 = vector.shape_cast %get3A_325 : vector<16xi32> to vector<16xi32>
      %max3A_327 = arith.constant 0 : i32
      %max3A_328 = vector.broadcast %max3A_327 : i32 to vector<16xi32>
      %max3A_329 = arith.maxsi %get3A_323, %max3A_328 : vector<16xi32>
      %min3A_330 = arith.constant 15 : i32
      %min3A_331 = vector.broadcast %min3A_330 : i32 to vector<16xi32>
      %min3A_332 = arith.minsi %max3A_329, %min3A_331 : vector<16xi32>
      %max3A_333 = arith.constant 0 : i32
      %max3A_334 = vector.broadcast %max3A_333 : i32 to vector<16xi32>
      %max3A_335 = arith.maxsi %get3A_326, %max3A_334 : vector<16xi32>
      %min3A_336 = arith.constant 10015 : i32
      %min3A_337 = vector.broadcast %min3A_336 : i32 to vector<16xi32>
      %min3A_338 = arith.minsi %max3A_335, %min3A_337 : vector<16xi32>
      %mul3A_339 = arith.constant 16 : i32
      %mul3A_340 = vector.broadcast %mul3A_339 : i32 to vector<16xi32>
      %mul3A_341 = arith.muli %min3A_338, %mul3A_340 : vector<16xi32>
      %add3A_342 = arith.addi %mul3A_341, %min3A_332 : vector<16xi32>
      %swap3A_343 = arith.index_cast %scan3A_165 : i32 to index
      %swap3A_344 = arith.constant 80 : index
      %swap3A_345 = tpu.vector_load %arg7[%swap3A_343, %swap3A_344] {strides = array<i32>} : memref<157x128xi32, #tpu.memory_space<vmem>>, vector<1x16xi32>,
      %swap3A_346 = vector.shape_cast %swap3A_345 : vector<1x16xi32> to vector<16xi32>
      %swap3A_347 = vector.shape_cast %add3A_342 : vector<16xi32> to vector<1x16xi32>
      tpu.vector_store %arg7[%swap3A_343, %swap3A_344], %swap3A_347 {strides = array<i32>} : memref<157x128xi32, #tpu.memory_space<vmem>>, vector<1x16xi32>,
      %mul3A_348 = arith.constant 128 : i32
      %mul3A_349 = arith.muli %scan3A_165, %mul3A_348 : i32
      %add3A_350 = arith.constant 96 : i32
      %add3A_351 = arith.addi %mul3A_349, %add3A_350 : i32
      %get3A_352 = arith.index_cast %add3A_351 : i32 to index
      %get3A_353 = tpu.vector_load %arg5[%get3A_352] {strides = array<i32>} : memref<20096xi32, #tpu.memory_space<vmem>>, vector<16xi32>,
      %get3A_354 = vector.shape_cast %get3A_353 : vector<16xi32> to vector<16xi32>
      %get3A_355 = arith.index_cast %add3A_351 : i32 to index
      %get3A_356 = tpu.vector_load %arg6[%get3A_355] {strides = array<i32>} : memref<20096xi32, #tpu.memory_space<vmem>>, vector<16xi32>,
      %get3A_357 = vector.shape_cast %get3A_356 : vector<16xi32> to vector<16xi32>
      %max3A_358 = arith.constant 0 : i32
      %max3A_359 = vector.broadcast %max3A_358 : i32 to vector<16xi32>
      %max3A_360 = arith.maxsi %get3A_354, %max3A_359 : vector<16xi32>
      %min3A_361 = arith.constant 15 : i32
      %min3A_362 = vector.broadcast %min3A_361 : i32 to vector<16xi32>
      %min3A_363 = arith.minsi %max3A_360, %min3A_362 : vector<16xi32>
      %max3A_364 = arith.constant 0 : i32
      %max3A_365 = vector.broadcast %max3A_364 : i32 to vector<16xi32>
      %max3A_366 = arith.maxsi %get3A_357, %max3A_365 : vector<16xi32>
      %min3A_367 = arith.constant 10015 : i32
      %min3A_368 = vector.broadcast %min3A_367 : i32 to vector<16xi32>
      %min3A_369 = arith.minsi %max3A_366, %min3A_368 : vector<16xi32>
      %mul3A_370 = arith.constant 16 : i32
      %mul3A_371 = vector.broadcast %mul3A_370 : i32 to vector<16xi32>
      %mul3A_372 = arith.muli %min3A_369, %mul3A_371 : vector<16xi32>
      %add3A_373 = arith.addi %mul3A_372, %min3A_363 : vector<16xi32>
      %swap3A_374 = arith.index_cast %scan3A_165 : i32 to index
      %swap3A_375 = arith.constant 96 : index
      %swap3A_376 = tpu.vector_load %arg7[%swap3A_374, %swap3A_375] {strides = array<i32>} : memref<157x128xi32, #tpu.memory_space<vmem>>, vector<1x16xi32>,
      %swap3A_377 = vector.shape_cast %swap3A_376 : vector<1x16xi32> to vector<16xi32>
      %swap3A_378 = vector.shape_cast %add3A_373 : vector<16xi32> to vector<1x16xi32>
      tpu.vector_store %arg7[%swap3A_374, %swap3A_375], %swap3A_378 {strides = array<i32>} : memref<157x128xi32, #tpu.memory_space<vmem>>, vector<1x16xi32>,
      %mul3A_379 = arith.constant 128 : i32
      %mul3A_380 = arith.muli %scan3A_165, %mul3A_379 : i32
      %add3A_381 = arith.constant 112 : i32
      %add3A_382 = arith.addi %mul3A_380, %add3A_381 : i32
      %get3A_383 = arith.index_cast %add3A_382 : i32 to index
      %get3A_384 = tpu.vector_load %arg5[%get3A_383] {strides = array<i32>} : memref<20096xi32, #tpu.memory_space<vmem>>, vector<16xi32>,
      %get3A_385 = vector.shape_cast %get3A_384 : vector<16xi32> to vector<16xi32>
      %get3A_386 = arith.index_cast %add3A_382 : i32 to index
      %get3A_387 = tpu.vector_load %arg6[%get3A_386] {strides = array<i32>} : memref<20096xi32, #tpu.memory_space<vmem>>, vector<16xi32>,
      %get3A_388 = vector.shape_cast %get3A_387 : vector<16xi32> to vector<16xi32>
      %max3A_389 = arith.constant 0 : i32
      %max3A_390 = vector.broadcast %max3A_389 : i32 to vector<16xi32>
      %max3A_391 = arith.maxsi %get3A_385, %max3A_390 : vector<16xi32>
      %min3A_392 = arith.constant 15 : i32
      %min3A_393 = vector.broadcast %min3A_392 : i32 to vector<16xi32>
      %min3A_394 = arith.minsi %max3A_391, %min3A_393 : vector<16xi32>
      %max3A_395 = arith.constant 0 : i32
      %max3A_396 = vector.broadcast %max3A_395 : i32 to vector<16xi32>
      %max3A_397 = arith.maxsi %get3A_388, %max3A_396 : vector<16xi32>
      %min3A_398 = arith.constant 10015 : i32
      %min3A_399 = vector.broadcast %min3A_398 : i32 to vector<16xi32>
      %min3A_400 = arith.minsi %max3A_397, %min3A_399 : vector<16xi32>
      %mul3A_401 = arith.constant 16 : i32
      %mul3A_402 = vector.broadcast %mul3A_401 : i32 to vector<16xi32>
      %mul3A_403 = arith.muli %min3A_400, %mul3A_402 : vector<16xi32>
      %add3A_404 = arith.addi %mul3A_403, %min3A_394 : vector<16xi32>
      %swap3A_405 = arith.index_cast %scan3A_165 : i32 to index
      %swap3A_406 = arith.constant 112 : index
      %swap3A_407 = tpu.vector_load %arg7[%swap3A_405, %swap3A_406] {strides = array<i32>} : memref<157x128xi32, #tpu.memory_space<vmem>>, vector<1x16xi32>,
      %swap3A_408 = vector.shape_cast %swap3A_407 : vector<1x16xi32> to vector<16xi32>
      %swap3A_409 = vector.shape_cast %add3A_404 : vector<16xi32> to vector<1x16xi32>
      tpu.vector_store %arg7[%swap3A_405, %swap3A_406], %swap3A_409 {strides = array<i32>} : memref<157x128xi32, #tpu.memory_space<vmem>>, vector<1x16xi32>,
    }
    %scan3A_153 = arith.constant 157 : i32
    %scan3A_154 = arith.constant 0 : i32
    %scan3A_155 = arith.constant 0 : i32
    %scan3A_156 = arith.constant 157 : i32
    %scan3A_157 = arith.addi %scan3A_155, %scan3A_156 : i32
    %scan3A_158 = arith.constant 1 : i32
    scf.for %scan3A_165 = %scan3A_155 to %scan3A_157 step %scan3A_158  : i32 {
      "tpu.region"() ({
        %run_scoped3A = tpu.sem_alloc : memref<!tpu.dma_semaphore, #tpu.memory_space<semaphore_mem>>
        %dma_start3A_166 = arith.constant 0 : i32
        %dma_start3A_167 = tpu.memref_slice %arg7[%scan3A_165, %dma_start3A_166] : memref<157x128xi32, #tpu.memory_space<vmem>> -> memref<1x128xi32, #tpu.memory_space<vmem>>
        %dma_start3A_168 = tpu.memref_squeeze %dma_start3A_167 : memref<1x128xi32, #tpu.memory_space<vmem>> -> memref<128xi32, #tpu.memory_space<vmem>>
        %dma_start3A_169 = arith.constant 0 : i32
        %dma_start3A_170 = tpu.memref_slice %arg10[%dma_start3A_169] : memref<160256xf32, #tpu.memory_space<vmem_shared>> -> memref<160256xf32, #tpu.memory_space<vmem_shared>>
        tpu.enqueue_indirect_dma source(%arg8 : memref<128xf32, #tpu.memory_space<vmem>>) target(%dma_start3A_170 : memref<160256xf32, #tpu.memory_space<vmem_shared>>) offsets(%dma_start3A_168 : memref<128xi32, #tpu.memory_space<vmem>>) semaphore(%run_scoped3A : memref<!tpu.dma_semaphore, #tpu.memory_space<semaphore_mem>>) {add = true}
        %dma_wait3A_171 = arith.constant 0 : i32
        %dma_wait3A_172 = tpu.memref_slice %arg7[%scan3A_165, %dma_wait3A_171] : memref<157x128xi32, #tpu.memory_space<vmem>> -> memref<1x128xi32, #tpu.memory_space<vmem>>
        %dma_wait3A_173 = tpu.memref_squeeze %dma_wait3A_172 : memref<1x128xi32, #tpu.memory_space<vmem>> -> memref<128xi32, #tpu.memory_space<vmem>>
        %dma_wait3A_174 = arith.constant 0 : i32
        %dma_wait3A_175 = tpu.memref_slice %arg10[%dma_wait3A_174] : memref<160256xf32, #tpu.memory_space<vmem_shared>> -> memref<160256xf32, #tpu.memory_space<vmem_shared>>
        tpu.wait_indirect_dma semaphore(%run_scoped3A : memref<!tpu.dma_semaphore, #tpu.memory_space<semaphore_mem>>) src(%arg8 : memref<128xf32, #tpu.memory_space<vmem>>) dst(%dma_wait3A_175 : memref<160256xf32, #tpu.memory_space<vmem_shared>>)
        tpu.yield
      }) : () -> ()
    }
    %scan3A_159 = arith.constant 157 : i32
    %barrier3A_160 = arith.constant 0 : index
    tpu.barrier barrier_id(%barrier3A_160)
    %mul3A_161 = arith.constant 10016 : i32
    %mul3A_162 = arith.muli %arg1, %mul3A_161 : i32
    "tpu.region"() ({
      %run_scoped3A = tpu.sem_alloc : memref<!tpu.dma_semaphore, #tpu.memory_space<semaphore_mem>>
      %dma_start3A_165 = tpu.memref_slice %arg10[%mul3A_162] : memref<160256xf32, #tpu.memory_space<vmem_shared>> -> memref<10016xf32, #tpu.memory_space<vmem_shared>>
      %dma_start3A_166 = tpu.memref_slice %arg10[%mul3A_162] : memref<160256xf32, #tpu.memory_space<vmem_shared>> -> memref<10016xf32, #tpu.memory_space<vmem_shared>>
      tpu.enqueue_dma source(%dma_start3A_166 : memref<10016xf32, #tpu.memory_space<vmem_shared>>) target(%arg9 : memref<10016xf32, #tpu.memory_space<vmem>>) target_semaphore(%run_scoped3A : memref<!tpu.dma_semaphore, #tpu.memory_space<semaphore_mem>>)
      %dma_wait3A_167 = tpu.memref_slice %arg10[%mul3A_162] : memref<160256xf32, #tpu.memory_space<vmem_shared>> -> memref<10016xf32, #tpu.memory_space<vmem_shared>>
      %dma_wait3A_168 = tpu.memref_slice %arg10[%mul3A_162] : memref<160256xf32, #tpu.memory_space<vmem_shared>> -> memref<10016xf32, #tpu.memory_space<vmem_shared>>
      tpu.wait_dma2 semaphore(%run_scoped3A : memref<!tpu.dma_semaphore, #tpu.memory_space<semaphore_mem>>) src(%dma_wait3A_168 : memref<10016xf32, #tpu.memory_space<vmem_shared>>) dst(%arg9 : memref<10016xf32, #tpu.memory_space<vmem>>)
      tpu.yield
    }) : () -> ()
    %mul3A_163 = arith.constant 10016 : i32
    %mul3A_164 = arith.muli %arg1, %mul3A_163 : i32
    "tpu.region"() ({
      %run_scoped3A = tpu.sem_alloc : memref<!tpu.dma_semaphore, #tpu.memory_space<semaphore_mem>>
      %dma_start3A_165 = tpu.memref_slice %arg4[%mul3A_164] : memref<160256xf32, #tpu.memory_space<hbm>> -> memref<10016xf32, #tpu.memory_space<hbm>>
      %dma_start3A_166 = tpu.memref_slice %arg4[%mul3A_164] : memref<160256xf32, #tpu.memory_space<hbm>> -> memref<10016xf32, #tpu.memory_space<hbm>>
      tpu.enqueue_dma source(%arg9 : memref<10016xf32, #tpu.memory_space<vmem>>) target(%dma_start3A_166 : memref<10016xf32, #tpu.memory_space<hbm>>) target_semaphore(%run_scoped3A : memref<!tpu.dma_semaphore, #tpu.memory_space<semaphore_mem>>)
      %dma_wait3A_167 = tpu.memref_slice %arg4[%mul3A_164] : memref<160256xf32, #tpu.memory_space<hbm>> -> memref<10016xf32, #tpu.memory_space<hbm>>
      %dma_wait3A_168 = tpu.memref_slice %arg4[%mul3A_164] : memref<160256xf32, #tpu.memory_space<hbm>> -> memref<10016xf32, #tpu.memory_space<hbm>>
      tpu.wait_dma2 semaphore(%run_scoped3A : memref<!tpu.dma_semaphore, #tpu.memory_space<semaphore_mem>>) src(%arg9 : memref<10016xf32, #tpu.memory_space<vmem>>) dst(%dma_wait3A_168 : memref<10016xf32, #tpu.memory_space<hbm>>)
      tpu.yield
    }) : () -> ()
    return
  }
}

module attributes {stable_mosaic.version = 14 : i64} {
  func.func @_sums_body(%arg0: i32, %arg1: memref<8000x128xf32, #tpu.memory_space<vmem>>, %arg2: memref<1x1x8000xi32, #tpu.memory_space<vmem>>, %arg3: memref<128x128xf32, #tpu.memory_space<vmem>>, %arg4: memref<16x128xf32, #tpu.memory_space<vmem>>, %arg5: memref<16x128xf32, #tpu.memory_space<vmem>>, %arg6: memref<16x128xf32, #tpu.memory_space<vmem>>) attributes {dimension_semantics = [#tpu.dimension_semantics<arbitrary>], iteration_bounds = array<i64: 40>, scalar_prefetch = 0 : i64, scratch_operands = 2 : i64, tpu.core_type = #tpu.core_type<tc>, window_params = [{transform_indices = @transform_0, window_bounds = array<i64: 8000, 128>}, {transform_indices = @transform_1, window_bounds = array<i64: 1, 1, 8000>}, {pipeline_mode = #tpu.pipeline_mode<synchronous>, transform_indices = @transform_2, window_bounds = array<i64: 128, 128>}, {pipeline_mode = #tpu.pipeline_mode<synchronous>, transform_indices = @transform_3, window_bounds = array<i64: 16, 128>}]} {
    %eq3A = arith.constant 0 : i32
    %eq3A_0 = arith.cmpi eq, %arg0, %eq3A : i32
    %convert_element_type3A = arith.extui %eq3A_0 : i1 to i32
    %cond3A = arith.constant 0 : i32
    %cond3A_1 = arith.cmpi ne, %convert_element_type3A, %cond3A : i32
    scf.if %cond3A_1 {
      %broadcast_in_dim3A_34 = arith.constant 0.000000e+00 : f32
      %broadcast_in_dim3A_35 = vector.broadcast %broadcast_in_dim3A_34 : f32 to vector<16x128xf32>
      %swap3A_36 = arith.constant 0 : index
      %swap3A_37 = arith.constant 0 : index
      %swap3A_38 = vector.load %arg5[%swap3A_36, %swap3A_37] : memref<16x128xf32, #tpu.memory_space<vmem>>, vector<16x128xf32>
      tpu.vector_store %arg5[%swap3A_36, %swap3A_37], %broadcast_in_dim3A_35 {strides = array<i32>} : memref<16x128xf32, #tpu.memory_space<vmem>>, vector<16x128xf32>,
      %broadcast_in_dim3A_39 = arith.constant 0.000000e+00 : f32
      %broadcast_in_dim3A_40 = vector.broadcast %broadcast_in_dim3A_39 : f32 to vector<16x128xf32>
      %swap3A_41 = arith.constant 0 : index
      %swap3A_42 = arith.constant 0 : index
      %swap3A_43 = vector.load %arg6[%swap3A_41, %swap3A_42] : memref<16x128xf32, #tpu.memory_space<vmem>>, vector<16x128xf32>
      tpu.vector_store %arg6[%swap3A_41, %swap3A_42], %broadcast_in_dim3A_40 {strides = array<i32>} : memref<16x128xf32, #tpu.memory_space<vmem>>, vector<16x128xf32>,
    } else {
    }
    %get3A = arith.constant 0 : index
    %get3A_2 = arith.constant 0 : index
    %get3A_3 = arith.constant 0 : index
    %get3A_4 = vector.load %arg2[%get3A, %get3A_2, %get3A_3] : memref<1x1x8000xi32, #tpu.memory_space<vmem>>, vector<1x1x8000xi32>
    %get3A_5 = vector.shape_cast %get3A_4 : vector<1x1x8000xi32> to vector<1x8000xi32>
    %iota3A = tpu.iota {dimensions = array<i32: 0>} : vector<16x8000xi32>
    %eq3A_6 = vector.broadcast %get3A_5 : vector<1x8000xi32> to vector<16x8000xi32>
    %eq3A_7 = arith.cmpi eq, %iota3A, %eq3A_6 : vector<16x8000xi32>
    %convert_element_type3A_8 = arith.extui %eq3A_7 : vector<16x8000xi1> to vector<16x8000xi32>
    %convert_element_type3A_9 = arith.sitofp %convert_element_type3A_8 : vector<16x8000xi32> to vector<16x8000xf32>
    %get3A_10 = arith.constant 0 : index
    %get3A_11 = arith.constant 0 : index
    %get3A_12 = vector.load %arg5[%get3A_10, %get3A_11] : memref<16x128xf32, #tpu.memory_space<vmem>>, vector<16x128xf32>
    %get3A_13 = arith.constant 0 : index
    %get3A_14 = arith.constant 0 : index
    %get3A_15 = vector.load %arg1[%get3A_13, %get3A_14] : memref<8000x128xf32, #tpu.memory_space<vmem>>, vector<8000x128xf32>
    %dot_general3A = arith.constant dense<0.000000e+00> : vector<16x128xf32>
    %dot_general3A_16 = tpu.matmul %convert_element_type3A_9, %get3A_15, %dot_general3A {dimension_numbers = #tpu.dot_dimension_numbers<[1], [0], [0], [1], [0, 0, 1, 1], [], []>, transpose_lhs_hint = false} : vector<16x8000xf32>, vector<8000x128xf32>, vector<16x128xf32> -> vector<16x128xf32>
    %add3A = arith.addf %get3A_12, %dot_general3A_16 : vector<16x128xf32>
    %swap3A = arith.constant 0 : index
    %swap3A_17 = arith.constant 0 : index
    %swap3A_18 = vector.load %arg5[%swap3A, %swap3A_17] : memref<16x128xf32, #tpu.memory_space<vmem>>, vector<16x128xf32>
    tpu.vector_store %arg5[%swap3A, %swap3A_17], %add3A {strides = array<i32>} : memref<16x128xf32, #tpu.memory_space<vmem>>, vector<16x128xf32>,
    %get3A_19 = arith.constant 0 : index
    %get3A_20 = arith.constant 0 : index
    %get3A_21 = vector.load %arg6[%get3A_19, %get3A_20] : memref<16x128xf32, #tpu.memory_space<vmem>>, vector<16x128xf32>
    %reduce_sum3A = arith.constant dense<0.000000e+00> : vector<16xf32>
    %reduce_sum3A_22 = vector.multi_reduction <add>, %convert_element_type3A_9, %reduce_sum3A [1] : vector<16x8000xf32> to vector<16xf32>
    %broadcast_in_dim3A = vector.shape_cast %reduce_sum3A_22 : vector<16xf32> to vector<16x1xf32>
    %broadcast_in_dim3A_23 = vector.shape_cast %broadcast_in_dim3A : vector<16x1xf32> to vector<16x1xf32>
    %broadcast_in_dim3A_24 = vector.broadcast %broadcast_in_dim3A_23 : vector<16x1xf32> to vector<16x128xf32>
    %add3A_25 = arith.addf %get3A_21, %broadcast_in_dim3A_24 : vector<16x128xf32>
    %swap3A_26 = arith.constant 0 : index
    %swap3A_27 = arith.constant 0 : index
    %swap3A_28 = vector.load %arg6[%swap3A_26, %swap3A_27] : memref<16x128xf32, #tpu.memory_space<vmem>>, vector<16x128xf32>
    tpu.vector_store %arg6[%swap3A_26, %swap3A_27], %add3A_25 {strides = array<i32>} : memref<16x128xf32, #tpu.memory_space<vmem>>, vector<16x128xf32>,
    %eq3A_29 = arith.constant 39 : i32
    %eq3A_30 = arith.cmpi eq, %arg0, %eq3A_29 : i32
    %convert_element_type3A_31 = arith.extui %eq3A_30 : i1 to i32
    %cond3A_32 = arith.constant 0 : i32
    %cond3A_33 = arith.cmpi ne, %convert_element_type3A_31, %cond3A_32 : i32
    scf.if %cond3A_33 {
      %get3A_34 = arith.constant 0 : index
      %get3A_35 = arith.constant 0 : index
      %get3A_36 = vector.load %arg5[%get3A_34, %get3A_35] : memref<16x128xf32, #tpu.memory_space<vmem>>, vector<16x128xf32>
      %get3A_37 = arith.constant 0 : index
      %get3A_38 = arith.constant 0 : index
      %get3A_39 = vector.load %arg6[%get3A_37, %get3A_38] : memref<16x128xf32, #tpu.memory_space<vmem>>, vector<16x128xf32>
      %max3A = arith.constant 1.000000e+00 : f32
      %max3A_40 = vector.broadcast %max3A : f32 to vector<16x128xf32>
      %max3A_41 = arith.maximumf %get3A_39, %max3A_40 : vector<16x128xf32>
      %div3A = arith.divf %get3A_36, %max3A_41 : vector<16x128xf32>
      %iota3A_42 = tpu.iota {dimensions = array<i32: 0>} : vector<16x128xi32>
      %lt3A = arith.constant 14 : i32
      %lt3A_43 = vector.broadcast %lt3A : i32 to vector<16x128xi32>
      %lt3A_44 = arith.cmpi slt, %iota3A_42, %lt3A_43 : vector<16x128xi32>
      %jit3A = arith.constant 0.000000e+00 : f32
      %broadcast_in_dim3A_45 = vector.broadcast %jit3A : f32 to vector<16x128xf32>
      %select_n3A = arith.select %lt3A_44, %div3A, %broadcast_in_dim3A_45 : vector<16x128xi1>, vector<16x128xf32>
      %get3A_46 = arith.constant 0 : index
      %get3A_47 = arith.constant 0 : index
      %get3A_48 = vector.load %arg3[%get3A_46, %get3A_47] : memref<128x128xf32, #tpu.memory_space<vmem>>, vector<128x128xf32>
      %dot_general3A_49 = arith.constant dense<0.000000e+00> : vector<16x128xf32>
      %dot_general3A_50 = tpu.matmul %select_n3A, %get3A_48, %dot_general3A_49 {dimension_numbers = #tpu.dot_dimension_numbers<[1], [1], [0], [0], [0, 0, 1, 0], [], []>, transpose_lhs_hint = false} : vector<16x128xf32>, vector<128x128xf32>, vector<16x128xf32> -> vector<16x128xf32>
      %mul3A = arith.constant 5.000000e-01 : f32
      %mul3A_51 = vector.broadcast %mul3A : f32 to vector<16x128xf32>
      %mul3A_52 = arith.mulf %mul3A_51, %dot_general3A_50 : vector<16x128xf32>
      %swap3A_53 = arith.constant 0 : index
      %swap3A_54 = arith.constant 0 : index
      %swap3A_55 = vector.load %arg4[%swap3A_53, %swap3A_54] : memref<16x128xf32, #tpu.memory_space<vmem>>, vector<16x128xf32>
      tpu.vector_store %arg4[%swap3A_53, %swap3A_54], %mul3A_52 {strides = array<i32>} : memref<16x128xf32, #tpu.memory_space<vmem>>, vector<16x128xf32>,
    } else {
    }
    return
  }
  func.func @transform_0(%arg0: i32) -> (i32, i32) {
    %c0_i32 = arith.constant 0 : i32
    %c0_i32_0 = arith.constant 0 : i32
    return %arg0, %c0_i32 : i32, i32
  }
  func.func @transform_1(%arg0: i32) -> (i32, i32, i32) {
    %c0_i32 = arith.constant 0 : i32
    %c0_i32_0 = arith.constant 0 : i32
    %c0_i32_1 = arith.constant 0 : i32
    return %arg0, %c0_i32, %c0_i32_0 : i32, i32, i32
  }
  func.func @transform_2(%arg0: i32) -> (i32, i32) {
    %c0_i32 = arith.constant 0 : i32
    %c0_i32_0 = arith.constant 0 : i32
    %c0_i32_1 = arith.constant 0 : i32
    return %c0_i32, %c0_i32_0 : i32, i32
  }
  func.func @transform_3(%arg0: i32) -> (i32, i32) {
    %c0_i32 = arith.constant 0 : i32
    %c0_i32_0 = arith.constant 0 : i32
    %c0_i32_1 = arith.constant 0 : i32
    return %c0_i32, %c0_i32_0 : i32, i32
  }
}

module attributes {stable_mosaic.version = 14 : i64} {
  func.func @_y_body(%arg0: i32, %arg1: memref<10016x16xf32, #tpu.memory_space<vmem>>, %arg2: memref<16x128xf32, #tpu.memory_space<vmem>>, %arg3: memref<1x128xf32, #tpu.memory_space<vmem>>, %arg4: memref<10016x128xf32, #tpu.memory_space<vmem>>) attributes {dimension_semantics = [#tpu.dimension_semantics<arbitrary>], iteration_bounds = array<i64: 1>, scalar_prefetch = 0 : i64, scratch_operands = 0 : i64, tpu.core_type = #tpu.core_type<tc>, window_params = [{pipeline_mode = #tpu.pipeline_mode<synchronous>, transform_indices = @transform_0, window_bounds = array<i64: 10016, 16>}, {pipeline_mode = #tpu.pipeline_mode<synchronous>, transform_indices = @transform_1, window_bounds = array<i64: 16, 128>}, {pipeline_mode = #tpu.pipeline_mode<synchronous>, transform_indices = @transform_2, window_bounds = array<i64: 1, 128>}, {pipeline_mode = #tpu.pipeline_mode<synchronous>, transform_indices = @transform_3, window_bounds = array<i64: 10016, 128>}]} {
    %get3A = arith.constant 0 : index
    %get3A_0 = arith.constant 0 : index
    %get3A_1 = vector.load %arg1[%get3A, %get3A_0] : memref<10016x16xf32, #tpu.memory_space<vmem>>, vector<10016x16xf32>
    %get3A_2 = arith.constant 0 : index
    %get3A_3 = arith.constant 0 : index
    %get3A_4 = vector.load %arg2[%get3A_2, %get3A_3] : memref<16x128xf32, #tpu.memory_space<vmem>>, vector<16x128xf32>
    %dot_general3A = arith.constant dense<0.000000e+00> : vector<10016x128xf32>
    %dot_general3A_5 = tpu.matmul %get3A_1, %get3A_4, %dot_general3A {dimension_numbers = #tpu.dot_dimension_numbers<[1], [0], [0], [1], [0, 0, 1, 1], [], []>, transpose_lhs_hint = false} : vector<10016x16xf32>, vector<16x128xf32>, vector<10016x128xf32> -> vector<10016x128xf32>
    %get3A_6 = arith.constant 0 : index
    %get3A_7 = arith.constant 0 : index
    %get3A_8 = vector.load %arg3[%get3A_6, %get3A_7] : memref<1x128xf32, #tpu.memory_space<vmem>>, vector<1x128xf32>
    %mul3A = arith.constant 5.000000e-01 : f32
    %mul3A_9 = vector.broadcast %mul3A : f32 to vector<1x128xf32>
    %mul3A_10 = arith.mulf %mul3A_9, %get3A_8 : vector<1x128xf32>
    %add3A = vector.broadcast %mul3A_10 : vector<1x128xf32> to vector<10016x128xf32>
    %add3A_11 = arith.addf %dot_general3A_5, %add3A : vector<10016x128xf32>
    %swap3A = arith.constant 0 : index
    %swap3A_12 = arith.constant 0 : index
    %swap3A_13 = vector.load %arg4[%swap3A, %swap3A_12] : memref<10016x128xf32, #tpu.memory_space<vmem>>, vector<10016x128xf32>
    tpu.vector_store %arg4[%swap3A, %swap3A_12], %add3A_11 {strides = array<i32>} : memref<10016x128xf32, #tpu.memory_space<vmem>>, vector<10016x128xf32>,
    return
  }
  func.func @transform_0(%arg0: i32) -> (i32, i32) {
    %c0_i32 = arith.constant 0 : i32
    %c0_i32_0 = arith.constant 0 : i32
    %c0_i32_1 = arith.constant 0 : i32
    return %c0_i32, %c0_i32_0 : i32, i32
  }
  func.func @transform_1(%arg0: i32) -> (i32, i32) {
    %c0_i32 = arith.constant 0 : i32
    %c0_i32_0 = arith.constant 0 : i32
    %c0_i32_1 = arith.constant 0 : i32
    return %c0_i32, %c0_i32_0 : i32, i32
  }
  func.func @transform_2(%arg0: i32) -> (i32, i32) {
    %c0_i32 = arith.constant 0 : i32
    %c0_i32_0 = arith.constant 0 : i32
    %c0_i32_1 = arith.constant 0 : i32
    return %c0_i32, %c0_i32_0 : i32, i32
  }
  func.func @transform_3(%arg0: i32) -> (i32, i32) {
    %c0_i32 = arith.constant 0 : i32
    %c0_i32_0 = arith.constant 0 : i32
    %c0_i32_1 = arith.constant 0 : i32
    return %c0_i32, %c0_i32_0 : i32, i32
  }
}

</mosaic_0001>

<sc_bundles>
// kernel: kernel.6.cloned.1.call-start
scs
__scs_entry_jumppad:
0x0: {  	(pc) =	sbr.rel $0x88, $3  }
0x1: {  	(tag) =	ssettag $0x0;
	lr =	simm.s32 $0x1  }
0x2: {  	[smem:$0x3F9D] =	sst lr;
	_ =	strace $0xD0000000  }
0x3: {  	_ = 	snop  }
0x4: {  	_ = 	snop  }
0x5: {  	_ = 	snop  }
0x6: {  	_ = 	snop  }
0x7: {  	_ = 	snop  }
__scs_overlays_trampoline_lowered:
0x8: {  	[smem:$0x3FAC] =	sst s0  }
0x9: {  	[smem:$0x3FAD] =	sst s1  }
0xa: {  	[smem:$0x3FAE] =	sst s2  }
0xb: {  	[smem:$0x3FAF] =	sst s3  }
0xc: {  	[smem:$0x3FB0] =	sst s4  }
0xd: {  	[smem:$0x3FB1] =	sst s5  }
0xe: {  	[smem:$0x3FB2] =	sst s6  }
0xf: {  	[smem:$0x3FB3] =	sst s7  }
0x10: {  	[smem:$0x3FB4] =	sst s8  }
0x11: {  	[smem:$0x3FB5] =	sst s9;
	s0 =	simm.s32 @!p0 $0x0  }
0x12: {  	s1 =	sld [smem:$0x3F9B];
	s0 =	simm.s32 @p0 $0x1  }
0x13: {  	[smem:$0x3FB6] =	sst s0;
	s0 =	simm.s32 @!p1 $0x0  }
0x14: {  	s2 =	sld [smem:$0x3F9A];
	s0 =	simm.s32 @p1 $0x1  }
0x15: {  	[smem:$0x3FB7] =	sst s0;
	s0 =	simm.s32 @!p2 $0x0  }
0x16: {  	s3 =	sld [smem:$0x3FDB];
	s0 =	simm.s32 @p2 $0x1  }
0x17: {  	s4 =	simm.s32 $0x1BF5;
	[smem:$0x3FB9] =	sst s0  }
0x18: {  	s0 =	sld [smem:$0x3F9C];
	_ =	swait.ge [sflag:s4], $0x0  }
0x19: {  	s7 =	sld [smem:$0x3F9D]  }
0x1a: {  	s8 =	sadd.s32 $0xFFFFE003, lr  }
0x1b: {  	s9 =	sadd.s32 $0xFFFFFEF7, lr;
	s5 =	simm.s32 $0xFFFFFFFF;
	p2 =	slt.u32 s8, $0xFFFFF086  }
0x1c: {  	p1 =	slt.u32 s9, $0xF7A;
	s5 =	simm.s32 @!p2 $0x0  }
0x1d: {  	s5 =	simm.s32 @p1 $0x1;
	p0 =	seq.s32 s7, s2  }
0x1e: {  	s7 =	smul.u32 @!p0 $0xF7A, s2;
	p2 =	seq.s32 @!p0 s5, $0x0  }
0x1f: {  	s9 =	smul.u32 $0xF7A, s1;
	s8 =	simm.s32 @!p0 $0x1BF5;
	p2 =	por !p2, p0  }
0x20: {  	[sflag:s8] =	ssyncset.s32 @!p0 $0xFFFFF086;
	s6 =	sadd.s32 @!p0 s3, s7;
	s7 =	simm.s32 @!p0 $0x108  }
0x21: {  	s3 =	sadd.s32 s3, s9;
	s6 =	sadd.s32 @!p0 $0x88, s6;
	s7 =	simm.s32 @p2 $0x1082  }
0x22: {  	[simem:s7], [sflag:s8] =	dma.local @!p0 [hbm:s6], $0xF7A  }
0x23: {  	s9 =	sor.u32 $0xD0000000, s2;
	s6 =	simm.s32 $0x108;
	_ =	swait.ge @!p0 [sflag:s8], $0x0  }
0x24: {  	s3 =	sadd.s32 $0x88, s3;
	s6 =	simm.s32 @!p1 $0x1082;
	[sflag:s4] =	ssyncset.s32 $0xFFFFF086  }
0x25: {  	[simem:s6], [sflag:s4] =	dma.local [hbm:s3], $0xF7A  }
0x26: {  	[smem:$0x3F9D] =	sst s1;
	(tag) =	ssettag s2;
	_ =	strace s9  }
0x27: {  	s1 =	sld [smem:$0x3FAD]  }
0x28: {  	s2 =	sld [smem:$0x3FAE]  }
0x29: {  	s4 =	sld [smem:$0x3FB0]  }
0x2a: {  	p0 =	seq.s32 s5, $0x0;
	s5 =	sld [smem:$0x3FB1]  }
0x2b: {  	s6 =	sld [smem:$0x3FB2]  }
0x2c: {  	s7 =	sld [smem:$0x3FB3]  }
0x2d: {  	s3 =	simm.s32 $0x108;
	s8 =	sld [smem:$0x3FB4]  }
0x2e: {  	s3 =	simm.s32 @!p0 $0x1082;
	s9 =	sld [smem:$0x3FB5]  }
0x2f: {  	lr =	sadd.s32 s0, s3;
	s0 =	sld [smem:$0x3FAC]  }
0x30: {  	s3 =	sld [smem:$0x3FAF]  }
0x31: {  	[smem:$0x3FB8] =	sst s10  }
0x32: {  	s10 =	sld [smem:$0x3FB6];
	_ =	sdelay $0x3  }
0x33: {  	p0 =	seq.s32 s10, $0x1;
	s10 =	sld [smem:$0x3FB8];
	_ =	sdelay $0x3  }
0x34: {  	[smem:$0x3FB8] =	sst s10  }
0x35: {  	s10 =	sld [smem:$0x3FB7];
	_ =	sdelay $0x3  }
0x36: {  	p1 =	seq.s32 s10, $0x1;
	s10 =	sld [smem:$0x3FB8];
	_ =	sdelay $0x3  }
0x37: {  	[smem:$0x3FB8] =	sst s10  }
0x38: {  	s10 =	sld [smem:$0x3FB9]  }
0x39: {  	_ = 	snop;
	(pc) =	sbr.ind lr, $3  }
0x3a: {  	_ = 	snop  }
0x3b: {  	_ = 	snop  }
0x3c: {  	p2 =	seq.s32 s10, $0x1;
	s10 =	sld [smem:$0x3FB8]  }
0x3d: {  	_ =	shalt  }
0x3e: {  	_ =	shalt  }
0x3f: {  	_ =	shalt  }
0x40: {  	_ =	shalt  }
0x41: {  	_ =	shalt  }
0x42: {  	_ =	shalt  }
0x43: {  	_ =	shalt  }
0x44: {  	_ =	shalt  }
0x45: {  	_ =	shalt  }
0x46: {  	_ =	shalt  }
0x47: {  	_ =	shalt  }
0x48: {  	_ =	shalt  }
0x49: {  	_ =	shalt  }
0x4a: {  	_ =	shalt  }
0x4b: {  	_ =	shalt  }
0x4c: {  	_ =	shalt  }
0x4d: {  	_ =	shalt  }
0x4e: {  	_ =	shalt  }
0x4f: {  	_ =	shalt  }
0x50: {  	_ =	shalt  }
0x51: {  	_ =	shalt  }
0x52: {  	_ =	shalt  }
0x53: {  	_ =	shalt  }
0x54: {  	_ =	shalt  }
0x55: {  	_ =	shalt  }
0x56: {  	_ =	shalt  }
0x57: {  	_ =	shalt  }
0x58: {  	_ =	shalt  }
0x59: {  	_ =	shalt  }
0x5a: {  	_ =	shalt  }
0x5b: {  	_ =	shalt  }
0x5c: {  	_ =	shalt  }
0x5d: {  	_ =	shalt  }
0x5e: {  	_ =	shalt  }
0x5f: {  	_ =	shalt  }
0x60: {  	_ =	shalt  }
0x61: {  	_ =	shalt  }
0x62: {  	_ =	shalt  }
0x63: {  	_ =	shalt  }
0x64: {  	_ =	shalt  }
0x65: {  	_ =	shalt  }
0x66: {  	_ =	shalt  }
0x67: {  	_ =	shalt  }
0x68: {  	_ =	shalt  }
0x69: {  	_ =	shalt  }
0x6a: {  	_ =	shalt  }
0x6b: {  	_ =	shalt  }
0x6c: {  	_ =	shalt  }
0x6d: {  	_ =	shalt  }
0x6e: {  	_ =	shalt  }
0x6f: {  	_ =	shalt  }
0x70: {  	_ =	shalt  }
0x71: {  	_ =	shalt  }
0x72: {  	_ =	shalt  }
0x73: {  	_ =	shalt  }
0x74: {  	_ =	shalt  }
0x75: {  	_ =	shalt  }
0x76: {  	_ =	shalt  }
0x77: {  	_ =	shalt  }
0x78: {  	_ =	shalt  }
0x79: {  	_ =	shalt  }
0x7a: {  	_ =	shalt  }
0x7b: {  	_ =	shalt  }
0x7c: {  	_ =	shalt  }
0x7d: {  	_ =	shalt  }
0x7e: {  	_ =	shalt  }
0x7f: {  	_ =	shalt  }
0x80: {  	_ =	shalt  }
0x81: {  	_ =	shalt  }
0x82: {  	_ =	shalt  }
0x83: {  	_ =	shalt  }
0x84: {  	_ =	shalt  }
0x85: {  	_ =	shalt  }
0x86: {  	_ =	shalt  }
0x87: {  	_ =	shalt  }
.Lfunc_end0:
.L_simem_size_0:
called_computation_lowered:
.L_overlay_start_0:
0x88: {  	s0 =	sld [smem:$0x3FD9]  }
0x89: {  	s1 =	sld [smem:$0x3FFE];
	_ =	sdelay $0x3  }
0x8a: {  	s0 =	sadd.s32 s1, s0  }
0x8b: {  	[smem:$0x3FC4] =	sst s0  }
0x8c: {  	_ = 	snop  }
0x8d: {  	s0 =	sld [smem:$0x3FD0];
	(tm) =	ssettm $0x1  }
0x8e: {  	s16 =	sld [smem:$0x3FFB];
	_ =	sdelay $0x3  }
0x8f: {  	_ =	strace s16  }
0x90: {  	s1 =	sld [smem:$0x3FFC];
	_ =	sdelay $0x3  }
0x91: {  	_ =	strace s1  }
0x92: {  	s1 =	sld [smem:$0x3FFD];
	_ =	sdelay $0x3  }
0x93: {  	_ =	strace s1  }
0x94: {  	_ =	strace $0x8FFFFFFF  }
0x95: {  	s17 =	sld [smem:$0x3FDB];
	_ =	sdelay $0x1  }
0x96: {  	s2 =	simm.s32 $_scs_section_size  }
0x97: {  	s3 =	simm.s32 $_size__tile_overlayer_lowered;
	s4 =	simm.s32 $_tile_overlayer_lowered  }
0x98: {  	s20 =	simm.s32 $0x1BFF;
	s19 =	sshll.u32 s4, $0x1;
	s1 =	sadd.s32 s2, s17  }
0x99: {  	s5 =	simm.s32 $0x0;
	s18 =	sshll.u32 s3, $0x1;
	s3 =	sadd.s32 s19, s1  }
0x9a: {  	[timem:s5], [sflag:s20] =	dma.local [hbm:s3], s18  }
0x9b: {  	_ =	swait.ge [sflag:s20], s18  }
0x9c: {  	s2 =	ssub.s32 $0x0, s18;
	[sflag:s20] =	ssyncset.done $0x0  }
0x9d: {  	[sflag:s20] =	ssyncadd.s32 s2;
	_ =	sdelay $0x1  }
0x9e: {  	s21 =	simm.s32 $0x1B8B  }
0x9f: {  	_ =	swait.ge [sflag:s21], $0x1  }
0xa0: {  	[sflag:s21] =	ssyncset.done $0x0  }
0xa1: {  	s23 =	simm.s32 $0x1B8E;
	s22 =	sld [smem:$0x3FFE];
	[sflag:s21] =	ssyncadd.s32 $0xFFFFFFFF  }
0xa2: {  	s24 =	simm.s32 $execute0_lowered;
	[smem:$0x3FD2] =	sst s23  }
0xa3: {  	s3 =	sshll.u32 s24, $0x1;
	_ =	strace $0x80000046;
	[dreg:$0x1] =	wrdreg $0xFFFFFFFF  }
0xa4: {  	s25 =	simm.s32 $_size_execute0_lowered;
	s1 =	sadd.s32 s1, s3;
	[dreg:$0x0] =	wrdreg $0x0  }
0xa5: {  	s3 =	sshll.u32 s25, $0x1;
	[dreg:$0x2] =	wrdreg s1  }
0xa6: {  	[dreg:$0x3] =	wrdreg s3  }
0xa7: {  	[dreg:$0x4] =	wrdreg $0xC0  }
0xa8: {  	_ =	task [dreg:s5], $0x5FFFF  }
0xa9: {  	[dreg:$0x1] =	wrdreg $0xFFFFFFFF  }
0xaa: {  	[dreg:$0x0] =	wrdreg $0x60  }
0xab: {  	[dreg:$0x2] =	wrdreg s22  }
0xac: {  	[dreg:$0x3] =	wrdreg s0  }
0xad: {  	[dreg:$0x4] =	wrdreg $0x115000  }
0xae: {  	[dreg:$0x5] =	wrdreg $0x9  }
0xaf: {  	_ =	task.clear_ibuf [dreg:s5], $0x6FFFF;
	_ =	strace $0x90000046  }
0xb0: {  	s26 =	simm.s32 $0x9;
	_ =	strace $0x80000048  }
0xb1: {  	_ =	swait.ge [sflag:s26], $0x1  }
0xb2: {  	[sflag:s26] =	ssyncadd.s32 $0xFFFFFFFF  }
0xb3: {  	_ =	strace $0x90000048  }
0xb4: {  	_ =	sfence  }
0xb5: {  	s28 =	sld [smem:$0x0];
	_ =	sdelay $0x1  }
0xb6: {  	s29 =	srdreg.scid  }
0xb7: {  	s30 =	sshll.u32 s29, $0xD;
	s31 =	sshrl.u32 s29, $0x2  }
0xb8: {  	s2 =	sand.u32 $0x4000, s30;
	s1 =	sand.u32 $0x1, s29;
	s0 =	sadd.s32 s31, s28  }
0xb9: {  	s1 =	sor.u32 s2, s1;
	s0 =	sshll.u32 s0, $0x11  }
0xba: {  	s0 =	sor.u32 s0, s1  }
0xbb: {  	s0 =	sadd.s32 $0x8F2B, s0  }
0xbc: {  	[sflag:s0] =	ssyncadd.remote.s32 $0x1  }
0xbd: {  	_ =	sfence.sel $0xFFFF  }
0xbe: {  	[dreg:$0x0] =	wrdreg $0xFFFFFFFF;
	(pc) =	sbr.abs _section_cstart, $3  }
0xbf: {  	[dreg:$0x1] =	wrdreg $0xFFFFFFFF  }
0xc0: {  	_ =	task.clear_ibuf [dreg:s5], $0x2FFFF;
	_ =	strace $0x9FFFFFFF  }
0xc1: {  	(tm) =	ssettm $0x7FFFFFFF  }
tec
execute0_lowered:
.L_overlay_start_1:
0x0: {  	(tag) =	ssettag $0x1  }
0x1: {  	s4 =	rddreg [dreg:$0x0]  }
0x2: {  	s2 =	rddreg [dreg:$0x1];
	s0 =	stileid.u32  }
0x3: {  	s3 =	rddreg [dreg:$0x2];
	s5 =	smul.u32 $0x9C4, s0  }
0x4: {  	s1 =	rddreg [dreg:$0x3];
	s6 =	simm.s32 $0x0  }
0x5: {  	[smem:$0x7FF] =	sst s6;
	s4 =	sadd.s32 s5, s4  }
0x6: {  	s31 =	simm.s32 $0x1;
	_ =	strace $0x80000047;
	s5 =	sadd.s32 $0xA600, s4  }
0x7: {  	[tilespmem:s6], [sflag:$0x1] =	stream.linear.gather [hbm4b:s5+s6], $0x4E20, $0x38;
	[tilespmem:$0x13C20] =	vst v63  }
0x8: {  	_ =	swait.ge [sflag:s31], $0x4E20  }
0x9: {  	[sflag:s31] =	ssyncset.done $0x0  }
0xa: {  	s7 =	simm.s32 $0x4E80;
	s4 =	sadd.s32 $0x800, s4;
	[sflag:s31] =	ssyncadd.s32 $0xFFFFB1E0  }
0xb: {  	[tilespmem:s7], [sflag:$0x1] =	stream.linear.gather [hbm4b:s4+s6], $0x4E20, $0x38;
	[tilespmem:$0x13C20] =	vst v63  }
0xc: {  	_ =	swait.ge [sflag:s31], $0x4E20  }
0xd: {  	[sflag:s31] =	ssyncset.done $0x0  }
0xe: {  	v0 =	vimm.s32 $0xF;
	[sflag:s31] =	ssyncadd.s32 $0xFFFFB1E0  }
0xf: {  	v1 =	vimm.s32 $0x271F;
	[tilespmem:$0x4E20] =	vst v0  }
0x10: {  	[tilespmem:$0x9CA0] =	vst v1  }
0x11: {  	[tilespmem:$0x4E30] =	vst v0  }
0x12: {  	[tilespmem:$0x9CB0] =	vst v1  }
0x13: {  	[tilespmem:$0x4E40] =	vst v0  }
0x14: {  	[tilespmem:$0x9CC0] =	vst v1  }
0x15: {  	[tilespmem:$0x4E50] =	vst v0  }
0x16: {  	[tilespmem:$0x9CD0] =	vst v1  }
0x17: {  	[tilespmem:$0x4E60] =	vst v0  }
0x18: {  	[tilespmem:$0x9CE0] =	vst v1  }
0x19: {  	[tilespmem:$0x4E70] =	vst v0  }
0x1a: {  	[tilespmem:$0x9CF0] =	vst v1;
	v0 =	vimm.f32 $1.000000000e+00  }
0x1b: {  	[tilespmem:$0xED00] =	vst v0  }
0x1c: {  	[tilespmem:$0xED10] =	vst v0  }
0x1d: {  	[tilespmem:$0xED20] =	vst v0  }
0x1e: {  	[tilespmem:$0xED30] =	vst v0  }
0x1f: {  	[tilespmem:$0xED40] =	vst v0  }
0x20: {  	[tilespmem:$0xED50] =	vst v0  }
0x21: {  	[tilespmem:$0xED60] =	vst v0  }
0x22: {  	s5 =	simm.s32 $0x0;
	s4 =	simm.s32 $0x40;
	[tilespmem:$0xED70] =	vst v0;
	v0 =	vimm.f32 $0.0e+00  }
.LBB2_1:
0x23: {  	p0 =	sne.s32 s4, $0x9C40;
	[tilespmem:s5+$0xED80] =	vst v0;
	s5 =	smov.u32 s4;
	s4 =	sadd.s32 $0x40, s4  }
.Ltmp0:
0x24: {  	(pc) =	sbr.rel @p0 .LBB2_1-.Ltmp0, $2  }
0x25: {  	_ =	sdelay $0x2  }
0x26: {  	s5 =	sshra.s32 s5, $0x2  }
0x27: {  	s4 =	smul.u32 $0x2720, s0;
	_ =	sdelay $0x1  }
0x28: {  	[tilespmem:s5+$0xED80] =	vst v0;
	s6 =	simm.s32 $0xED80;
	s31 =	simm.s32 $0x2;
	s5 =	sadd.s32 s4, s3  }
0x29: {  	[spmem:s5] =	stream.linear.scatter [tilespmem:s6], [sflag:$0x2], $0x2720, $0x38;
	[tilespmem:$0x13C20] =	vst v63  }
0x2a: {  	_ =	swait.ge [sflag:s31], $0x2720  }
0x2b: {  	[sflag:s31] =	ssyncset.done $0x0  }
0x2c: {  	[sflag:s31] =	ssyncadd.s32 $0xFFFFD8E0  }
0x2d: {  	s7 =	simm.s32 $0x0;
	[bflag:$0x0] =	sbarrier.arrive $0xFFFF  }
0x2e: {  	v0 =	vld [tilespmem:s7+$0x4EF0]  }
0x2f: {  	v1 =	vld [tilespmem:s7+$0x70]  }
0x30: {  	v2 =	vld [tilespmem:s7+$0x4E80]  }
0x31: {  	v3 =	vld [tilespmem:s7+$0x4E90]  }
0x32: {  	v4 =	vld [tilespmem:s7+$0x4EA0]  }
0x33: {  	v5 =	vld [tilespmem:s7+$0x4EB0]  }
0x34: {  	v6 =	vld [tilespmem:s7+$0x4EC0]  }
0x35: {  	v7 =	vld [tilespmem:s7+$0x4ED0]  }
0x36: {  	v8 =	vld [tilespmem:s7+$0x4EE0]  }
0x37: {  	v9 =	vld [tilespmem:s7+$0x0]  }
0x38: {  	v10 =	vld [tilespmem:s7+$0x10];
	_ =	sdelay $0x1  }
0x39: {  	vm0 =	vgt.s32 v0, $0x0;
	vm1 =	vgt.s32 v1, $0x0;
	vm14 =	vgt.s32 v2, $0x0  }
0x3a: {  	v14 =	vld [tilespmem:s7+$0x50];
	vm15 =	vgt.s32 v3, $0x0;
	vm4 =	vgt.s32 v4, $0x0;
	vm5 =	vgt.s32 v5, $0x0  }
0x3b: {  	v16 =	vld [tilespmem:s7+$0x60];
	vm6 =	vgt.s32 v6, $0x0;
	vm7 =	vgt.s32 v7, $0x0;
	vm8 =	vgt.s32 v8, $0x0  }
0x3c: {  	vm9 =	vgt.s32 v9, $0x0;
	vm10 =	vgt.s32 v10, $0x0;
	v0 =	vnsel vm0, $0x0, v0  }
0x3d: {  	v1 =	vnsel vm1, $0x0, v1;
	v2 =	vnsel vm14, $0x0, v2;
	v0 =	vmin.u32 v0, $0x271F  }
0x3e: {  	v9 =	vnsel vm9, $0x0, v9;
	v1 =	vmin.u32 v1, $0xF;
	v0 =	vshll.u32 v0, $0x4  }
0x3f: {  	vm14 =	vgt.s32 v14, $0x0;
	v0 =	vor.u32 v1, v0;
	v1 =	vnsel vm15, $0x0, v3  }
0x40: {  	v3 =	vnsel vm4, $0x0, v4;
	v4 =	vmin.u32 v2, $0x271F;
	v2 =	vld [tilespmem:s7+$0x20];
	vm15 =	vgt.s32 v16, $0x0  }
0x41: {  	[tilespmem:s7+$0x9D70] =	vst v0;
	v0 =	vnsel vm5, $0x0, v5;
	v11 =	vmin.u32 v1, $0x271F;
	v5 =	vld [tilespmem:s7+$0x30];
	v1 =	vnsel vm6, $0x0, v6  }
0x42: {  	v12 =	vmin.u32 v3, $0x271F;
	v3 =	vld [tilespmem:s7+$0x40];
	v6 =	vnsel vm7, $0x0, v7;
	v7 =	vnsel vm8, $0x0, v8  }
0x43: {  	v13 =	vmin.u32 v0, $0x271F;
	v15 =	vmin.u32 v1, $0x271F;
	v0 =	vmin.u32 v6, $0x271F  }
0x44: {  	v1 =	vmin.u32 v7, $0x271F;
	v7 =	vnsel vm10, $0x0, v10;
	v6 =	vshll.u32 v4, $0x4  }
0x45: {  	v8 =	vshll.u32 v11, $0x4;
	v12 =	vshll.u32 v12, $0x4;
	v4 =	vnsel vm14, $0x0, v14  }
0x46: {  	v11 =	vnsel vm15, $0x0, v16;
	v13 =	vshll.u32 v13, $0x4;
	v10 =	vshll.u32 v15, $0x4  }
0x47: {  	vm11 =	vgt.s32 v2, $0x0;
	vm12 =	vgt.s32 v5, $0x0;
	vm13 =	vgt.s32 v3, $0x0  }
0x48: {  	s8 =	simm.s32 $0x80;
	s9 =	simm.s32 $0x400;
	s6 =	simm.s32 $0x200;
	v2 =	vnsel vm11, $0x0, v2;
	v5 =	vnsel vm12, $0x0, v5;
	v3 =	vnsel vm13, $0x0, v3  }
.LBB2_3:
0x49: {  	p0 =	sne.s32 s9, $0x13800;
	v14 =	vld [tilespmem:s8+$0x4EF0];
	v9 =	vmin.u32 v9, $0xF;
	v0 =	vshll.u32 v0, $0x4;
	v1 =	vshll.u32 v1, $0x4  }
0x4a: {  	v7 =	vmin.u32 v7, $0xF;
	v2 =	vmin.u32 v2, $0xF;
	v5 =	vmin.u32 v5, $0xF;
	v15 =	vld [tilespmem:s8+$0x70]  }
0x4b: {  	v3 =	vmin.u32 v3, $0xF;
	v4 =	vmin.u32 v4, $0xF;
	v11 =	vmin.u32 v11, $0xF;
	v16 =	vld [tilespmem:s8+$0x4E80]  }
0x4c: {  	v6 =	vor.u32 v9, v6;
	v7 =	vor.u32 v7, v8;
	v2 =	vor.u32 v2, v12;
	v17 =	vld [tilespmem:s8+$0x4E90]  }
0x4d: {  	v5 =	vor.u32 v5, v13;
	v3 =	vor.u32 v3, v10;
	v0 =	vor.u32 v4, v0;
	v8 =	vld [tilespmem:s8+$0x4EA0];
	[tilespmem:s7+$0x9D00] =	vst v6  }
0x4e: {  	v1 =	vor.u32 v11, v1;
	v4 =	vld [tilespmem:s8+$0x4EB0];
	vm0 =	vgt.s32 v14, $0x0;
	[tilespmem:s7+$0x9D10] =	vst v7  }
0x4f: {  	v6 =	vld [tilespmem:s8+$0x4EC0];
	vm1 =	vgt.s32 v15, $0x0;
	v7 =	vnsel vm0, $0x0, v14;
	[tilespmem:s7+$0x9D20] =	vst v2  }
0x50: {  	vm0 =	vgt.s32 v16, $0x0;
	v2 =	vld [tilespmem:s8+$0x4ED0];
	v9 =	vnsel vm1, $0x0, v15;
	v7 =	vmin.u32 v7, $0x271F;
	[tilespmem:s7+$0x9D30] =	vst v5  }
0x51: {  	vm1 =	vgt.s32 v17, $0x0;
	v5 =	vld [tilespmem:s8+$0x4EE0];
	v9 =	vmin.u32 v9, $0xF;
	v7 =	vshll.u32 v7, $0x4;
	[tilespmem:s7+$0x9D40] =	vst v3  }
0x52: {  	v10 =	vnsel vm0, $0x0, v16;
	v3 =	vld [tilespmem:s8+$0x0];
	vm0 =	vgt.s32 v8, $0x0;
	v7 =	vor.u32 v9, v7;
	[tilespmem:s7+$0x9D50] =	vst v0  }
0x53: {  	v0 =	vnsel vm1, $0x0, v17;
	v11 =	vld [tilespmem:s8+$0x10];
	v8 =	vnsel vm0, $0x0, v8;
	vm0 =	vgt.s32 v4, $0x0;
	[tilespmem:s8+$0x9D70] =	vst v7  }
0x54: {  	v10 =	vmin.u32 v10, $0x271F;
	v12 =	vld [tilespmem:s8+$0x20];
	v4 =	vnsel vm0, $0x0, v4;
	vm0 =	vgt.s32 v6, $0x0;
	[tilespmem:s7+$0x9D60] =	vst v1;
	s7 =	smov.u32 s8  }
0x55: {  	v13 =	vmin.u32 v0, $0x271F;
	v14 =	vld [tilespmem:s7+$0x30];
	v0 =	vnsel vm0, $0x0, v6;
	vm0 =	vgt.s32 v2, $0x0  }
0x56: {  	v15 =	vmin.u32 v8, $0x271F;
	v16 =	vld [tilespmem:s7+$0x40];
	v1 =	vnsel vm0, $0x0, v2;
	vm0 =	vgt.s32 v5, $0x0  }
0x57: {  	v17 =	vmin.u32 v4, $0x271F;
	vm1 =	vgt.s32 v3, $0x0;
	v4 =	vld [tilespmem:s7+$0x50];
	v2 =	vnsel vm0, $0x0, v5  }
0x58: {  	v18 =	vmin.u32 v0, $0x271F;
	v0 =	vmin.u32 v1, $0x271F;
	vm0 =	vgt.s32 v11, $0x0;
	v19 =	vld [tilespmem:s7+$0x60]  }
0x59: {  	v9 =	vnsel vm1, $0x0, v3;
	v1 =	vmin.u32 v2, $0x271F;
	vm1 =	vgt.s32 v12, $0x0  }
.Ltmp1:
0x5a: {  	v7 =	vnsel vm0, $0x0, v11;
	v2 =	vnsel vm1, $0x0, v12;
	vm0 =	vgt.s32 v14, $0x0;
	(pc) =	sbr.rel @p0 .LBB2_3-.Ltmp1, $4  }
0x5b: {  	v6 =	vshll.u32 v10, $0x4;
	v5 =	vnsel vm0, $0x0, v14;
	vm0 =	vgt.s32 v16, $0x0  }
0x5c: {  	v8 =	vshll.u32 v13, $0x4;
	v3 =	vnsel vm0, $0x0, v16;
	vm0 =	vgt.s32 v4, $0x0  }
0x5d: {  	v12 =	vshll.u32 v15, $0x4;
	v4 =	vnsel vm0, $0x0, v4;
	vm0 =	vgt.s32 v19, $0x0  }
0x5e: {  	s8 =	sshra.s32 s9, $0x2;
	s9 =	sadd.s32 $0x200, s9;
	v13 =	vshll.u32 v17, $0x4;
	v10 =	vshll.u32 v18, $0x4;
	v11 =	vnsel vm0, $0x0, v19  }
0x5f: {  	v14 =	vld [tilespmem:s8+$0x4EF0]  }
0x60: {  	v15 =	vld [tilespmem:s8+$0x70]  }
0x61: {  	v16 =	vld [tilespmem:s8+$0x4E80];
	v9 =	vmin.u32 v9, $0xF  }
0x62: {  	v17 =	vld [tilespmem:s8+$0x4E90];
	v7 =	vmin.u32 v7, $0xF;
	v2 =	vmin.u32 v2, $0xF;
	v5 =	vmin.u32 v5, $0xF  }
0x63: {  	v32 =	vld [tilespmem:s8+$0x4EA0];
	v0 =	vshll.u32 v0, $0x4;
	v3 =	vmin.u32 v3, $0xF;
	v1 =	vshll.u32 v1, $0x4  }
0x64: {  	v4 =	vmin.u32 v4, $0xF;
	v43 =	vmin.u32 v11, $0xF;
	v6 =	vor.u32 v9, v6  }
0x65: {  	v33 =	vor.u32 v7, v8;
	v2 =	vor.u32 v2, v12;
	v35 =	vor.u32 v5, v13  }
0x66: {  	v37 =	vor.u32 v3, v10;
	v0 =	vor.u32 v4, v0;
	v44 =	vor.u32 v43, v1;
	[tilespmem:s7+$0x9D00] =	vst v6  }
0x67: {  	v34 =	vld [tilespmem:s8+$0x4EB0];
	[tilespmem:s7+$0x9D10] =	vst v33;
	vm0 =	vgt.s32 v14, $0x0;
	vm1 =	vgt.s32 v15, $0x0;
	vm14 =	vgt.s32 v16, $0x0  }
0x68: {  	v6 =	vld [tilespmem:s8+$0x4EC0];
	[tilespmem:s7+$0x9D20] =	vst v2;
	vm15 =	vgt.s32 v17, $0x0;
	vm4 =	vgt.s32 v32, $0x0;
	v39 =	vnsel vm0, $0x0, v14  }
0x69: {  	v36 =	vld [tilespmem:s8+$0x4ED0];
	v40 =	vnsel vm1, $0x0, v15;
	v47 =	vnsel vm14, $0x0, v16;
	v48 =	vnsel vm15, $0x0, v17  }
0x6a: {  	[tilespmem:s7+$0x9D30] =	vst v35;
	v9 =	vnsel vm4, $0x0, v32;
	v41 =	vmin.u32 v39, $0x271F;
	v2 =	vmin.u32 v40, $0xF  }
0x6b: {  	v38 =	vld [tilespmem:s8+$0x4EE0];
	[tilespmem:s7+$0x9D40] =	vst v37;
	v50 =	vmin.u32 v48, $0x271F;
	v9 =	vmin.u32 v9, $0x271F;
	v4 =	vshll.u32 v41, $0x4  }
0x6c: {  	v42 =	vld [tilespmem:s8+$0x0];
	[tilespmem:s7+$0x9D50] =	vst v0;
	vm5 =	vgt.s32 v34, $0x0;
	v0 =	vshll.u32 v50, $0x4;
	v9 =	vshll.u32 v9, $0x4  }
0x6d: {  	v46 =	vld [tilespmem:s8+$0x10];
	v45 =	vor.u32 v2, v4;
	v4 =	vmin.u32 v47, $0x271F;
	vm6 =	vgt.s32 v6, $0x0  }
0x6e: {  	v49 =	vld [tilespmem:s8+$0x20];
	v7 =	vnsel vm5, $0x0, v34;
	[tilespmem:s8+$0x9D70] =	vst v45;
	v6 =	vnsel vm6, $0x0, v6;
	vm7 =	vgt.s32 v36, $0x0  }
0x6f: {  	v7 =	vmin.u32 v7, $0x271F;
	v4 =	vshll.u32 v4, $0x4;
	[tilespmem:s7+$0x9D60] =	vst v44;
	v5 =	vnsel vm7, $0x0, v36  }
0x70: {  	vm8 =	vgt.s32 v38, $0x0;
	v6 =	vmin.u32 v6, $0x271F;
	v7 =	vshll.u32 v7, $0x4;
	v51 =	vld [tilespmem:s8+$0x30]  }
0x71: {  	v52 =	vld [tilespmem:s8+$0x40];
	vm9 =	vgt.s32 v42, $0x0;
	v3 =	vnsel vm8, $0x0, v38;
	v5 =	vmin.u32 v5, $0x271F  }
0x72: {  	v53 =	vld [tilespmem:s8+$0x50];
	v56 =	vshll.u32 v6, $0x4;
	vm10 =	vgt.s32 v46, $0x0;
	v8 =	vnsel vm9, $0x0, v42  }
0x73: {  	v54 =	vld [tilespmem:s8+$0x60];
	vm11 =	vgt.s32 v49, $0x0;
	v3 =	vmin.u32 v3, $0x271F;
	v60 =	vshll.u32 v5, $0x4  }
0x74: {  	v2 =	vnsel vm10, $0x0, v46;
	v10 =	vnsel vm11, $0x0, v49;
	v8 =	vmin.u32 v8, $0xF  }
0x75: {  	v2 =	vmin.u32 v2, $0xF;
	v4 =	vor.u32 v8, v4;
	v55 =	vmin.u32 v10, $0xF  }
0x76: {  	v0 =	vor.u32 v2, v0;
	v57 =	vor.u32 v55, v9;
	vm12 =	vgt.s32 v51, $0x0  }
0x77: {  	[tilespmem:s8+$0x9D00] =	vst v4;
	vm13 =	vgt.s32 v52, $0x0;
	vm14 =	vgt.s32 v53, $0x0;
	v1 =	vnsel vm12, $0x0, v51  }
0x78: {  	vm15 =	vgt.s32 v54, $0x0;
	[tilespmem:s8+$0x9D10] =	vst v0;
	v11 =	vnsel vm13, $0x0, v52;
	v1 =	vmin.u32 v1, $0xF  }
0x79: {  	[tilespmem:s8+$0x9D20] =	vst v57;
	v12 =	vnsel vm14, $0x0, v53;
	v59 =	vmin.u32 v11, $0xF;
	v1 =	vor.u32 v1, v7  }
0x7a: {  	v58 =	vnsel vm15, $0x0, v54;
	v61 =	vmin.u32 v12, $0xF;
	v2 =	vor.u32 v59, v56;
	[tilespmem:s8+$0x9D30] =	vst v1  }
0x7b: {  	v62 =	vshll.u32 v3, $0x4;
	v0 =	vmin.u32 v58, $0xF;
	v63 =	vor.u32 v61, v60;
	[tilespmem:s8+$0x9D40] =	vst v2  }
0x7c: {  	v0 =	vor.u32 v0, v62;
	[tilespmem:s8+$0x9D50] =	vst v63  }
0x7d: {  	s9 =	simm.s32 $0x9D00;
	s7 =	simm.s32 $0x80;
	[tilespmem:s8+$0x9D60] =	vst v0;
	s8 =	simm.s32 $0xED00  }
0x7e: {  	[spmem:s3] =	stream.indirect.scatter.add.f32 [tilespmem:s8], [sflag:$0x2], $0x1, s9, s7, $0xb8;
	[tilespmem:$0x13C20] =	vst v63  }
0x7f: {  	s9 =	simm.s32 $0x2  }
0x80: {  	_ =	swait.ge [sflag:s9], $0x80  }
.LBB2_5:
0x81: {  	s10 =	sshra.s32 s6, $0x2;
	[sflag:s9] =	ssyncset.done $0x0;
	p0 =	sne.s32 s6, $0x13800  }
.Ltmp2:
0x82: {  	s10 =	sadd.s32 $0x9D00, s10;
	[sflag:s9] =	ssyncadd.s32 $0xFFFFFF80;
	(pc) =	sbr.rel @p0 .LBB2_5-.Ltmp2, $3  }
0x83: {  	[spmem:s3] =	stream.indirect.scatter.add.f32 [tilespmem:s8], [sflag:$0x2], $0x1, s10, s7, $0xb8;
	[tilespmem:$0x13C20] =	vst v63  }
0x84: {  	s6 =	sadd.s32 $0x200, s6;
	_ =	sdelay $0x1  }
0x85: {  	_ =	swait.ge [sflag:s9], $0x80  }
0x86: {  	[sflag:s9] =	ssyncset.done $0x0  }
0x87: {  	[sflag:s9] =	ssyncadd.s32 $0xFFFFFF80  }
0x88: {  	s3 =	simm.s32 $0xED80;
	s30 =	simm.s32 $0x2;
	[bflag:$0x0] =	sbarrier.arrive $0xFFFF  }
0x89: {  	[tilespmem:s3], [sflag:$0x2] =	stream.linear.gather [spmem:s5], $0x2720, $0x38;
	[tilespmem:$0x13C20] =	vst v63  }
0x8a: {  	_ =	swait.ge [sflag:s30], $0x2720  }
0x8b: {  	s4 =	sshrl.u32 s4, $0x3;
	[sflag:s30] =	ssyncset.done $0x0  }
0x8c: {  	s31 =	simm.s32 $0x0;
	s2 =	sadd.s32 s2, s4;
	[sflag:s30] =	ssyncadd.s32 $0xFFFFD8E0  }
0x8d: {  	[hbm4b:s2+s31] =	stream.linear.scatter [tilespmem:s3], [sflag:$0x2], $0x2720, $0x38;
	[tilespmem:$0x13C20] =	vst v63  }
0x8e: {  	_ =	swait.ge [sflag:s30], $0x2720  }
0x8f: {  	[sflag:s30] =	ssyncset.done $0x0  }
0x90: {  	[sflag:s30] =	ssyncadd.s32 $0xFFFFD8E0  }
0x91: {  	_ =	sfence.sel $0x180000  }
0x92: {  	[bflag:$0x0] =	sbarrier.arrive $0xFFFF  }
0x93: {  	p0 =	sne.s32 s0, $0x0;
	_ =	strace $0x90000047  }
0x94: {  	s0 =	sadd.s32 @!p0 $0x100000, s1;
	[bflag:$0x2] =	sbarrier.arrive $0xFFFF  }
0x95: {  	[sflag:s0] =	ssyncadd.tile.s32 @!p0 $0x1;
	_ =	shalt  }
.Lfunc_end2:
_tile_overlayer_lowered:
.L_overlay_start_2:
0x96: {  	(tag) =	ssettag $0x2  }
0x97: {  	s0 =	rddreg [dreg:$0x0];
	s2 =	stileid.u32  }
0x98: {  	s1 =	rddreg [dreg:$0x1];
	p0 =	sne.s32 s2, $0x0  }
0x99: {  	s3 =	rddreg [dreg:$0x2];
	[bflag:$0x3] =	sbarrier.arrive $0xFFFF;
	s2 =	simm.s32 @!p0 $0x1C02  }
0x9a: {  	[timem:s3], [sflag:s2] =	dma.local @!p0 [hbm:s0], s1  }
0x9b: {  	s0 =	simm.s32 @!p0 $0x2  }
0x9c: {  	_ =	swait.ge @!p0 [sflag:s0], s1  }
0x9d: {  	s1 =	ssub.s32 @!p0 $0x0, s1;
	[sflag:s0] =	ssyncset.done @!p0 $0x0  }
0x9e: {  	[sflag:s0] =	ssyncadd.s32 @!p0 s1  }
0x9f: {  	[bflag:$0x3] =	sbarrier.arrive $0xFFFF  }
0xa0: {  	_ =	shalt  }

// kernel: kernel.9.cloned.1.call-start
scs
__scs_entry_jumppad:
0x0: {  	(pc) =	sbr.rel $0x88, $3  }
0x1: {  	(tag) =	ssettag $0x0;
	lr =	simm.s32 $0x1  }
0x2: {  	[smem:$0x3F9D] =	sst lr;
	_ =	strace $0xD0000000  }
0x3: {  	_ = 	snop  }
0x4: {  	_ = 	snop  }
0x5: {  	_ = 	snop  }
0x6: {  	_ = 	snop  }
0x7: {  	_ = 	snop  }
__scs_overlays_trampoline_lowered:
0x8: {  	[smem:$0x3FAC] =	sst s0  }
0x9: {  	[smem:$0x3FAD] =	sst s1  }
0xa: {  	[smem:$0x3FAE] =	sst s2  }
0xb: {  	[smem:$0x3FAF] =	sst s3  }
0xc: {  	[smem:$0x3FB0] =	sst s4  }
0xd: {  	[smem:$0x3FB1] =	sst s5  }
0xe: {  	[smem:$0x3FB2] =	sst s6  }
0xf: {  	[smem:$0x3FB3] =	sst s7  }
0x10: {  	[smem:$0x3FB4] =	sst s8  }
0x11: {  	[smem:$0x3FB5] =	sst s9;
	s0 =	simm.s32 @!p0 $0x0  }
0x12: {  	s1 =	sld [smem:$0x3F9B];
	s0 =	simm.s32 @p0 $0x1  }
0x13: {  	[smem:$0x3FB6] =	sst s0;
	s0 =	simm.s32 @!p1 $0x0  }
0x14: {  	s2 =	sld [smem:$0x3F9A];
	s0 =	simm.s32 @p1 $0x1  }
0x15: {  	[smem:$0x3FB7] =	sst s0;
	s0 =	simm.s32 @!p2 $0x0  }
0x16: {  	s3 =	sld [smem:$0x3FDB];
	s0 =	simm.s32 @p2 $0x1  }
0x17: {  	s4 =	simm.s32 $0x1BF5;
	[smem:$0x3FB9] =	sst s0  }
0x18: {  	s0 =	sld [smem:$0x3F9C];
	_ =	swait.ge [sflag:s4], $0x0  }
0x19: {  	s7 =	sld [smem:$0x3F9D]  }
0x1a: {  	s8 =	sadd.s32 $0xFFFFE003, lr  }
0x1b: {  	s9 =	sadd.s32 $0xFFFFFEF7, lr;
	s5 =	simm.s32 $0xFFFFFFFF;
	p2 =	slt.u32 s8, $0xFFFFF086  }
0x1c: {  	p1 =	slt.u32 s9, $0xF7A;
	s5 =	simm.s32 @!p2 $0x0  }
0x1d: {  	s5 =	simm.s32 @p1 $0x1;
	p0 =	seq.s32 s7, s2  }
0x1e: {  	s7 =	smul.u32 @!p0 $0xF7A, s2;
	p2 =	seq.s32 @!p0 s5, $0x0  }
0x1f: {  	s9 =	smul.u32 $0xF7A, s1;
	s8 =	simm.s32 @!p0 $0x1BF5;
	p2 =	por !p2, p0  }
0x20: {  	[sflag:s8] =	ssyncset.s32 @!p0 $0xFFFFF086;
	s6 =	sadd.s32 @!p0 s3, s7;
	s7 =	simm.s32 @!p0 $0x108  }
0x21: {  	s3 =	sadd.s32 s3, s9;
	s6 =	sadd.s32 @!p0 $0x88, s6;
	s7 =	simm.s32 @p2 $0x1082  }
0x22: {  	[simem:s7], [sflag:s8] =	dma.local @!p0 [hbm:s6], $0xF7A  }
0x23: {  	s9 =	sor.u32 $0xD0000000, s2;
	s6 =	simm.s32 $0x108;
	_ =	swait.ge @!p0 [sflag:s8], $0x0  }
0x24: {  	s3 =	sadd.s32 $0x88, s3;
	s6 =	simm.s32 @!p1 $0x1082;
	[sflag:s4] =	ssyncset.s32 $0xFFFFF086  }
0x25: {  	[simem:s6], [sflag:s4] =	dma.local [hbm:s3], $0xF7A  }
0x26: {  	[smem:$0x3F9D] =	sst s1;
	(tag) =	ssettag s2;
	_ =	strace s9  }
0x27: {  	s1 =	sld [smem:$0x3FAD]  }
0x28: {  	s2 =	sld [smem:$0x3FAE]  }
0x29: {  	s4 =	sld [smem:$0x3FB0]  }
0x2a: {  	p0 =	seq.s32 s5, $0x0;
	s5 =	sld [smem:$0x3FB1]  }
0x2b: {  	s6 =	sld [smem:$0x3FB2]  }
0x2c: {  	s7 =	sld [smem:$0x3FB3]  }
0x2d: {  	s3 =	simm.s32 $0x108;
	s8 =	sld [smem:$0x3FB4]  }
0x2e: {  	s3 =	simm.s32 @!p0 $0x1082;
	s9 =	sld [smem:$0x3FB5]  }
0x2f: {  	lr =	sadd.s32 s0, s3;
	s0 =	sld [smem:$0x3FAC]  }
0x30: {  	s3 =	sld [smem:$0x3FAF]  }
0x31: {  	[smem:$0x3FB8] =	sst s10  }
0x32: {  	s10 =	sld [smem:$0x3FB6];
	_ =	sdelay $0x3  }
0x33: {  	p0 =	seq.s32 s10, $0x1;
	s10 =	sld [smem:$0x3FB8];
	_ =	sdelay $0x3  }
0x34: {  	[smem:$0x3FB8] =	sst s10  }
0x35: {  	s10 =	sld [smem:$0x3FB7];
	_ =	sdelay $0x3  }
0x36: {  	p1 =	seq.s32 s10, $0x1;
	s10 =	sld [smem:$0x3FB8];
	_ =	sdelay $0x3  }
0x37: {  	[smem:$0x3FB8] =	sst s10  }
0x38: {  	s10 =	sld [smem:$0x3FB9]  }
0x39: {  	_ = 	snop;
	(pc) =	sbr.ind lr, $3  }
0x3a: {  	_ = 	snop  }
0x3b: {  	_ = 	snop  }
0x3c: {  	p2 =	seq.s32 s10, $0x1;
	s10 =	sld [smem:$0x3FB8]  }
0x3d: {  	_ =	shalt  }
0x3e: {  	_ =	shalt  }
0x3f: {  	_ =	shalt  }
0x40: {  	_ =	shalt  }
0x41: {  	_ =	shalt  }
0x42: {  	_ =	shalt  }
0x43: {  	_ =	shalt  }
0x44: {  	_ =	shalt  }
0x45: {  	_ =	shalt  }
0x46: {  	_ =	shalt  }
0x47: {  	_ =	shalt  }
0x48: {  	_ =	shalt  }
0x49: {  	_ =	shalt  }
0x4a: {  	_ =	shalt  }
0x4b: {  	_ =	shalt  }
0x4c: {  	_ =	shalt  }
0x4d: {  	_ =	shalt  }
0x4e: {  	_ =	shalt  }
0x4f: {  	_ =	shalt  }
0x50: {  	_ =	shalt  }
0x51: {  	_ =	shalt  }
0x52: {  	_ =	shalt  }
0x53: {  	_ =	shalt  }
0x54: {  	_ =	shalt  }
0x55: {  	_ =	shalt  }
0x56: {  	_ =	shalt  }
0x57: {  	_ =	shalt  }
0x58: {  	_ =	shalt  }
0x59: {  	_ =	shalt  }
0x5a: {  	_ =	shalt  }
0x5b: {  	_ =	shalt  }
0x5c: {  	_ =	shalt  }
0x5d: {  	_ =	shalt  }
0x5e: {  	_ =	shalt  }
0x5f: {  	_ =	shalt  }
0x60: {  	_ =	shalt  }
0x61: {  	_ =	shalt  }
0x62: {  	_ =	shalt  }
0x63: {  	_ =	shalt  }
0x64: {  	_ =	shalt  }
0x65: {  	_ =	shalt  }
0x66: {  	_ =	shalt  }
0x67: {  	_ =	shalt  }
0x68: {  	_ =	shalt  }
0x69: {  	_ =	shalt  }
0x6a: {  	_ =	shalt  }
0x6b: {  	_ =	shalt  }
0x6c: {  	_ =	shalt  }
0x6d: {  	_ =	shalt  }
0x6e: {  	_ =	shalt  }
0x6f: {  	_ =	shalt  }
0x70: {  	_ =	shalt  }
0x71: {  	_ =	shalt  }
0x72: {  	_ =	shalt  }
0x73: {  	_ =	shalt  }
0x74: {  	_ =	shalt  }
0x75: {  	_ =	shalt  }
0x76: {  	_ =	shalt  }
0x77: {  	_ =	shalt  }
0x78: {  	_ =	shalt  }
0x79: {  	_ =	shalt  }
0x7a: {  	_ =	shalt  }
0x7b: {  	_ =	shalt  }
0x7c: {  	_ =	shalt  }
0x7d: {  	_ =	shalt  }
0x7e: {  	_ =	shalt  }
0x7f: {  	_ =	shalt  }
0x80: {  	_ =	shalt  }
0x81: {  	_ =	shalt  }
0x82: {  	_ =	shalt  }
0x83: {  	_ =	shalt  }
0x84: {  	_ =	shalt  }
0x85: {  	_ =	shalt  }
0x86: {  	_ =	shalt  }
0x87: {  	_ =	shalt  }
.Lfunc_end0:
.L_simem_size_0:
called_computation.1_lowered:
.L_overlay_start_0:
0x88: {  	s2 =	sld [smem:$0x3FD9]  }
0x89: {  	s3 =	sld [smem:$0x3FFE];
	_ =	sdelay $0x1  }
0x8a: {  	s1 =	srdreg.scid  }
0x8b: {  	s0 =	sand.u32 $0x1, s1  }
0x8c: {  	s17 =	sshll.u32 s0, $0xA;
	s2 =	sadd.s32 s3, s2  }
0x8d: {  	s2 =	sadd.s32 s2, s17  }
0x8e: {  	[smem:$0x3FC4] =	sst s2  }
0x8f: {  	_ = 	snop  }
0x90: {  	s2 =	sld [smem:$0x3FD0];
	(tm) =	ssettm $0x1  }
0x91: {  	s18 =	sld [smem:$0x3FFB];
	_ =	sdelay $0x3  }
0x92: {  	_ =	strace s18  }
0x93: {  	s3 =	sld [smem:$0x3FFC];
	_ =	sdelay $0x3  }
0x94: {  	_ =	strace s3  }
0x95: {  	s3 =	sld [smem:$0x3FFD];
	_ =	sdelay $0x3  }
0x96: {  	_ =	strace s3  }
0x97: {  	_ =	strace $0x8FFFFFFF  }
0x98: {  	s19 =	sld [smem:$0x3FDB];
	_ =	sdelay $0x1  }
0x99: {  	s4 =	simm.s32 $_scs_section_size  }
0x9a: {  	s5 =	simm.s32 $_size__tile_overlayer_lowered;
	s6 =	simm.s32 $_tile_overlayer_lowered  }
0x9b: {  	s22 =	simm.s32 $0x1BFF;
	s21 =	sshll.u32 s6, $0x1;
	s3 =	sadd.s32 s4, s19  }
0x9c: {  	s7 =	simm.s32 $0x0;
	s20 =	sshll.u32 s5, $0x1;
	s5 =	sadd.s32 s21, s3  }
0x9d: {  	[timem:s7], [sflag:s22] =	dma.local [hbm:s5], s20  }
0x9e: {  	_ =	swait.ge [sflag:s22], s20  }
0x9f: {  	s4 =	ssub.s32 $0x0, s20;
	[sflag:s22] =	ssyncset.done $0x0  }
0xa0: {  	[sflag:s22] =	ssyncadd.s32 s4;
	_ =	sdelay $0x1  }
0xa1: {  	s23 =	simm.s32 $0x1B8B  }
0xa2: {  	_ =	swait.ge [sflag:s23], $0x1  }
0xa3: {  	[sflag:s23] =	ssyncset.done $0x0  }
0xa4: {  	s25 =	simm.s32 $0x1B8E;
	s24 =	sld [smem:$0x3FFE];
	[sflag:s23] =	ssyncadd.s32 $0xFFFFFFFF  }
0xa5: {  	s26 =	simm.s32 $execute0_lowered;
	[smem:$0x3FD2] =	sst s25  }
0xa6: {  	s5 =	sshll.u32 s26, $0x1;
	_ =	strace $0x80000049;
	[dreg:$0x1] =	wrdreg $0xFFFFFFFF  }
0xa7: {  	s28 =	simm.s32 $_size_execute0_lowered;
	s3 =	sadd.s32 s3, s5;
	[dreg:$0x0] =	wrdreg $0x0  }
0xa8: {  	s5 =	sshll.u32 s28, $0x1;
	[dreg:$0x2] =	wrdreg s3  }
0xa9: {  	[dreg:$0x3] =	wrdreg s5  }
0xaa: {  	[dreg:$0x4] =	wrdreg $0xC0  }
0xab: {  	_ =	task [dreg:s7], $0x5FFFF  }
0xac: {  	[dreg:$0x1] =	wrdreg $0xFFFFFFFF  }
0xad: {  	[dreg:$0x0] =	wrdreg $0x60  }
0xae: {  	[dreg:$0x2] =	wrdreg s24  }
0xaf: {  	[dreg:$0x3] =	wrdreg s2  }
0xb0: {  	[dreg:$0x4] =	wrdreg $0x9  }
0xb1: {  	_ =	task.clear_ibuf [dreg:s7], $0x5FFFF;
	_ =	strace $0x90000049  }
0xb2: {  	s29 =	simm.s32 $0x9;
	_ =	strace $0x8000004B  }
0xb3: {  	_ =	swait.ge [sflag:s29], $0x1  }
0xb4: {  	[sflag:s29] =	ssyncadd.s32 $0xFFFFFFFF  }
0xb5: {  	_ =	strace $0x9000004B  }
0xb6: {  	_ =	sfence  }
0xb7: {  	s30 =	sld [smem:$0x0];
	_ =	sdelay $0x2  }
0xb8: {  	s31 =	sshll.u32 s1, $0xD;
	s1 =	sshrl.u32 s1, $0x2  }
0xb9: {  	s3 =	sand.u32 $0x4000, s31;
	s1 =	sadd.s32 s1, s30  }
0xba: {  	s0 =	sor.u32 s3, s0;
	s1 =	sshll.u32 s1, $0x11  }
0xbb: {  	s0 =	sor.u32 s1, s0  }
0xbc: {  	s0 =	sadd.s32 $0x8F2B, s0  }
0xbd: {  	[sflag:s0] =	ssyncadd.remote.s32 $0x1  }
0xbe: {  	_ =	sfence.sel $0xFFFF  }
0xbf: {  	[dreg:$0x0] =	wrdreg $0xFFFFFFFF;
	(pc) =	sbr.abs _section_cstart, $3  }
0xc0: {  	[dreg:$0x1] =	wrdreg $0xFFFFFFFF  }
0xc1: {  	_ =	task.clear_ibuf [dreg:s7], $0x2FFFF;
	_ =	strace $0x9FFFFFFF  }
0xc2: {  	(tm) =	ssettm $0x7FFFFFFF  }
0xc3: {  	_ =	shalt  }
tec
execute0_lowered:
.L_overlay_start_1:
0x0: {  	(tag) =	ssettag $0x1  }
0x1: {  	s0 =	rddreg [dreg:$0x0]  }
0x2: {  	s1 =	srdreg.scid;
	s3 =	stileid.u32  }
0x3: {  	s2 =	rddreg [dreg:$0x1];
	s12 =	simm.s32 $0x1;
	s14 =	simm.s32 $0x80  }
0x4: {  	s15 =	simm.s32 $0x4F00;
	s16 =	simm.s32 $0x8F00;
	s17 =	simm.s32 $0xCF00  }
0x5: {  	s20 =	simm.s32 $0x14F00;
	s21 =	simm.s32 $0x18F00;
	s22 =	simm.s32 $0x2  }
0x6: {  	s23 =	simm.s32 $0x4;
	s24 =	simm.s32 $0x3;
	s25 =	simm.s32 $0x5  }
0x7: {  	s26 =	simm.s32 $0x6;
	s1 =	sand.u32 $0x1, s1;
	s4 =	sshll.u32 s3, $0x1  }
0x8: {  	s28 =	simm.s32 $0x7;
	s29 =	simm.s32 $0x0;
	s5 =	sor.u32 s1, s4  }
0x9: {  	s3 =	simm.s32 $0x0;
	s1 =	ssub.s32 $0x2, s1;
	s4 =	smul.u32 $0x2710, s5  }
0xa: {  	[smem:$0x7FF] =	sst s3;
	s5 =	smul.u32 $0x138800, s5;
	s31 =	sshrl.u32 s1, $0x1  }
0xb: {  	s6 =	sadd.s32 $0x14400, s0;
	_ =	strace $0x8000004A;
	s1 =	ssub.s32 s1, s31  }
0xc: {  	s7 =	sshrl.u32 s4, $0x3;
	s8 =	sshrl.u32 s5, $0x3;
	s9 =	sadd.s32 $0x80, s4  }
0xd: {  	s11 =	smax.u32 s1, $0x1;
	s0 =	sadd.s32 s7, s0;
	s10 =	sadd.s32 s2, s8  }
0xe: {  	v0 =	vimm.s32 $0x0;
	s7 =	sadd.s32 $0xA600, s0;
	s8 =	sadd.s32 $0x800, s0;
	s10 =	sadd.s32 $0x27000, s10  }
.LBB2_1:
0xf: {  	[tilespmem:s3], [sflag:$0x1] =	stream.linear.gather [hbm4b:s7+s3], $0x2710, $0x38;
	[tilespmem:$0x1CF00] =	vst v63  }
0x10: {  	_ =	swait.ge [sflag:s12], $0x2710  }
0x11: {  	[sflag:s12] =	ssyncset.done $0x0  }
0x12: {  	s0 =	simm.s32 $0x2780;
	[sflag:s12] =	ssyncadd.s32 $0xFFFFD8F0  }
0x13: {  	[tilespmem:s0], [sflag:$0x1] =	stream.linear.gather [hbm4b:s8+s3], $0x2710, $0x38;
	[tilespmem:$0x1CF00] =	vst v63  }
0x14: {  	_ =	swait.ge [sflag:s12], $0x2710  }
0x15: {  	[sflag:s12] =	ssyncset.done $0x0  }
0x16: {  	[sflag:s12] =	ssyncadd.s32 $0xFFFFD8F0  }
0x17: {  	[tilespmem:$0x2710] =	vst v0  }
0x18: {  	[tilespmem:$0x4E90] =	vst v0  }
0x19: {  	[tilespmem:$0x2720] =	vst v0  }
0x1a: {  	[tilespmem:$0x4EA0] =	vst v0  }
0x1b: {  	[tilespmem:$0x2730] =	vst v0  }
0x1c: {  	[tilespmem:$0x4EB0] =	vst v0  }
0x1d: {  	[tilespmem:$0x2740] =	vst v0  }
0x1e: {  	[tilespmem:$0x4EC0] =	vst v0  }
0x1f: {  	[tilespmem:$0x2750] =	vst v0  }
0x20: {  	[tilespmem:$0x4ED0] =	vst v0  }
0x21: {  	[tilespmem:$0x2760] =	vst v0  }
0x22: {  	[tilespmem:$0x4EE0] =	vst v0  }
0x23: {  	[tilespmem:$0x2770] =	vst v0  }
0x24: {  	[tilespmem:$0x4EF0] =	vst v0  }
0x25: {  	[tilespmem:s15], [sflag:$0x1] =	stream.indirect.gather [hbm4b:s6+s14], $0x80, s3, s14, $0xb8;
	[tilespmem:$0x1CF00] =	vst v63  }
0x26: {  	_ = 	snop  }
0x27: {  	[tilespmem:s16], [sflag:$0x1] =	stream.indirect.gather [hbm4b:s6+s14], $0x80, s0, s14, $0xb8;
	[tilespmem:$0x1CF00] =	vst v63  }
0x28: {  	_ = 	snop  }
0x29: {  	[tilespmem:s17], [sflag:$0x2] =	stream.indirect.gather [hbm4b:s6+s14], $0x80, s14, s14, $0xb8;
	[tilespmem:$0x1CF00] =	vst v63  }
0x2a: {  	s31 =	simm.s32 $0x2800;
	s1 =	simm.s32 $0x10F00;
	s30 =	simm.s32 $0x0  }
0x2b: {  	[tilespmem:s1], [sflag:$0x2] =	stream.indirect.gather [hbm4b:s6+s14], $0x80, s31, s14, $0xb8;
	[tilespmem:$0x1CF00] =	vst v63  }
.LBB2_2:
0x2c: {  	_ =	swait.ge [sflag:s12], $0x4000  }
0x2d: {  	[sflag:s12] =	ssyncset.done $0x0  }
0x2e: {  	[sflag:s12] =	ssyncadd.s32 $0xFFFFC000  }
0x2f: {  	_ =	swait.ge [sflag:s12], $0x4000  }
0x30: {  	p0 =	seq.s32 s30, $0x0;
	[sflag:s12] =	ssyncset.done $0x0  }
0x31: {  	s0 =	smul.u32 $0x3, s30;
	s1 =	simm.s32 @!p0 $0x6;
	[sflag:s12] =	ssyncadd.s32 $0xFFFFC000  }
0x32: {  	_ =	swait.ge @!p0 [sflag:s1], $0x4000  }
0x33: {  	s31 =	sadd.s32 $0x2, s0;
	[sflag:s1] =	ssyncset.done @!p0 $0x0  }
0x34: {  	s0 =	sshll.u32 s31, $0x7;
	[sflag:s1] =	ssyncadd.s32 @!p0 $0xFFFFC000  }
0x35: {  	[tilespmem:s20], [sflag:$0x3] =	stream.indirect.gather [hbm4b:s6+s14], $0x80, s0, s14, $0xb8;
	[tilespmem:$0x1CF00] =	vst v63  }
0x36: {  	s0 =	sadd.s32 $0x2780, s0  }
0x37: {  	[tilespmem:s21], [sflag:$0x3] =	stream.indirect.gather [hbm4b:s6+s14], $0x80, s0, s14, $0xb8;
	[tilespmem:$0x1CF00] =	vst v63  }
0x38: {  	s0 =	simm.s32 $0x5000  }
0x39: {  	s1 =	simm.s32 $0x9000;
	v1 =	vld [tilespmem:s0+$0x80]  }
0x3a: {  	v2 =	vld [tilespmem:s1+$0x80]  }
0x3b: {  	v3 =	vld [tilespmem:s0+$0xFFFFFF80]  }
0x3c: {  	v4 =	vld [tilespmem:s1+$0xFFFFFF80]  }
0x3d: {  	v5 =	vld [tilespmem:s0+$0x0]  }
0x3e: {  	v6 =	vld [tilespmem:s1+$0x0]  }
0x3f: {  	v7 =	vld [tilespmem:s0+$0xFFFFFF00];
	v1 =	vadd.f32 v2, v1  }
0x40: {  	v2 =	vld [tilespmem:s1+$0xFFFFFF00]  }
0x41: {  	[tilespmem:s0+$0x80] =	vst v1;
	v1 =	vld [tilespmem:s0+$0x90]  }
0x42: {  	v3 =	vadd.f32 v4, v3;
	v4 =	vld [tilespmem:s1+$0x90]  }
0x43: {  	v8 =	vld [tilespmem:s0+$0xFFFFFF10]  }
0x44: {  	[tilespmem:s0+$0xFFFFFF80] =	vst v3;
	v3 =	vadd.f32 v6, v5;
	v5 =	vld [tilespmem:s0+$0xFFFFFF90]  }
0x45: {  	v6 =	vld [tilespmem:s1+$0xFFFFFF90];
	v2 =	vadd.f32 v2, v7  }
0x46: {  	[tilespmem:s0+$0x0] =	vst v3;
	v3 =	vld [tilespmem:s0+$0x10]  }
0x47: {  	v7 =	vld [tilespmem:s1+$0x10];
	[tilespmem:s0+$0xFFFFFF00] =	vst v2;
	v1 =	vadd.f32 v4, v1  }
0x48: {  	v2 =	vld [tilespmem:s1+$0xFFFFFF10]  }
0x49: {  	[tilespmem:s0+$0x90] =	vst v1;
	v1 =	vld [tilespmem:s0+$0xA0]  }
0x4a: {  	v4 =	vadd.f32 v6, v5;
	v5 =	vld [tilespmem:s1+$0xA0]  }
0x4b: {  	v6 =	vld [tilespmem:s0+$0xFFFFFF20]  }
0x4c: {  	[tilespmem:s0+$0xFFFFFF90] =	vst v4;
	v3 =	vadd.f32 v7, v3;
	v4 =	vld [tilespmem:s0+$0xFFFFFFA0]  }
0x4d: {  	v7 =	vld [tilespmem:s1+$0xFFFFFFA0];
	v2 =	vadd.f32 v2, v8  }
0x4e: {  	[tilespmem:s0+$0x10] =	vst v3;
	v3 =	vld [tilespmem:s0+$0x20]  }
0x4f: {  	v8 =	vld [tilespmem:s1+$0x20];
	[tilespmem:s0+$0xFFFFFF10] =	vst v2;
	v1 =	vadd.f32 v5, v1  }
0x50: {  	v2 =	vld [tilespmem:s1+$0xFFFFFF20]  }
0x51: {  	[tilespmem:s0+$0xA0] =	vst v1;
	v1 =	vld [tilespmem:s0+$0xB0]  }
0x52: {  	v4 =	vadd.f32 v7, v4;
	v5 =	vld [tilespmem:s1+$0xB0]  }
0x53: {  	v7 =	vld [tilespmem:s0+$0xFFFFFF30]  }
0x54: {  	[tilespmem:s0+$0xFFFFFFA0] =	vst v4;
	v3 =	vadd.f32 v8, v3;
	v4 =	vld [tilespmem:s0+$0xFFFFFFB0]  }
0x55: {  	v8 =	vld [tilespmem:s1+$0xFFFFFFB0];
	v2 =	vadd.f32 v2, v6  }
0x56: {  	[tilespmem:s0+$0x20] =	vst v3;
	v3 =	vld [tilespmem:s0+$0x30]  }
0x57: {  	v6 =	vld [tilespmem:s1+$0x30];
	[tilespmem:s0+$0xFFFFFF20] =	vst v2;
	v1 =	vadd.f32 v5, v1  }
0x58: {  	v2 =	vld [tilespmem:s1+$0xFFFFFF30]  }
0x59: {  	[tilespmem:s0+$0xB0] =	vst v1;
	v1 =	vld [tilespmem:s0+$0xC0]  }
0x5a: {  	v4 =	vadd.f32 v8, v4;
	v5 =	vld [tilespmem:s1+$0xC0]  }
0x5b: {  	v8 =	vld [tilespmem:s0+$0xFFFFFF40]  }
0x5c: {  	[tilespmem:s0+$0xFFFFFFB0] =	vst v4;
	v3 =	vadd.f32 v6, v3;
	v4 =	vld [tilespmem:s0+$0xFFFFFFC0]  }
0x5d: {  	v6 =	vld [tilespmem:s1+$0xFFFFFFC0];
	v2 =	vadd.f32 v2, v7  }
0x5e: {  	[tilespmem:s0+$0x30] =	vst v3;
	v3 =	vld [tilespmem:s0+$0x40]  }
0x5f: {  	v7 =	vld [tilespmem:s1+$0x40];
	[tilespmem:s0+$0xFFFFFF30] =	vst v2;
	v1 =	vadd.f32 v5, v1  }
0x60: {  	v2 =	vld [tilespmem:s1+$0xFFFFFF40]  }
0x61: {  	[tilespmem:s0+$0xC0] =	vst v1;
	v1 =	vld [tilespmem:s0+$0xD0]  }
0x62: {  	v4 =	vadd.f32 v6, v4;
	v5 =	vld [tilespmem:s1+$0xD0]  }
0x63: {  	v6 =	vld [tilespmem:s0+$0xFFFFFF50]  }
0x64: {  	[tilespmem:s0+$0xFFFFFFC0] =	vst v4;
	v3 =	vadd.f32 v7, v3;
	v4 =	vld [tilespmem:s0+$0xFFFFFFD0]  }
0x65: {  	v7 =	vld [tilespmem:s1+$0xFFFFFFD0];
	v2 =	vadd.f32 v2, v8  }
0x66: {  	[tilespmem:s0+$0x40] =	vst v3;
	v3 =	vld [tilespmem:s0+$0x50]  }
0x67: {  	v8 =	vld [tilespmem:s1+$0x50];
	[tilespmem:s0+$0xFFFFFF40] =	vst v2;
	v1 =	vadd.f32 v5, v1  }
0x68: {  	v2 =	vld [tilespmem:s1+$0xFFFFFF50]  }
0x69: {  	[tilespmem:s0+$0xD0] =	vst v1;
	v1 =	vld [tilespmem:s0+$0xE0]  }
0x6a: {  	v4 =	vadd.f32 v7, v4;
	v5 =	vld [tilespmem:s1+$0xE0]  }
0x6b: {  	v7 =	vld [tilespmem:s0+$0xFFFFFF60]  }
0x6c: {  	[tilespmem:s0+$0xFFFFFFD0] =	vst v4;
	v3 =	vadd.f32 v8, v3;
	v4 =	vld [tilespmem:s0+$0xFFFFFFE0]  }
0x6d: {  	v8 =	vld [tilespmem:s1+$0xFFFFFFE0];
	v2 =	vadd.f32 v2, v6  }
0x6e: {  	[tilespmem:s0+$0x50] =	vst v3;
	v3 =	vld [tilespmem:s0+$0x60]  }
0x6f: {  	v6 =	vld [tilespmem:s1+$0x60];
	[tilespmem:s0+$0xFFFFFF50] =	vst v2;
	v1 =	vadd.f32 v5, v1  }
0x70: {  	v5 =	vld [tilespmem:s1+$0xFFFFFF60]  }
0x71: {  	v9 =	vld [tilespmem:s0+$0xF0];
	[tilespmem:s0+$0xE0] =	vst v1  }
0x72: {  	v2 =	vadd.f32 v8, v4;
	v8 =	vld [tilespmem:s1+$0xF0]  }
0x73: {  	v1 =	vld [tilespmem:s0+$0xFFFFFF70]  }
0x74: {  	[tilespmem:s0+$0xFFFFFFE0] =	vst v2;
	v3 =	vadd.f32 v6, v3;
	v2 =	vld [tilespmem:s0+$0xFFFFFFF0]  }
0x75: {  	v4 =	vld [tilespmem:s1+$0xFFFFFFF0];
	v5 =	vadd.f32 v5, v7  }
0x76: {  	[tilespmem:s0+$0x60] =	vst v3;
	v3 =	vld [tilespmem:s0+$0x70]  }
0x77: {  	[tilespmem:s0+$0xFFFFFF60] =	vst v5;
	v5 =	vld [tilespmem:s1+$0x70];
	v7 =	vadd.f32 v8, v9  }
0x78: {  	s18 =	simm.s32 $0x0;
	s19 =	simm.s32 $0x5200;
	v6 =	vld [tilespmem:s1+$0xFFFFFF70]  }
.LBB2_3:
0x79: {  	v8 =	vld [tilespmem:s19+$0x80];
	[tilespmem:s0+$0xF0] =	vst v7;
	s1 =	sadd.s32 $0x200, s1  }
0x7a: {  	s18 =	sadd.s32 $0x4, s18;
	v7 =	vld [tilespmem:s1+$0x80];
	v2 =	vadd.f32 v4, v2  }
0x7b: {  	p0 =	slt.u32 s18, $0x7C;
	v4 =	vld [tilespmem:s1+$0xFFFFFF00]  }
0x7c: {  	v9 =	vld [tilespmem:s19+$0xFFFFFF80];
	[tilespmem:s0+$0xFFFFFFF0] =	vst v2;
	v2 =	vadd.f32 v5, v3  }
0x7d: {  	v3 =	vld [tilespmem:s1+$0xFFFFFF80];
	v1 =	vadd.f32 v6, v1  }
0x7e: {  	v5 =	vld [tilespmem:s19+$0x0];
	[tilespmem:s0+$0x70] =	vst v2  }
0x7f: {  	v2 =	vld [tilespmem:s1+$0x0];
	v6 =	vadd.f32 v7, v8;
	[tilespmem:s0+$0xFFFFFF70] =	vst v1;
	s0 =	smov.u32 s19  }
0x80: {  	v1 =	vld [tilespmem:s19+$0xFFFFFF00]  }
0x81: {  	[tilespmem:s19+$0x80] =	vst v6;
	v6 =	vld [tilespmem:s19+$0x90]  }
0x82: {  	v3 =	vadd.f32 v3, v9;
	v7 =	vld [tilespmem:s1+$0x90]  }
0x83: {  	v8 =	vld [tilespmem:s19+$0xFFFFFF10]  }
0x84: {  	[tilespmem:s19+$0xFFFFFF80] =	vst v3;
	v3 =	vld [tilespmem:s19+$0xFFFFFF90];
	v2 =	vadd.f32 v2, v5  }
0x85: {  	v1 =	vadd.f32 v4, v1;
	v4 =	vld [tilespmem:s1+$0xFFFFFF90]  }
0x86: {  	[tilespmem:s19+$0x0] =	vst v2;
	v2 =	vld [tilespmem:s19+$0x10]  }
0x87: {  	[tilespmem:s19+$0xFFFFFF00] =	vst v1;
	v1 =	vld [tilespmem:s1+$0x10];
	v5 =	vadd.f32 v7, v6  }
0x88: {  	v6 =	vld [tilespmem:s1+$0xFFFFFF10]  }
0x89: {  	[tilespmem:s19+$0x90] =	vst v5;
	v5 =	vld [tilespmem:s19+$0xA0]  }
0x8a: {  	v3 =	vadd.f32 v4, v3;
	v4 =	vld [tilespmem:s1+$0xA0]  }
0x8b: {  	v7 =	vld [tilespmem:s19+$0xFFFFFF20]  }
0x8c: {  	[tilespmem:s19+$0xFFFFFF90] =	vst v3;
	v3 =	vld [tilespmem:s19+$0xFFFFFFA0];
	v1 =	vadd.f32 v1, v2  }
0x8d: {  	v2 =	vadd.f32 v6, v8;
	v6 =	vld [tilespmem:s1+$0xFFFFFFA0]  }
0x8e: {  	[tilespmem:s19+$0x10] =	vst v1;
	v1 =	vld [tilespmem:s19+$0x20]  }
0x8f: {  	[tilespmem:s19+$0xFFFFFF10] =	vst v2;
	v2 =	vld [tilespmem:s1+$0x20];
	v4 =	vadd.f32 v4, v5  }
0x90: {  	v5 =	vld [tilespmem:s1+$0xFFFFFF20]  }
0x91: {  	[tilespmem:s19+$0xA0] =	vst v4;
	v4 =	vld [tilespmem:s19+$0xB0]  }
0x92: {  	v3 =	vadd.f32 v6, v3;
	v6 =	vld [tilespmem:s1+$0xB0]  }
0x93: {  	v8 =	vld [tilespmem:s19+$0xFFFFFF30]  }
0x94: {  	[tilespmem:s19+$0xFFFFFFA0] =	vst v3;
	v3 =	vld [tilespmem:s19+$0xFFFFFFB0];
	v1 =	vadd.f32 v2, v1  }
0x95: {  	v2 =	vadd.f32 v5, v7;
	v5 =	vld [tilespmem:s1+$0xFFFFFFB0]  }
0x96: {  	[tilespmem:s19+$0x20] =	vst v1;
	v1 =	vld [tilespmem:s19+$0x30]  }
0x97: {  	[tilespmem:s19+$0xFFFFFF20] =	vst v2;
	v2 =	vld [tilespmem:s1+$0x30];
	v4 =	vadd.f32 v6, v4  }
0x98: {  	v6 =	vld [tilespmem:s1+$0xFFFFFF30]  }
0x99: {  	[tilespmem:s19+$0xB0] =	vst v4;
	v4 =	vld [tilespmem:s19+$0xC0]  }
0x9a: {  	v3 =	vadd.f32 v5, v3;
	v5 =	vld [tilespmem:s1+$0xC0]  }
0x9b: {  	v7 =	vld [tilespmem:s19+$0xFFFFFF40]  }
0x9c: {  	[tilespmem:s19+$0xFFFFFFB0] =	vst v3;
	v3 =	vld [tilespmem:s19+$0xFFFFFFC0];
	v1 =	vadd.f32 v2, v1  }
0x9d: {  	v2 =	vadd.f32 v6, v8;
	v6 =	vld [tilespmem:s1+$0xFFFFFFC0]  }
0x9e: {  	[tilespmem:s19+$0x30] =	vst v1;
	v1 =	vld [tilespmem:s19+$0x40]  }
0x9f: {  	[tilespmem:s19+$0xFFFFFF30] =	vst v2;
	v2 =	vld [tilespmem:s1+$0x40];
	v4 =	vadd.f32 v5, v4  }
0xa0: {  	v5 =	vld [tilespmem:s1+$0xFFFFFF40]  }
0xa1: {  	[tilespmem:s19+$0xC0] =	vst v4;
	v4 =	vld [tilespmem:s19+$0xD0]  }
0xa2: {  	v3 =	vadd.f32 v6, v3;
	v6 =	vld [tilespmem:s1+$0xD0]  }
0xa3: {  	v8 =	vld [tilespmem:s19+$0xFFFFFF50]  }
0xa4: {  	[tilespmem:s19+$0xFFFFFFC0] =	vst v3;
	v3 =	vld [tilespmem:s19+$0xFFFFFFD0];
	v1 =	vadd.f32 v2, v1  }
0xa5: {  	v2 =	vadd.f32 v5, v7;
	v5 =	vld [tilespmem:s1+$0xFFFFFFD0]  }
0xa6: {  	[tilespmem:s19+$0x40] =	vst v1;
	v1 =	vld [tilespmem:s19+$0x50]  }
0xa7: {  	[tilespmem:s19+$0xFFFFFF40] =	vst v2;
	v2 =	vld [tilespmem:s1+$0x50];
	v4 =	vadd.f32 v6, v4  }
0xa8: {  	v6 =	vld [tilespmem:s1+$0xFFFFFF50]  }
0xa9: {  	[tilespmem:s19+$0xD0] =	vst v4;
	v4 =	vld [tilespmem:s19+$0xE0]  }
0xaa: {  	v3 =	vadd.f32 v5, v3;
	v5 =	vld [tilespmem:s1+$0xE0]  }
0xab: {  	v7 =	vld [tilespmem:s19+$0xFFFFFF60]  }
0xac: {  	[tilespmem:s19+$0xFFFFFFD0] =	vst v3;
	v3 =	vld [tilespmem:s19+$0xFFFFFFE0];
	v1 =	vadd.f32 v2, v1  }
0xad: {  	v2 =	vadd.f32 v6, v8;
	v6 =	vld [tilespmem:s1+$0xFFFFFFE0]  }
0xae: {  	[tilespmem:s19+$0x50] =	vst v1;
	v8 =	vld [tilespmem:s19+$0x60]  }
0xaf: {  	[tilespmem:s19+$0xFFFFFF50] =	vst v2;
	v9 =	vld [tilespmem:s1+$0x60];
	v1 =	vadd.f32 v5, v4  }
0xb0: {  	v4 =	vld [tilespmem:s1+$0xFFFFFF60]  }
0xb1: {  	[tilespmem:s19+$0xE0] =	vst v1;
	v10 =	vld [tilespmem:s19+$0xF0]  }
0xb2: {  	v2 =	vadd.f32 v6, v3;
	v6 =	vld [tilespmem:s1+$0xF0]  }
0xb3: {  	v1 =	vld [tilespmem:s19+$0xFFFFFF70]  }
.Ltmp0:
0xb4: {  	[tilespmem:s19+$0xFFFFFFE0] =	vst v2;
	v2 =	vld [tilespmem:s19+$0xFFFFFFF0];
	v3 =	vadd.f32 v9, v8;
	(pc) =	sbr.rel @p0 .LBB2_3-.Ltmp0, $4  }
0xb5: {  	v5 =	vadd.f32 v4, v7;
	v4 =	vld [tilespmem:s1+$0xFFFFFFF0]  }
0xb6: {  	[tilespmem:s19+$0x60] =	vst v3;
	v3 =	vld [tilespmem:s19+$0x70]  }
0xb7: {  	[tilespmem:s19+$0xFFFFFF60] =	vst v5;
	v5 =	vld [tilespmem:s1+$0x70];
	v7 =	vadd.f32 v6, v10  }
0xb8: {  	s19 =	sadd.s32 $0x200, s19;
	v6 =	vld [tilespmem:s1+$0xFFFFFF70]  }
0xb9: {  	_ =	sdelay $0x1  }
0xba: {  	s1 =	smul.u32 $0x180, s30;
	v2 =	vadd.f32 v4, v2  }
0xbb: {  	[tilespmem:s0+$0xF0] =	vst v7;
	v3 =	vadd.f32 v5, v3  }
0xbc: {  	s13 =	sadd.s32 s4, s1;
	[tilespmem:s0+$0xFFFFFFF0] =	vst v2;
	v1 =	vadd.f32 v6, v1  }
0xbd: {  	s13 =	sshll.u32 s13, $0x4;
	[tilespmem:s0+$0x70] =	vst v3  }
0xbe: {  	s13 =	sadd.s32 s2, s13;
	[tilespmem:s0+$0xFFFFFF70] =	vst v1  }
0xbf: {  	[hbm4b:s13+s3] =	stream.linear.scatter [tilespmem:s15], [sflag:$0x4], $0x4000, $0x38;
	[tilespmem:$0x1CF00] =	vst v63  }
0xc0: {  	_ =	swait.ge [sflag:s22], $0x4000  }
0xc1: {  	[sflag:s22] =	ssyncset.done $0x0  }
0xc2: {  	[sflag:s22] =	ssyncadd.s32 $0xFFFFC000  }
0xc3: {  	_ =	swait.ge [sflag:s22], $0x4000  }
0xc4: {  	[sflag:s22] =	ssyncset.done $0x0  }
0xc5: {  	[sflag:s22] =	ssyncadd.s32 $0xFFFFC000  }
0xc6: {  	_ =	swait.ge [sflag:s23], $0x4000  }
0xc7: {  	[sflag:s23] =	ssyncset.done $0x0  }
0xc8: {  	s18 =	sadd.s32 $0x180, s1;
	[sflag:s23] =	ssyncadd.s32 $0xFFFFC000  }
0xc9: {  	[tilespmem:s15], [sflag:$0x1] =	stream.indirect.gather [hbm4b:s6+s14], $0x80, s18, s14, $0xb8;
	[tilespmem:$0x1CF00] =	vst v63  }
0xca: {  	s19 =	sadd.s32 $0x2900, s1;
	s0 =	simm.s32 $0xD000  }
0xcb: {  	[tilespmem:s16], [sflag:$0x1] =	stream.indirect.gather [hbm4b:s6+s14], $0x80, s19, s14, $0xb8;
	[tilespmem:$0x1CF00] =	vst v63  }
0xcc: {  	s18 =	simm.s32 $0x11000;
	v1 =	vld [tilespmem:s0+$0x80]  }
0xcd: {  	v2 =	vld [tilespmem:s18+$0x80]  }
0xce: {  	v3 =	vld [tilespmem:s0+$0xFFFFFF80]  }
0xcf: {  	v4 =	vld [tilespmem:s18+$0xFFFFFF80]  }
0xd0: {  	v5 =	vld [tilespmem:s0+$0x0]  }
0xd1: {  	v6 =	vld [tilespmem:s18+$0x0]  }
0xd2: {  	v7 =	vld [tilespmem:s0+$0xFFFFFF00];
	v1 =	vadd.f32 v2, v1  }
0xd3: {  	v2 =	vld [tilespmem:s18+$0xFFFFFF00]  }
0xd4: {  	[tilespmem:s0+$0x80] =	vst v1;
	v1 =	vld [tilespmem:s0+$0x90]  }
0xd5: {  	v3 =	vadd.f32 v4, v3;
	v4 =	vld [tilespmem:s18+$0x90]  }
0xd6: {  	v8 =	vld [tilespmem:s0+$0xFFFFFF10]  }
0xd7: {  	[tilespmem:s0+$0xFFFFFF80] =	vst v3;
	v3 =	vadd.f32 v6, v5;
	v5 =	vld [tilespmem:s0+$0xFFFFFF90]  }
0xd8: {  	v6 =	vld [tilespmem:s18+$0xFFFFFF90];
	v2 =	vadd.f32 v2, v7  }
0xd9: {  	[tilespmem:s0+$0x0] =	vst v3;
	v3 =	vld [tilespmem:s0+$0x10]  }
0xda: {  	v7 =	vld [tilespmem:s18+$0x10];
	[tilespmem:s0+$0xFFFFFF00] =	vst v2;
	v1 =	vadd.f32 v4, v1  }
0xdb: {  	v2 =	vld [tilespmem:s18+$0xFFFFFF10]  }
0xdc: {  	[tilespmem:s0+$0x90] =	vst v1;
	v1 =	vld [tilespmem:s0+$0xA0]  }
0xdd: {  	v4 =	vadd.f32 v6, v5;
	v5 =	vld [tilespmem:s18+$0xA0]  }
0xde: {  	v6 =	vld [tilespmem:s0+$0xFFFFFF20]  }
0xdf: {  	[tilespmem:s0+$0xFFFFFF90] =	vst v4;
	v3 =	vadd.f32 v7, v3;
	v4 =	vld [tilespmem:s0+$0xFFFFFFA0]  }
0xe0: {  	v7 =	vld [tilespmem:s18+$0xFFFFFFA0];
	v2 =	vadd.f32 v2, v8  }
0xe1: {  	[tilespmem:s0+$0x10] =	vst v3;
	v3 =	vld [tilespmem:s0+$0x20]  }
0xe2: {  	v8 =	vld [tilespmem:s18+$0x20];
	[tilespmem:s0+$0xFFFFFF10] =	vst v2;
	v1 =	vadd.f32 v5, v1  }
0xe3: {  	v2 =	vld [tilespmem:s18+$0xFFFFFF20]  }
0xe4: {  	[tilespmem:s0+$0xA0] =	vst v1;
	v1 =	vld [tilespmem:s0+$0xB0]  }
0xe5: {  	v4 =	vadd.f32 v7, v4;
	v5 =	vld [tilespmem:s18+$0xB0]  }
0xe6: {  	v7 =	vld [tilespmem:s0+$0xFFFFFF30]  }
0xe7: {  	[tilespmem:s0+$0xFFFFFFA0] =	vst v4;
	v3 =	vadd.f32 v8, v3;
	v4 =	vld [tilespmem:s0+$0xFFFFFFB0]  }
0xe8: {  	v8 =	vld [tilespmem:s18+$0xFFFFFFB0];
	v2 =	vadd.f32 v2, v6  }
0xe9: {  	[tilespmem:s0+$0x20] =	vst v3;
	v3 =	vld [tilespmem:s0+$0x30]  }
0xea: {  	v6 =	vld [tilespmem:s18+$0x30];
	[tilespmem:s0+$0xFFFFFF20] =	vst v2;
	v1 =	vadd.f32 v5, v1  }
0xeb: {  	v2 =	vld [tilespmem:s18+$0xFFFFFF30]  }
0xec: {  	[tilespmem:s0+$0xB0] =	vst v1;
	v1 =	vld [tilespmem:s0+$0xC0]  }
0xed: {  	v4 =	vadd.f32 v8, v4;
	v5 =	vld [tilespmem:s18+$0xC0]  }
0xee: {  	v8 =	vld [tilespmem:s0+$0xFFFFFF40]  }
0xef: {  	[tilespmem:s0+$0xFFFFFFB0] =	vst v4;
	v3 =	vadd.f32 v6, v3;
	v4 =	vld [tilespmem:s0+$0xFFFFFFC0]  }
0xf0: {  	v6 =	vld [tilespmem:s18+$0xFFFFFFC0];
	v2 =	vadd.f32 v2, v7  }
0xf1: {  	[tilespmem:s0+$0x30] =	vst v3;
	v3 =	vld [tilespmem:s0+$0x40]  }
0xf2: {  	v7 =	vld [tilespmem:s18+$0x40];
	[tilespmem:s0+$0xFFFFFF30] =	vst v2;
	v1 =	vadd.f32 v5, v1  }
0xf3: {  	v2 =	vld [tilespmem:s18+$0xFFFFFF40]  }
0xf4: {  	[tilespmem:s0+$0xC0] =	vst v1;
	v1 =	vld [tilespmem:s0+$0xD0]  }
0xf5: {  	v4 =	vadd.f32 v6, v4;
	v5 =	vld [tilespmem:s18+$0xD0]  }
0xf6: {  	v6 =	vld [tilespmem:s0+$0xFFFFFF50]  }
0xf7: {  	[tilespmem:s0+$0xFFFFFFC0] =	vst v4;
	v3 =	vadd.f32 v7, v3;
	v4 =	vld [tilespmem:s0+$0xFFFFFFD0]  }
0xf8: {  	v7 =	vld [tilespmem:s18+$0xFFFFFFD0];
	v2 =	vadd.f32 v2, v8  }
0xf9: {  	[tilespmem:s0+$0x40] =	vst v3;
	v3 =	vld [tilespmem:s0+$0x50]  }
0xfa: {  	v8 =	vld [tilespmem:s18+$0x50];
	[tilespmem:s0+$0xFFFFFF40] =	vst v2;
	v1 =	vadd.f32 v5, v1  }
0xfb: {  	v2 =	vld [tilespmem:s18+$0xFFFFFF50]  }
0xfc: {  	[tilespmem:s0+$0xD0] =	vst v1;
	v1 =	vld [tilespmem:s0+$0xE0]  }
0xfd: {  	v4 =	vadd.f32 v7, v4;
	v5 =	vld [tilespmem:s18+$0xE0]  }
0xfe: {  	v7 =	vld [tilespmem:s0+$0xFFFFFF60]  }
0xff: {  	[tilespmem:s0+$0xFFFFFFD0] =	vst v4;
	v3 =	vadd.f32 v8, v3;
	v4 =	vld [tilespmem:s0+$0xFFFFFFE0]  }
0x100: {  	v8 =	vld [tilespmem:s18+$0xFFFFFFE0];
	v2 =	vadd.f32 v2, v6  }
0x101: {  	[tilespmem:s0+$0x50] =	vst v3;
	v3 =	vld [tilespmem:s0+$0x60]  }
0x102: {  	v6 =	vld [tilespmem:s18+$0x60];
	[tilespmem:s0+$0xFFFFFF50] =	vst v2;
	v1 =	vadd.f32 v5, v1  }
0x103: {  	v5 =	vld [tilespmem:s18+$0xFFFFFF60]  }
0x104: {  	v9 =	vld [tilespmem:s0+$0xF0];
	[tilespmem:s0+$0xE0] =	vst v1  }
0x105: {  	v2 =	vadd.f32 v8, v4;
	v8 =	vld [tilespmem:s18+$0xF0]  }
0x106: {  	v1 =	vld [tilespmem:s0+$0xFFFFFF70]  }
0x107: {  	[tilespmem:s0+$0xFFFFFFE0] =	vst v2;
	v3 =	vadd.f32 v6, v3;
	v2 =	vld [tilespmem:s0+$0xFFFFFFF0]  }
0x108: {  	v4 =	vld [tilespmem:s18+$0xFFFFFFF0];
	v5 =	vadd.f32 v5, v7  }
0x109: {  	[tilespmem:s0+$0x60] =	vst v3;
	v3 =	vld [tilespmem:s0+$0x70]  }
0x10a: {  	[tilespmem:s0+$0xFFFFFF60] =	vst v5;
	v5 =	vld [tilespmem:s18+$0x70];
	v7 =	vadd.f32 v8, v9  }
0x10b: {  	s13 =	simm.s32 $0xD200;
	s19 =	simm.s32 $0x0;
	v6 =	vld [tilespmem:s18+$0xFFFFFF70]  }
.LBB2_5:
0x10c: {  	v8 =	vld [tilespmem:s13+$0x80];
	[tilespmem:s0+$0xF0] =	vst v7;
	s18 =	sadd.s32 $0x200, s18  }
0x10d: {  	s19 =	sadd.s32 $0x4, s19;
	v7 =	vld [tilespmem:s18+$0x80];
	v2 =	vadd.f32 v4, v2  }
0x10e: {  	p0 =	slt.u32 s19, $0x7C;
	v4 =	vld [tilespmem:s18+$0xFFFFFF00]  }
0x10f: {  	v9 =	vld [tilespmem:s13+$0xFFFFFF80];
	[tilespmem:s0+$0xFFFFFFF0] =	vst v2;
	v2 =	vadd.f32 v5, v3  }
0x110: {  	v3 =	vld [tilespmem:s18+$0xFFFFFF80];
	v1 =	vadd.f32 v6, v1  }
0x111: {  	v5 =	vld [tilespmem:s13+$0x0];
	[tilespmem:s0+$0x70] =	vst v2  }
0x112: {  	v2 =	vld [tilespmem:s18+$0x0];
	v6 =	vadd.f32 v7, v8;
	[tilespmem:s0+$0xFFFFFF70] =	vst v1;
	s0 =	smov.u32 s13  }
0x113: {  	v1 =	vld [tilespmem:s13+$0xFFFFFF00]  }
0x114: {  	[tilespmem:s13+$0x80] =	vst v6;
	v6 =	vld [tilespmem:s13+$0x90]  }
0x115: {  	v3 =	vadd.f32 v3, v9;
	v7 =	vld [tilespmem:s18+$0x90]  }
0x116: {  	v8 =	vld [tilespmem:s13+$0xFFFFFF10]  }
0x117: {  	[tilespmem:s13+$0xFFFFFF80] =	vst v3;
	v3 =	vld [tilespmem:s13+$0xFFFFFF90];
	v2 =	vadd.f32 v2, v5  }
0x118: {  	v1 =	vadd.f32 v4, v1;
	v4 =	vld [tilespmem:s18+$0xFFFFFF90]  }
0x119: {  	[tilespmem:s13+$0x0] =	vst v2;
	v2 =	vld [tilespmem:s13+$0x10]  }
0x11a: {  	[tilespmem:s13+$0xFFFFFF00] =	vst v1;
	v1 =	vld [tilespmem:s18+$0x10];
	v5 =	vadd.f32 v7, v6  }
0x11b: {  	v6 =	vld [tilespmem:s18+$0xFFFFFF10]  }
0x11c: {  	[tilespmem:s13+$0x90] =	vst v5;
	v5 =	vld [tilespmem:s13+$0xA0]  }
0x11d: {  	v3 =	vadd.f32 v4, v3;
	v4 =	vld [tilespmem:s18+$0xA0]  }
0x11e: {  	v7 =	vld [tilespmem:s13+$0xFFFFFF20]  }
0x11f: {  	[tilespmem:s13+$0xFFFFFF90] =	vst v3;
	v3 =	vld [tilespmem:s13+$0xFFFFFFA0];
	v1 =	vadd.f32 v1, v2  }
0x120: {  	v2 =	vadd.f32 v6, v8;
	v6 =	vld [tilespmem:s18+$0xFFFFFFA0]  }
0x121: {  	[tilespmem:s13+$0x10] =	vst v1;
	v1 =	vld [tilespmem:s13+$0x20]  }
0x122: {  	[tilespmem:s13+$0xFFFFFF10] =	vst v2;
	v2 =	vld [tilespmem:s18+$0x20];
	v4 =	vadd.f32 v4, v5  }
0x123: {  	v5 =	vld [tilespmem:s18+$0xFFFFFF20]  }
0x124: {  	[tilespmem:s13+$0xA0] =	vst v4;
	v4 =	vld [tilespmem:s13+$0xB0]  }
0x125: {  	v3 =	vadd.f32 v6, v3;
	v6 =	vld [tilespmem:s18+$0xB0]  }
0x126: {  	v8 =	vld [tilespmem:s13+$0xFFFFFF30]  }
0x127: {  	[tilespmem:s13+$0xFFFFFFA0] =	vst v3;
	v3 =	vld [tilespmem:s13+$0xFFFFFFB0];
	v1 =	vadd.f32 v2, v1  }
0x128: {  	v2 =	vadd.f32 v5, v7;
	v5 =	vld [tilespmem:s18+$0xFFFFFFB0]  }
0x129: {  	[tilespmem:s13+$0x20] =	vst v1;
	v1 =	vld [tilespmem:s13+$0x30]  }
0x12a: {  	[tilespmem:s13+$0xFFFFFF20] =	vst v2;
	v2 =	vld [tilespmem:s18+$0x30];
	v4 =	vadd.f32 v6, v4  }
0x12b: {  	v6 =	vld [tilespmem:s18+$0xFFFFFF30]  }
0x12c: {  	[tilespmem:s13+$0xB0] =	vst v4;
	v4 =	vld [tilespmem:s13+$0xC0]  }
0x12d: {  	v3 =	vadd.f32 v5, v3;
	v5 =	vld [tilespmem:s18+$0xC0]  }
0x12e: {  	v7 =	vld [tilespmem:s13+$0xFFFFFF40]  }
0x12f: {  	[tilespmem:s13+$0xFFFFFFB0] =	vst v3;
	v3 =	vld [tilespmem:s13+$0xFFFFFFC0];
	v1 =	vadd.f32 v2, v1  }
0x130: {  	v2 =	vadd.f32 v6, v8;
	v6 =	vld [tilespmem:s18+$0xFFFFFFC0]  }
0x131: {  	[tilespmem:s13+$0x30] =	vst v1;
	v1 =	vld [tilespmem:s13+$0x40]  }
0x132: {  	[tilespmem:s13+$0xFFFFFF30] =	vst v2;
	v2 =	vld [tilespmem:s18+$0x40];
	v4 =	vadd.f32 v5, v4  }
0x133: {  	v5 =	vld [tilespmem:s18+$0xFFFFFF40]  }
0x134: {  	[tilespmem:s13+$0xC0] =	vst v4;
	v4 =	vld [tilespmem:s13+$0xD0]  }
0x135: {  	v3 =	vadd.f32 v6, v3;
	v6 =	vld [tilespmem:s18+$0xD0]  }
0x136: {  	v8 =	vld [tilespmem:s13+$0xFFFFFF50]  }
0x137: {  	[tilespmem:s13+$0xFFFFFFC0] =	vst v3;
	v3 =	vld [tilespmem:s13+$0xFFFFFFD0];
	v1 =	vadd.f32 v2, v1  }
0x138: {  	v2 =	vadd.f32 v5, v7;
	v5 =	vld [tilespmem:s18+$0xFFFFFFD0]  }
0x139: {  	[tilespmem:s13+$0x40] =	vst v1;
	v1 =	vld [tilespmem:s13+$0x50]  }
0x13a: {  	[tilespmem:s13+$0xFFFFFF40] =	vst v2;
	v2 =	vld [tilespmem:s18+$0x50];
	v4 =	vadd.f32 v6, v4  }
0x13b: {  	v6 =	vld [tilespmem:s18+$0xFFFFFF50]  }
0x13c: {  	[tilespmem:s13+$0xD0] =	vst v4;
	v4 =	vld [tilespmem:s13+$0xE0]  }
0x13d: {  	v3 =	vadd.f32 v5, v3;
	v5 =	vld [tilespmem:s18+$0xE0]  }
0x13e: {  	v7 =	vld [tilespmem:s13+$0xFFFFFF60]  }
0x13f: {  	[tilespmem:s13+$0xFFFFFFD0] =	vst v3;
	v3 =	vld [tilespmem:s13+$0xFFFFFFE0];
	v1 =	vadd.f32 v2, v1  }
0x140: {  	v2 =	vadd.f32 v6, v8;
	v6 =	vld [tilespmem:s18+$0xFFFFFFE0]  }
0x141: {  	[tilespmem:s13+$0x50] =	vst v1;
	v8 =	vld [tilespmem:s13+$0x60]  }
0x142: {  	[tilespmem:s13+$0xFFFFFF50] =	vst v2;
	v9 =	vld [tilespmem:s18+$0x60];
	v1 =	vadd.f32 v5, v4  }
0x143: {  	v4 =	vld [tilespmem:s18+$0xFFFFFF60]  }
0x144: {  	[tilespmem:s13+$0xE0] =	vst v1;
	v10 =	vld [tilespmem:s13+$0xF0]  }
0x145: {  	v2 =	vadd.f32 v6, v3;
	v6 =	vld [tilespmem:s18+$0xF0]  }
0x146: {  	v1 =	vld [tilespmem:s13+$0xFFFFFF70]  }
.Ltmp1:
0x147: {  	[tilespmem:s13+$0xFFFFFFE0] =	vst v2;
	v2 =	vld [tilespmem:s13+$0xFFFFFFF0];
	v3 =	vadd.f32 v9, v8;
	(pc) =	sbr.rel @p0 .LBB2_5-.Ltmp1, $4  }
0x148: {  	v5 =	vadd.f32 v4, v7;
	v4 =	vld [tilespmem:s18+$0xFFFFFFF0]  }
0x149: {  	[tilespmem:s13+$0x60] =	vst v3;
	v3 =	vld [tilespmem:s13+$0x70]  }
0x14a: {  	[tilespmem:s13+$0xFFFFFF60] =	vst v5;
	v5 =	vld [tilespmem:s18+$0x70];
	v7 =	vadd.f32 v6, v10  }
0x14b: {  	s13 =	sadd.s32 $0x200, s13;
	v6 =	vld [tilespmem:s18+$0xFFFFFF70]  }
0x14c: {  	_ =	sdelay $0x1  }
0x14d: {  	v2 =	vadd.f32 v4, v2  }
0x14e: {  	[tilespmem:s0+$0xF0] =	vst v7;
	v3 =	vadd.f32 v5, v3  }
0x14f: {  	s13 =	sadd.s32 s1, s9;
	[tilespmem:s0+$0xFFFFFFF0] =	vst v2;
	v1 =	vadd.f32 v6, v1  }
0x150: {  	s13 =	sshll.u32 s13, $0x4;
	[tilespmem:s0+$0x70] =	vst v3  }
0x151: {  	s19 =	sadd.s32 s2, s13;
	[tilespmem:s0+$0xFFFFFF70] =	vst v1  }
0x152: {  	[hbm4b:s19+s3] =	stream.linear.scatter [tilespmem:s17], [sflag:$0x5], $0x4000, $0x38;
	[tilespmem:$0x1CF00] =	vst v63  }
0x153: {  	_ =	swait.ge [sflag:s24], $0x4000  }
0x154: {  	[sflag:s24] =	ssyncset.done $0x0  }
0x155: {  	[sflag:s24] =	ssyncadd.s32 $0xFFFFC000  }
0x156: {  	_ =	swait.ge [sflag:s24], $0x4000  }
0x157: {  	p0 =	seq.s32 s30, $0x19;
	[sflag:s24] =	ssyncset.done $0x0  }
0x158: {  	s0 =	simm.s32 @!p0 $0x5;
	[sflag:s24] =	ssyncadd.s32 $0xFFFFC000  }
0x159: {  	_ =	swait.ge @!p0 [sflag:s0], $0x4000  }
0x15a: {  	s18 =	simm.s32 @!p0 $0xCF00;
	[sflag:s0] =	ssyncset.done @!p0 $0x0  }
0x15b: {  	s13 =	simm.s32 @!p0 $0x80;
	[sflag:s0] =	ssyncadd.s32 @!p0 $0xFFFFC000;
	s0 =	sadd.s32 @!p0 $0x200, s1  }
0x15c: {  	[tilespmem:s18], [sflag:$0x2] =	stream.indirect.gather @!p0 [hbm4b:s6+s13], $0x80, s0, s13, $0xb8;
	[tilespmem:$0x1CF00] =	vst v63  }
0x15d: {  	s0 =	sadd.s32 @!p0 $0x2980, s1;
	s1 =	simm.s32 @!p0 $0x10F00  }
0x15e: {  	[tilespmem:s1], [sflag:$0x2] =	stream.indirect.gather @!p0 [hbm4b:s6+s13], $0x80, s0, s13, $0xb8;
	[tilespmem:$0x1CF00] =	vst v63  }
0x15f: {  	s0 =	simm.s32 $0x15000  }
0x160: {  	s1 =	simm.s32 $0x19000;
	v1 =	vld [tilespmem:s0+$0x80]  }
0x161: {  	v2 =	vld [tilespmem:s1+$0x80]  }
0x162: {  	v3 =	vld [tilespmem:s0+$0xFFFFFF80]  }
0x163: {  	v4 =	vld [tilespmem:s1+$0xFFFFFF80]  }
0x164: {  	v5 =	vld [tilespmem:s0+$0x0]  }
0x165: {  	v6 =	vld [tilespmem:s1+$0x0]  }
0x166: {  	v7 =	vld [tilespmem:s0+$0xFFFFFF00];
	v1 =	vadd.f32 v2, v1  }
0x167: {  	v2 =	vld [tilespmem:s1+$0xFFFFFF00]  }
0x168: {  	[tilespmem:s0+$0x80] =	vst v1;
	v1 =	vld [tilespmem:s0+$0x90]  }
0x169: {  	v3 =	vadd.f32 v4, v3;
	v4 =	vld [tilespmem:s1+$0x90]  }
0x16a: {  	v8 =	vld [tilespmem:s0+$0xFFFFFF10]  }
0x16b: {  	[tilespmem:s0+$0xFFFFFF80] =	vst v3;
	v3 =	vadd.f32 v6, v5;
	v5 =	vld [tilespmem:s0+$0xFFFFFF90]  }
0x16c: {  	v6 =	vld [tilespmem:s1+$0xFFFFFF90];
	v2 =	vadd.f32 v2, v7  }
0x16d: {  	[tilespmem:s0+$0x0] =	vst v3;
	v3 =	vld [tilespmem:s0+$0x10]  }
0x16e: {  	v7 =	vld [tilespmem:s1+$0x10];
	[tilespmem:s0+$0xFFFFFF00] =	vst v2;
	v1 =	vadd.f32 v4, v1  }
0x16f: {  	v2 =	vld [tilespmem:s1+$0xFFFFFF10]  }
0x170: {  	[tilespmem:s0+$0x90] =	vst v1;
	v1 =	vld [tilespmem:s0+$0xA0]  }
0x171: {  	v4 =	vadd.f32 v6, v5;
	v5 =	vld [tilespmem:s1+$0xA0]  }
0x172: {  	v6 =	vld [tilespmem:s0+$0xFFFFFF20]  }
0x173: {  	[tilespmem:s0+$0xFFFFFF90] =	vst v4;
	v3 =	vadd.f32 v7, v3;
	v4 =	vld [tilespmem:s0+$0xFFFFFFA0]  }
0x174: {  	v7 =	vld [tilespmem:s1+$0xFFFFFFA0];
	v2 =	vadd.f32 v2, v8  }
0x175: {  	[tilespmem:s0+$0x10] =	vst v3;
	v3 =	vld [tilespmem:s0+$0x20]  }
0x176: {  	v8 =	vld [tilespmem:s1+$0x20];
	[tilespmem:s0+$0xFFFFFF10] =	vst v2;
	v1 =	vadd.f32 v5, v1  }
0x177: {  	v2 =	vld [tilespmem:s1+$0xFFFFFF20]  }
0x178: {  	[tilespmem:s0+$0xA0] =	vst v1;
	v1 =	vld [tilespmem:s0+$0xB0]  }
0x179: {  	v4 =	vadd.f32 v7, v4;
	v5 =	vld [tilespmem:s1+$0xB0]  }
0x17a: {  	v7 =	vld [tilespmem:s0+$0xFFFFFF30]  }
0x17b: {  	[tilespmem:s0+$0xFFFFFFA0] =	vst v4;
	v3 =	vadd.f32 v8, v3;
	v4 =	vld [tilespmem:s0+$0xFFFFFFB0]  }
0x17c: {  	v8 =	vld [tilespmem:s1+$0xFFFFFFB0];
	v2 =	vadd.f32 v2, v6  }
0x17d: {  	[tilespmem:s0+$0x20] =	vst v3;
	v3 =	vld [tilespmem:s0+$0x30]  }
0x17e: {  	v6 =	vld [tilespmem:s1+$0x30];
	[tilespmem:s0+$0xFFFFFF20] =	vst v2;
	v1 =	vadd.f32 v5, v1  }
0x17f: {  	v2 =	vld [tilespmem:s1+$0xFFFFFF30]  }
0x180: {  	[tilespmem:s0+$0xB0] =	vst v1;
	v1 =	vld [tilespmem:s0+$0xC0]  }
0x181: {  	v4 =	vadd.f32 v8, v4;
	v5 =	vld [tilespmem:s1+$0xC0]  }
0x182: {  	v8 =	vld [tilespmem:s0+$0xFFFFFF40]  }
0x183: {  	[tilespmem:s0+$0xFFFFFFB0] =	vst v4;
	v3 =	vadd.f32 v6, v3;
	v4 =	vld [tilespmem:s0+$0xFFFFFFC0]  }
0x184: {  	v6 =	vld [tilespmem:s1+$0xFFFFFFC0];
	v2 =	vadd.f32 v2, v7  }
0x185: {  	[tilespmem:s0+$0x30] =	vst v3;
	v3 =	vld [tilespmem:s0+$0x40]  }
0x186: {  	v7 =	vld [tilespmem:s1+$0x40];
	[tilespmem:s0+$0xFFFFFF30] =	vst v2;
	v1 =	vadd.f32 v5, v1  }
0x187: {  	v2 =	vld [tilespmem:s1+$0xFFFFFF40]  }
0x188: {  	[tilespmem:s0+$0xC0] =	vst v1;
	v1 =	vld [tilespmem:s0+$0xD0]  }
0x189: {  	v4 =	vadd.f32 v6, v4;
	v5 =	vld [tilespmem:s1+$0xD0]  }
0x18a: {  	v6 =	vld [tilespmem:s0+$0xFFFFFF50]  }
0x18b: {  	[tilespmem:s0+$0xFFFFFFC0] =	vst v4;
	v3 =	vadd.f32 v7, v3;
	v4 =	vld [tilespmem:s0+$0xFFFFFFD0]  }
0x18c: {  	v7 =	vld [tilespmem:s1+$0xFFFFFFD0];
	v2 =	vadd.f32 v2, v8  }
0x18d: {  	[tilespmem:s0+$0x40] =	vst v3;
	v3 =	vld [tilespmem:s0+$0x50]  }
0x18e: {  	v8 =	vld [tilespmem:s1+$0x50];
	[tilespmem:s0+$0xFFFFFF40] =	vst v2;
	v1 =	vadd.f32 v5, v1  }
0x18f: {  	v2 =	vld [tilespmem:s1+$0xFFFFFF50]  }
0x190: {  	[tilespmem:s0+$0xD0] =	vst v1;
	v1 =	vld [tilespmem:s0+$0xE0]  }
0x191: {  	v4 =	vadd.f32 v7, v4;
	v5 =	vld [tilespmem:s1+$0xE0]  }
0x192: {  	v7 =	vld [tilespmem:s0+$0xFFFFFF60]  }
0x193: {  	[tilespmem:s0+$0xFFFFFFD0] =	vst v4;
	v3 =	vadd.f32 v8, v3;
	v4 =	vld [tilespmem:s0+$0xFFFFFFE0]  }
0x194: {  	v8 =	vld [tilespmem:s1+$0xFFFFFFE0];
	v2 =	vadd.f32 v2, v6  }
0x195: {  	[tilespmem:s0+$0x50] =	vst v3;
	v3 =	vld [tilespmem:s0+$0x60]  }
0x196: {  	v6 =	vld [tilespmem:s1+$0x60];
	[tilespmem:s0+$0xFFFFFF50] =	vst v2;
	v1 =	vadd.f32 v5, v1  }
0x197: {  	v5 =	vld [tilespmem:s1+$0xFFFFFF60]  }
0x198: {  	v9 =	vld [tilespmem:s0+$0xF0];
	[tilespmem:s0+$0xE0] =	vst v1  }
0x199: {  	v2 =	vadd.f32 v8, v4;
	v8 =	vld [tilespmem:s1+$0xF0]  }
0x19a: {  	v1 =	vld [tilespmem:s0+$0xFFFFFF70]  }
0x19b: {  	[tilespmem:s0+$0xFFFFFFE0] =	vst v2;
	v3 =	vadd.f32 v6, v3;
	v2 =	vld [tilespmem:s0+$0xFFFFFFF0]  }
0x19c: {  	v4 =	vld [tilespmem:s1+$0xFFFFFFF0];
	v5 =	vadd.f32 v5, v7  }
0x19d: {  	[tilespmem:s0+$0x60] =	vst v3;
	v3 =	vld [tilespmem:s0+$0x70]  }
0x19e: {  	[tilespmem:s0+$0xFFFFFF60] =	vst v5;
	v5 =	vld [tilespmem:s1+$0x70];
	v7 =	vadd.f32 v8, v9  }
0x19f: {  	s18 =	simm.s32 $0x0;
	s13 =	simm.s32 $0x15200;
	v6 =	vld [tilespmem:s1+$0xFFFFFF70]  }
.LBB2_7:
0x1a0: {  	v8 =	vld [tilespmem:s13+$0x80];
	[tilespmem:s0+$0xF0] =	vst v7;
	s1 =	sadd.s32 $0x200, s1  }
0x1a1: {  	s18 =	sadd.s32 $0x4, s18;
	v7 =	vld [tilespmem:s1+$0x80];
	v2 =	vadd.f32 v4, v2  }
0x1a2: {  	p0 =	slt.u32 s18, $0x7C;
	v4 =	vld [tilespmem:s1+$0xFFFFFF00]  }
0x1a3: {  	v9 =	vld [tilespmem:s13+$0xFFFFFF80];
	[tilespmem:s0+$0xFFFFFFF0] =	vst v2;
	v2 =	vadd.f32 v5, v3  }
0x1a4: {  	v3 =	vld [tilespmem:s1+$0xFFFFFF80];
	v1 =	vadd.f32 v6, v1  }
0x1a5: {  	v5 =	vld [tilespmem:s13+$0x0];
	[tilespmem:s0+$0x70] =	vst v2  }
0x1a6: {  	v2 =	vld [tilespmem:s1+$0x0];
	v6 =	vadd.f32 v7, v8;
	[tilespmem:s0+$0xFFFFFF70] =	vst v1;
	s0 =	smov.u32 s13  }
0x1a7: {  	v1 =	vld [tilespmem:s13+$0xFFFFFF00]  }
0x1a8: {  	[tilespmem:s13+$0x80] =	vst v6;
	v6 =	vld [tilespmem:s13+$0x90]  }
0x1a9: {  	v3 =	vadd.f32 v3, v9;
	v7 =	vld [tilespmem:s1+$0x90]  }
0x1aa: {  	v8 =	vld [tilespmem:s13+$0xFFFFFF10]  }
0x1ab: {  	[tilespmem:s13+$0xFFFFFF80] =	vst v3;
	v3 =	vld [tilespmem:s13+$0xFFFFFF90];
	v2 =	vadd.f32 v2, v5  }
0x1ac: {  	v1 =	vadd.f32 v4, v1;
	v4 =	vld [tilespmem:s1+$0xFFFFFF90]  }
0x1ad: {  	[tilespmem:s13+$0x0] =	vst v2;
	v2 =	vld [tilespmem:s13+$0x10]  }
0x1ae: {  	[tilespmem:s13+$0xFFFFFF00] =	vst v1;
	v1 =	vld [tilespmem:s1+$0x10];
	v5 =	vadd.f32 v7, v6  }
0x1af: {  	v6 =	vld [tilespmem:s1+$0xFFFFFF10]  }
0x1b0: {  	[tilespmem:s13+$0x90] =	vst v5;
	v5 =	vld [tilespmem:s13+$0xA0]  }
0x1b1: {  	v3 =	vadd.f32 v4, v3;
	v4 =	vld [tilespmem:s1+$0xA0]  }
0x1b2: {  	v7 =	vld [tilespmem:s13+$0xFFFFFF20]  }
0x1b3: {  	[tilespmem:s13+$0xFFFFFF90] =	vst v3;
	v3 =	vld [tilespmem:s13+$0xFFFFFFA0];
	v1 =	vadd.f32 v1, v2  }
0x1b4: {  	v2 =	vadd.f32 v6, v8;
	v6 =	vld [tilespmem:s1+$0xFFFFFFA0]  }
0x1b5: {  	[tilespmem:s13+$0x10] =	vst v1;
	v1 =	vld [tilespmem:s13+$0x20]  }
0x1b6: {  	[tilespmem:s13+$0xFFFFFF10] =	vst v2;
	v2 =	vld [tilespmem:s1+$0x20];
	v4 =	vadd.f32 v4, v5  }
0x1b7: {  	v5 =	vld [tilespmem:s1+$0xFFFFFF20]  }
0x1b8: {  	[tilespmem:s13+$0xA0] =	vst v4;
	v4 =	vld [tilespmem:s13+$0xB0]  }
0x1b9: {  	v3 =	vadd.f32 v6, v3;
	v6 =	vld [tilespmem:s1+$0xB0]  }
0x1ba: {  	v8 =	vld [tilespmem:s13+$0xFFFFFF30]  }
0x1bb: {  	[tilespmem:s13+$0xFFFFFFA0] =	vst v3;
	v3 =	vld [tilespmem:s13+$0xFFFFFFB0];
	v1 =	vadd.f32 v2, v1  }
0x1bc: {  	v2 =	vadd.f32 v5, v7;
	v5 =	vld [tilespmem:s1+$0xFFFFFFB0]  }
0x1bd: {  	[tilespmem:s13+$0x20] =	vst v1;
	v1 =	vld [tilespmem:s13+$0x30]  }
0x1be: {  	[tilespmem:s13+$0xFFFFFF20] =	vst v2;
	v2 =	vld [tilespmem:s1+$0x30];
	v4 =	vadd.f32 v6, v4  }
0x1bf: {  	v6 =	vld [tilespmem:s1+$0xFFFFFF30]  }
0x1c0: {  	[tilespmem:s13+$0xB0] =	vst v4;
	v4 =	vld [tilespmem:s13+$0xC0]  }
0x1c1: {  	v3 =	vadd.f32 v5, v3;
	v5 =	vld [tilespmem:s1+$0xC0]  }
0x1c2: {  	v7 =	vld [tilespmem:s13+$0xFFFFFF40]  }
0x1c3: {  	[tilespmem:s13+$0xFFFFFFB0] =	vst v3;
	v3 =	vld [tilespmem:s13+$0xFFFFFFC0];
	v1 =	vadd.f32 v2, v1  }
0x1c4: {  	v2 =	vadd.f32 v6, v8;
	v6 =	vld [tilespmem:s1+$0xFFFFFFC0]  }
0x1c5: {  	[tilespmem:s13+$0x30] =	vst v1;
	v1 =	vld [tilespmem:s13+$0x40]  }
0x1c6: {  	[tilespmem:s13+$0xFFFFFF30] =	vst v2;
	v2 =	vld [tilespmem:s1+$0x40];
	v4 =	vadd.f32 v5, v4  }
0x1c7: {  	v5 =	vld [tilespmem:s1+$0xFFFFFF40]  }
0x1c8: {  	[tilespmem:s13+$0xC0] =	vst v4;
	v4 =	vld [tilespmem:s13+$0xD0]  }
0x1c9: {  	v3 =	vadd.f32 v6, v3;
	v6 =	vld [tilespmem:s1+$0xD0]  }
0x1ca: {  	v8 =	vld [tilespmem:s13+$0xFFFFFF50]  }
0x1cb: {  	[tilespmem:s13+$0xFFFFFFC0] =	vst v3;
	v3 =	vld [tilespmem:s13+$0xFFFFFFD0];
	v1 =	vadd.f32 v2, v1  }
0x1cc: {  	v2 =	vadd.f32 v5, v7;
	v5 =	vld [tilespmem:s1+$0xFFFFFFD0]  }
0x1cd: {  	[tilespmem:s13+$0x40] =	vst v1;
	v1 =	vld [tilespmem:s13+$0x50]  }
0x1ce: {  	[tilespmem:s13+$0xFFFFFF40] =	vst v2;
	v2 =	vld [tilespmem:s1+$0x50];
	v4 =	vadd.f32 v6, v4  }
0x1cf: {  	v6 =	vld [tilespmem:s1+$0xFFFFFF50]  }
0x1d0: {  	[tilespmem:s13+$0xD0] =	vst v4;
	v4 =	vld [tilespmem:s13+$0xE0]  }
0x1d1: {  	v3 =	vadd.f32 v5, v3;
	v5 =	vld [tilespmem:s1+$0xE0]  }
0x1d2: {  	v7 =	vld [tilespmem:s13+$0xFFFFFF60]  }
0x1d3: {  	[tilespmem:s13+$0xFFFFFFD0] =	vst v3;
	v3 =	vld [tilespmem:s13+$0xFFFFFFE0];
	v1 =	vadd.f32 v2, v1  }
0x1d4: {  	v2 =	vadd.f32 v6, v8;
	v6 =	vld [tilespmem:s1+$0xFFFFFFE0]  }
0x1d5: {  	[tilespmem:s13+$0x50] =	vst v1;
	v8 =	vld [tilespmem:s13+$0x60]  }
0x1d6: {  	[tilespmem:s13+$0xFFFFFF50] =	vst v2;
	v9 =	vld [tilespmem:s1+$0x60];
	v1 =	vadd.f32 v5, v4  }
0x1d7: {  	v4 =	vld [tilespmem:s1+$0xFFFFFF60]  }
0x1d8: {  	[tilespmem:s13+$0xE0] =	vst v1;
	v10 =	vld [tilespmem:s13+$0xF0]  }
0x1d9: {  	v2 =	vadd.f32 v6, v3;
	v6 =	vld [tilespmem:s1+$0xF0]  }
0x1da: {  	v1 =	vld [tilespmem:s13+$0xFFFFFF70]  }
.Ltmp2:
0x1db: {  	[tilespmem:s13+$0xFFFFFFE0] =	vst v2;
	v2 =	vld [tilespmem:s13+$0xFFFFFFF0];
	v3 =	vadd.f32 v9, v8;
	(pc) =	sbr.rel @p0 .LBB2_7-.Ltmp2, $4  }
0x1dc: {  	v5 =	vadd.f32 v4, v7;
	v4 =	vld [tilespmem:s1+$0xFFFFFFF0]  }
0x1dd: {  	[tilespmem:s13+$0x60] =	vst v3;
	v3 =	vld [tilespmem:s13+$0x70]  }
0x1de: {  	[tilespmem:s13+$0xFFFFFF60] =	vst v5;
	v5 =	vld [tilespmem:s1+$0x70];
	v7 =	vadd.f32 v6, v10  }
0x1df: {  	s13 =	sadd.s32 $0x200, s13;
	v6 =	vld [tilespmem:s1+$0xFFFFFF70]  }
0x1e0: {  	_ = 	snop  }
0x1e1: {  	s30 =	sadd.s32 $0x1, s30  }
0x1e2: {  	v2 =	vadd.f32 v4, v2;
	p0 =	sne.s32 s30, $0x1A  }
.Ltmp3:
0x1e3: {  	[tilespmem:s0+$0xF0] =	vst v7;
	s1 =	sshll.u32 s31, $0xE;
	v3 =	vadd.f32 v5, v3;
	(pc) =	sbr.rel @p0 .LBB2_2-.Ltmp3, $4  }
0x1e4: {  	s1 =	sadd.s32 s5, s1;
	[tilespmem:s0+$0xFFFFFFF0] =	vst v2;
	v1 =	vadd.f32 v6, v1  }
0x1e5: {  	s1 =	sshrl.u32 s1, $0x3;
	[tilespmem:s0+$0x70] =	vst v3  }
0x1e6: {  	s31 =	sadd.s32 s2, s1;
	[tilespmem:s0+$0xFFFFFF70] =	vst v1  }
0x1e7: {  	[hbm4b:s31+s3] =	stream.linear.scatter [tilespmem:s20], [sflag:$0x6], $0x4000, $0x38;
	[tilespmem:$0x1CF00] =	vst v63  }
0x1e8: {  	_ =	swait.ge [sflag:s25], $0x4000  }
0x1e9: {  	[sflag:s25] =	ssyncset.done $0x0  }
0x1ea: {  	[sflag:s25] =	ssyncadd.s32 $0xFFFFC000  }
0x1eb: {  	_ =	swait.ge [sflag:s26], $0x4000  }
0x1ec: {  	[sflag:s26] =	ssyncset.done $0x0  }
0x1ed: {  	[sflag:s26] =	ssyncadd.s32 $0xFFFFC000  }
0x1ee: {  	_ =	swait.ge [sflag:s12], $0x4000  }
0x1ef: {  	[sflag:s12] =	ssyncset.done $0x0  }
0x1f0: {  	[sflag:s12] =	ssyncadd.s32 $0xFFFFC000  }
0x1f1: {  	_ =	swait.ge [sflag:s12], $0x4000  }
0x1f2: {  	[sflag:s12] =	ssyncset.done $0x0  }
0x1f3: {  	s0 =	simm.s32 $0x5000;
	[sflag:s12] =	ssyncadd.s32 $0xFFFFC000  }
0x1f4: {  	s1 =	simm.s32 $0x9000;
	v1 =	vld [tilespmem:s0+$0x80]  }
0x1f5: {  	v2 =	vld [tilespmem:s1+$0x80]  }
0x1f6: {  	v3 =	vld [tilespmem:s0+$0xFFFFFF80]  }
0x1f7: {  	v4 =	vld [tilespmem:s1+$0xFFFFFF80]  }
0x1f8: {  	v5 =	vld [tilespmem:s0+$0x0]  }
0x1f9: {  	v6 =	vld [tilespmem:s1+$0x0]  }
0x1fa: {  	v7 =	vld [tilespmem:s0+$0xFFFFFF00];
	v1 =	vadd.f32 v2, v1  }
0x1fb: {  	v2 =	vld [tilespmem:s1+$0xFFFFFF00]  }
0x1fc: {  	[tilespmem:s0+$0x80] =	vst v1;
	v1 =	vld [tilespmem:s0+$0x90]  }
0x1fd: {  	v3 =	vadd.f32 v4, v3;
	v4 =	vld [tilespmem:s1+$0x90]  }
0x1fe: {  	v8 =	vld [tilespmem:s0+$0xFFFFFF10]  }
0x1ff: {  	[tilespmem:s0+$0xFFFFFF80] =	vst v3;
	v3 =	vadd.f32 v6, v5;
	v5 =	vld [tilespmem:s0+$0xFFFFFF90]  }
0x200: {  	v6 =	vld [tilespmem:s1+$0xFFFFFF90];
	v2 =	vadd.f32 v2, v7  }
0x201: {  	[tilespmem:s0+$0x0] =	vst v3;
	v3 =	vld [tilespmem:s0+$0x10]  }
0x202: {  	v7 =	vld [tilespmem:s1+$0x10];
	[tilespmem:s0+$0xFFFFFF00] =	vst v2;
	v1 =	vadd.f32 v4, v1  }
0x203: {  	v2 =	vld [tilespmem:s1+$0xFFFFFF10]  }
0x204: {  	[tilespmem:s0+$0x90] =	vst v1;
	v1 =	vld [tilespmem:s0+$0xA0]  }
0x205: {  	v4 =	vadd.f32 v6, v5;
	v5 =	vld [tilespmem:s1+$0xA0]  }
0x206: {  	v6 =	vld [tilespmem:s0+$0xFFFFFF20]  }
0x207: {  	[tilespmem:s0+$0xFFFFFF90] =	vst v4;
	v3 =	vadd.f32 v7, v3;
	v4 =	vld [tilespmem:s0+$0xFFFFFFA0]  }
0x208: {  	v7 =	vld [tilespmem:s1+$0xFFFFFFA0];
	v2 =	vadd.f32 v2, v8  }
0x209: {  	[tilespmem:s0+$0x10] =	vst v3;
	v3 =	vld [tilespmem:s0+$0x20]  }
0x20a: {  	v8 =	vld [tilespmem:s1+$0x20];
	[tilespmem:s0+$0xFFFFFF10] =	vst v2;
	v1 =	vadd.f32 v5, v1  }
0x20b: {  	v2 =	vld [tilespmem:s1+$0xFFFFFF20]  }
0x20c: {  	[tilespmem:s0+$0xA0] =	vst v1;
	v1 =	vld [tilespmem:s0+$0xB0]  }
0x20d: {  	v4 =	vadd.f32 v7, v4;
	v5 =	vld [tilespmem:s1+$0xB0]  }
0x20e: {  	v7 =	vld [tilespmem:s0+$0xFFFFFF30]  }
0x20f: {  	[tilespmem:s0+$0xFFFFFFA0] =	vst v4;
	v3 =	vadd.f32 v8, v3;
	v4 =	vld [tilespmem:s0+$0xFFFFFFB0]  }
0x210: {  	v8 =	vld [tilespmem:s1+$0xFFFFFFB0];
	v2 =	vadd.f32 v2, v6  }
0x211: {  	[tilespmem:s0+$0x20] =	vst v3;
	v3 =	vld [tilespmem:s0+$0x30]  }
0x212: {  	v6 =	vld [tilespmem:s1+$0x30];
	[tilespmem:s0+$0xFFFFFF20] =	vst v2;
	v1 =	vadd.f32 v5, v1  }
0x213: {  	v2 =	vld [tilespmem:s1+$0xFFFFFF30]  }
0x214: {  	[tilespmem:s0+$0xB0] =	vst v1;
	v1 =	vld [tilespmem:s0+$0xC0]  }
0x215: {  	v4 =	vadd.f32 v8, v4;
	v5 =	vld [tilespmem:s1+$0xC0]  }
0x216: {  	v8 =	vld [tilespmem:s0+$0xFFFFFF40]  }
0x217: {  	[tilespmem:s0+$0xFFFFFFB0] =	vst v4;
	v3 =	vadd.f32 v6, v3;
	v4 =	vld [tilespmem:s0+$0xFFFFFFC0]  }
0x218: {  	v6 =	vld [tilespmem:s1+$0xFFFFFFC0];
	v2 =	vadd.f32 v2, v7  }
0x219: {  	[tilespmem:s0+$0x30] =	vst v3;
	v3 =	vld [tilespmem:s0+$0x40]  }
0x21a: {  	v7 =	vld [tilespmem:s1+$0x40];
	[tilespmem:s0+$0xFFFFFF30] =	vst v2;
	v1 =	vadd.f32 v5, v1  }
0x21b: {  	v2 =	vld [tilespmem:s1+$0xFFFFFF40]  }
0x21c: {  	[tilespmem:s0+$0xC0] =	vst v1;
	v1 =	vld [tilespmem:s0+$0xD0]  }
0x21d: {  	v4 =	vadd.f32 v6, v4;
	v5 =	vld [tilespmem:s1+$0xD0]  }
0x21e: {  	v6 =	vld [tilespmem:s0+$0xFFFFFF50]  }
0x21f: {  	[tilespmem:s0+$0xFFFFFFC0] =	vst v4;
	v3 =	vadd.f32 v7, v3;
	v4 =	vld [tilespmem:s0+$0xFFFFFFD0]  }
0x220: {  	v7 =	vld [tilespmem:s1+$0xFFFFFFD0];
	v2 =	vadd.f32 v2, v8  }
0x221: {  	[tilespmem:s0+$0x40] =	vst v3;
	v3 =	vld [tilespmem:s0+$0x50]  }
0x222: {  	v8 =	vld [tilespmem:s1+$0x50];
	[tilespmem:s0+$0xFFFFFF40] =	vst v2;
	v1 =	vadd.f32 v5, v1  }
0x223: {  	v2 =	vld [tilespmem:s1+$0xFFFFFF50]  }
0x224: {  	[tilespmem:s0+$0xD0] =	vst v1;
	v1 =	vld [tilespmem:s0+$0xE0]  }
0x225: {  	v4 =	vadd.f32 v7, v4;
	v5 =	vld [tilespmem:s1+$0xE0]  }
0x226: {  	v7 =	vld [tilespmem:s0+$0xFFFFFF60]  }
0x227: {  	[tilespmem:s0+$0xFFFFFFD0] =	vst v4;
	v3 =	vadd.f32 v8, v3;
	v4 =	vld [tilespmem:s0+$0xFFFFFFE0]  }
0x228: {  	v8 =	vld [tilespmem:s1+$0xFFFFFFE0];
	v2 =	vadd.f32 v2, v6  }
0x229: {  	[tilespmem:s0+$0x50] =	vst v3;
	v3 =	vld [tilespmem:s0+$0x60]  }
0x22a: {  	v6 =	vld [tilespmem:s1+$0x60];
	[tilespmem:s0+$0xFFFFFF50] =	vst v2;
	v1 =	vadd.f32 v5, v1  }
0x22b: {  	v5 =	vld [tilespmem:s1+$0xFFFFFF60]  }
0x22c: {  	v9 =	vld [tilespmem:s0+$0xF0];
	[tilespmem:s0+$0xE0] =	vst v1  }
0x22d: {  	v2 =	vadd.f32 v8, v4;
	v8 =	vld [tilespmem:s1+$0xF0]  }
0x22e: {  	v1 =	vld [tilespmem:s0+$0xFFFFFF70]  }
0x22f: {  	[tilespmem:s0+$0xFFFFFFE0] =	vst v2;
	v3 =	vadd.f32 v6, v3;
	v2 =	vld [tilespmem:s0+$0xFFFFFFF0]  }
0x230: {  	v4 =	vld [tilespmem:s1+$0xFFFFFFF0];
	v5 =	vadd.f32 v5, v7  }
0x231: {  	[tilespmem:s0+$0x60] =	vst v3;
	v3 =	vld [tilespmem:s0+$0x70]  }
0x232: {  	[tilespmem:s0+$0xFFFFFF60] =	vst v5;
	v5 =	vld [tilespmem:s1+$0x70];
	v7 =	vadd.f32 v8, v9  }
0x233: {  	s18 =	simm.s32 $0x0;
	s13 =	simm.s32 $0x5200;
	v6 =	vld [tilespmem:s1+$0xFFFFFF70]  }
.LBB2_10:
0x234: {  	v8 =	vld [tilespmem:s13+$0x80];
	[tilespmem:s0+$0xF0] =	vst v7;
	s1 =	sadd.s32 $0x200, s1  }
0x235: {  	s18 =	sadd.s32 $0x4, s18;
	v7 =	vld [tilespmem:s1+$0x80];
	v2 =	vadd.f32 v4, v2  }
0x236: {  	p0 =	slt.u32 s18, $0x7C;
	v4 =	vld [tilespmem:s1+$0xFFFFFF00]  }
0x237: {  	v9 =	vld [tilespmem:s13+$0xFFFFFF80];
	[tilespmem:s0+$0xFFFFFFF0] =	vst v2;
	v2 =	vadd.f32 v5, v3  }
0x238: {  	v3 =	vld [tilespmem:s1+$0xFFFFFF80];
	v1 =	vadd.f32 v6, v1  }
0x239: {  	v5 =	vld [tilespmem:s13+$0x0];
	[tilespmem:s0+$0x70] =	vst v2  }
0x23a: {  	v2 =	vld [tilespmem:s1+$0x0];
	v6 =	vadd.f32 v7, v8;
	[tilespmem:s0+$0xFFFFFF70] =	vst v1;
	s0 =	smov.u32 s13  }
0x23b: {  	v1 =	vld [tilespmem:s13+$0xFFFFFF00]  }
0x23c: {  	[tilespmem:s13+$0x80] =	vst v6;
	v6 =	vld [tilespmem:s13+$0x90]  }
0x23d: {  	v3 =	vadd.f32 v3, v9;
	v7 =	vld [tilespmem:s1+$0x90]  }
0x23e: {  	v8 =	vld [tilespmem:s13+$0xFFFFFF10]  }
0x23f: {  	[tilespmem:s13+$0xFFFFFF80] =	vst v3;
	v3 =	vld [tilespmem:s13+$0xFFFFFF90];
	v2 =	vadd.f32 v2, v5  }
0x240: {  	v1 =	vadd.f32 v4, v1;
	v4 =	vld [tilespmem:s1+$0xFFFFFF90]  }
0x241: {  	[tilespmem:s13+$0x0] =	vst v2;
	v2 =	vld [tilespmem:s13+$0x10]  }
0x242: {  	[tilespmem:s13+$0xFFFFFF00] =	vst v1;
	v1 =	vld [tilespmem:s1+$0x10];
	v5 =	vadd.f32 v7, v6  }
0x243: {  	v6 =	vld [tilespmem:s1+$0xFFFFFF10]  }
0x244: {  	[tilespmem:s13+$0x90] =	vst v5;
	v5 =	vld [tilespmem:s13+$0xA0]  }
0x245: {  	v3 =	vadd.f32 v4, v3;
	v4 =	vld [tilespmem:s1+$0xA0]  }
0x246: {  	v7 =	vld [tilespmem:s13+$0xFFFFFF20]  }
0x247: {  	[tilespmem:s13+$0xFFFFFF90] =	vst v3;
	v3 =	vld [tilespmem:s13+$0xFFFFFFA0];
	v1 =	vadd.f32 v1, v2  }
0x248: {  	v2 =	vadd.f32 v6, v8;
	v6 =	vld [tilespmem:s1+$0xFFFFFFA0]  }
0x249: {  	[tilespmem:s13+$0x10] =	vst v1;
	v1 =	vld [tilespmem:s13+$0x20]  }
0x24a: {  	[tilespmem:s13+$0xFFFFFF10] =	vst v2;
	v2 =	vld [tilespmem:s1+$0x20];
	v4 =	vadd.f32 v4, v5  }
0x24b: {  	v5 =	vld [tilespmem:s1+$0xFFFFFF20]  }
0x24c: {  	[tilespmem:s13+$0xA0] =	vst v4;
	v4 =	vld [tilespmem:s13+$0xB0]  }
0x24d: {  	v3 =	vadd.f32 v6, v3;
	v6 =	vld [tilespmem:s1+$0xB0]  }
0x24e: {  	v8 =	vld [tilespmem:s13+$0xFFFFFF30]  }
0x24f: {  	[tilespmem:s13+$0xFFFFFFA0] =	vst v3;
	v3 =	vld [tilespmem:s13+$0xFFFFFFB0];
	v1 =	vadd.f32 v2, v1  }
0x250: {  	v2 =	vadd.f32 v5, v7;
	v5 =	vld [tilespmem:s1+$0xFFFFFFB0]  }
0x251: {  	[tilespmem:s13+$0x20] =	vst v1;
	v1 =	vld [tilespmem:s13+$0x30]  }
0x252: {  	[tilespmem:s13+$0xFFFFFF20] =	vst v2;
	v2 =	vld [tilespmem:s1+$0x30];
	v4 =	vadd.f32 v6, v4  }
0x253: {  	v6 =	vld [tilespmem:s1+$0xFFFFFF30]  }
0x254: {  	[tilespmem:s13+$0xB0] =	vst v4;
	v4 =	vld [tilespmem:s13+$0xC0]  }
0x255: {  	v3 =	vadd.f32 v5, v3;
	v5 =	vld [tilespmem:s1+$0xC0]  }
0x256: {  	v7 =	vld [tilespmem:s13+$0xFFFFFF40]  }
0x257: {  	[tilespmem:s13+$0xFFFFFFB0] =	vst v3;
	v3 =	vld [tilespmem:s13+$0xFFFFFFC0];
	v1 =	vadd.f32 v2, v1  }
0x258: {  	v2 =	vadd.f32 v6, v8;
	v6 =	vld [tilespmem:s1+$0xFFFFFFC0]  }
0x259: {  	[tilespmem:s13+$0x30] =	vst v1;
	v1 =	vld [tilespmem:s13+$0x40]  }
0x25a: {  	[tilespmem:s13+$0xFFFFFF30] =	vst v2;
	v2 =	vld [tilespmem:s1+$0x40];
	v4 =	vadd.f32 v5, v4  }
0x25b: {  	v5 =	vld [tilespmem:s1+$0xFFFFFF40]  }
0x25c: {  	[tilespmem:s13+$0xC0] =	vst v4;
	v4 =	vld [tilespmem:s13+$0xD0]  }
0x25d: {  	v3 =	vadd.f32 v6, v3;
	v6 =	vld [tilespmem:s1+$0xD0]  }
0x25e: {  	v8 =	vld [tilespmem:s13+$0xFFFFFF50]  }
0x25f: {  	[tilespmem:s13+$0xFFFFFFC0] =	vst v3;
	v3 =	vld [tilespmem:s13+$0xFFFFFFD0];
	v1 =	vadd.f32 v2, v1  }
0x260: {  	v2 =	vadd.f32 v5, v7;
	v5 =	vld [tilespmem:s1+$0xFFFFFFD0]  }
0x261: {  	[tilespmem:s13+$0x40] =	vst v1;
	v1 =	vld [tilespmem:s13+$0x50]  }
0x262: {  	[tilespmem:s13+$0xFFFFFF40] =	vst v2;
	v2 =	vld [tilespmem:s1+$0x50];
	v4 =	vadd.f32 v6, v4  }
0x263: {  	v6 =	vld [tilespmem:s1+$0xFFFFFF50]  }
0x264: {  	[tilespmem:s13+$0xD0] =	vst v4;
	v4 =	vld [tilespmem:s13+$0xE0]  }
0x265: {  	v3 =	vadd.f32 v5, v3;
	v5 =	vld [tilespmem:s1+$0xE0]  }
0x266: {  	v7 =	vld [tilespmem:s13+$0xFFFFFF60]  }
0x267: {  	[tilespmem:s13+$0xFFFFFFD0] =	vst v3;
	v3 =	vld [tilespmem:s13+$0xFFFFFFE0];
	v1 =	vadd.f32 v2, v1  }
0x268: {  	v2 =	vadd.f32 v6, v8;
	v6 =	vld [tilespmem:s1+$0xFFFFFFE0]  }
0x269: {  	[tilespmem:s13+$0x50] =	vst v1;
	v8 =	vld [tilespmem:s13+$0x60]  }
0x26a: {  	[tilespmem:s13+$0xFFFFFF50] =	vst v2;
	v9 =	vld [tilespmem:s1+$0x60];
	v1 =	vadd.f32 v5, v4  }
0x26b: {  	v4 =	vld [tilespmem:s1+$0xFFFFFF60]  }
0x26c: {  	[tilespmem:s13+$0xE0] =	vst v1;
	v10 =	vld [tilespmem:s13+$0xF0]  }
0x26d: {  	v2 =	vadd.f32 v6, v3;
	v6 =	vld [tilespmem:s1+$0xF0]  }
0x26e: {  	v1 =	vld [tilespmem:s13+$0xFFFFFF70]  }
.Ltmp4:
0x26f: {  	[tilespmem:s13+$0xFFFFFFE0] =	vst v2;
	v2 =	vld [tilespmem:s13+$0xFFFFFFF0];
	v3 =	vadd.f32 v9, v8;
	(pc) =	sbr.rel @p0 .LBB2_10-.Ltmp4, $4  }
0x270: {  	v5 =	vadd.f32 v4, v7;
	v4 =	vld [tilespmem:s1+$0xFFFFFFF0]  }
0x271: {  	[tilespmem:s13+$0x60] =	vst v3;
	v3 =	vld [tilespmem:s13+$0x70]  }
0x272: {  	[tilespmem:s13+$0xFFFFFF60] =	vst v5;
	v5 =	vld [tilespmem:s1+$0x70];
	v7 =	vadd.f32 v6, v10  }
0x273: {  	s13 =	sadd.s32 $0x200, s13;
	v6 =	vld [tilespmem:s1+$0xFFFFFF70]  }
0x274: {  	_ =	sdelay $0x1  }
0x275: {  	v2 =	vadd.f32 v4, v2  }
0x276: {  	[tilespmem:s0+$0xF0] =	vst v7;
	v3 =	vadd.f32 v5, v3  }
0x277: {  	s29 =	sadd.s32 $0x1, s29;
	[tilespmem:s0+$0xFFFFFFF0] =	vst v2;
	v1 =	vadd.f32 v6, v1  }
0x278: {  	p0 =	sne.s32 s29, s11;
	[tilespmem:s0+$0x70] =	vst v3  }
.Ltmp5:
0x279: {  	[tilespmem:s0+$0xFFFFFF70] =	vst v1;
	(pc) =	sbr.rel @p0 .LBB2_1-.Ltmp5, $4  }
0x27a: {  	[hbm4b:s10+s3] =	stream.linear.scatter [tilespmem:s15], [sflag:$0x7], $0x800, $0x38;
	[tilespmem:$0x1CF00] =	vst v63  }
0x27b: {  	_ =	swait.ge [sflag:s28], $0x800  }
0x27c: {  	[sflag:s28] =	ssyncset.done $0x0  }
0x27d: {  	[sflag:s28] =	ssyncadd.s32 $0xFFFFF800  }
0x27e: {  	_ =	sfence.sel $0x180000  }
0x27f: {  	[bflag:$0x0] =	sbarrier.arrive $0xFFFF  }
0x280: {  	_ =	strace $0x9000004A  }
0x281: {  	s0 =	stileid.u32;
	[bflag:$0x2] =	sbarrier.arrive $0xFFFF  }
0x282: {  	p0 =	sne.s32 s0, $0x0;
	s0 =	rddreg [dreg:$0x2]  }
0x283: {  	s0 =	sadd.s32 @!p0 $0x100000, s0  }
0x284: {  	[sflag:s0] =	ssyncadd.tile.s32 @!p0 $0x1;
	_ =	shalt  }
.Lfunc_end2:
_tile_overlayer_lowered:
.L_overlay_start_2:
0x285: {  	(tag) =	ssettag $0x2  }
0x286: {  	s0 =	rddreg [dreg:$0x0];
	s2 =	stileid.u32  }
0x287: {  	s1 =	rddreg [dreg:$0x1];
	p0 =	sne.s32 s2, $0x0  }
0x288: {  	s3 =	rddreg [dreg:$0x2];
	[bflag:$0x3] =	sbarrier.arrive $0xFFFF;
	s2 =	simm.s32 @!p0 $0x1C07  }
0x289: {  	[timem:s3], [sflag:s2] =	dma.local @!p0 [hbm:s0], s1  }
0x28a: {  	s0 =	simm.s32 @!p0 $0x7  }
0x28b: {  	_ =	swait.ge @!p0 [sflag:s0], s1  }
0x28c: {  	s1 =	ssub.s32 @!p0 $0x0, s1;
	[sflag:s0] =	ssyncset.done @!p0 $0x0  }
0x28d: {  	[sflag:s0] =	ssyncadd.s32 @!p0 s1  }
0x28e: {  	[bflag:$0x3] =	sbarrier.arrive $0xFFFF  }
0x28f: {  	_ =	shalt  }

</sc_bundles>
